<compile_context>
chip_gen: v7x
topology: tpu7x:2x2x1
jax: 0.10.2.dev20260603
libtpu: 0.0.44.dev20260713+nightly
codegen_flags: <defaults>
</compile_context>

<pallas_src>
import jax
import jax.numpy as jnp
from jax import lax
from jax.experimental import pallas as pl
from jax.experimental.pallas import tpu as pltpu
from jax.experimental.pallas import tpu_sc as plsc

N_SRC = 10000
N_DST = 10000
E = 320000
D = 128

NC = 2
NS = 16
NW = NC * NS
EPW = E // NW
K = 80
NCHUNK = EPW // K
ROWS_PT = 624
TAIL0 = NS * ROWS_PT
TAIL = N_DST - TAIL0


BLK_CH = 25
NBLK = NCHUNK // BLK_CH
BLK_E = BLK_CH * K


def _sc_body(x_hbm, src_hbm, dst_hbm, z128_hbm,
             agg_out, deg_out,
             src_blk, dst_blk, dst2d,
             rows_a, rows_b, rows_c, deg_l, agg_sh,
             gsem_a, gsem_b, gsem_c, bsem):
    c = lax.axis_index("c")
    s = lax.axis_index("s")
    wid = s * NC + c
    r0 = s * ROWS_PT
    rows = (rows_a, rows_b, rows_c)
    gsem = (gsem_a, gsem_b, gsem_c)

    pltpu.sync_copy(z128_hbm.at[pl.ds(0, ROWS_PT)], agg_sh.at[pl.ds(r0, ROWS_PT)])

    @pl.when(s == NS - 1)
    def _():
        pltpu.sync_copy(z128_hbm.at[pl.ds(0, TAIL)], agg_sh.at[pl.ds(TAIL0, TAIL)])

    def zero(i, carry):
        deg_l[pl.ds(i * 16, 16)] = jnp.zeros((16,), jnp.float32)
        return carry
    lax.fori_loop(0, N_DST // 16, zero, 0)

    plsc.subcore_barrier()

    ones = jnp.ones((16,), jnp.float32)

    def fire_blk(b):
        base = wid * EPW + b * BLK_E
        pltpu.async_copy(src_hbm.at[pl.ds(base, BLK_E)], src_blk, bsem)
        pltpu.async_copy(dst_hbm.at[pl.ds(base, BLK_E)], dst_blk, bsem)

    def drain_blk():
        pltpu.make_async_copy(src_hbm.at[pl.ds(0, BLK_E)], src_blk, bsem).wait()
        pltpu.make_async_copy(dst_hbm.at[pl.ds(0, BLK_E)], dst_blk, bsem).wait()

    def fire_g(local, q):
        pltpu.async_copy(x_hbm.at[src_blk.at[pl.ds(local * K, K)]],
                         rows[q], gsem[q])

    def drain_g(local, q):
        pltpu.make_async_copy(x_hbm.at[src_blk.at[pl.ds(local * K, K)]],
                              rows[q], gsem[q]).wait()

    def consume(local, q):
        def inner(j, c2):
            idx = dst_blk[pl.ds(local * K + j * 16, 16)]
            dst2d[0, pl.ds(j * 16, 16)] = idx
            plsc.addupdate_scatter(deg_l, [idx], ones)
            return c2
        lax.fori_loop(0, K // 16, inner, 0)
        pltpu.sync_copy(rows[q], agg_sh.at[dst2d.at[0]], add=True)

    fire_blk(0)
    drain_blk()
    fire_g(0, 0)
    fire_g(1, 1)

    for b in range(NBLK):
        def body(g, carry, b=b):
            for pp in (0, 1, 2):
                local = 3 * g + pp
                q = (b + pp) % 3
                drain_g(local, q)
                consume(local, q)

                @pl.when(local + 2 < BLK_CH)
                def _():
                    fire_g(local + 2, (q + 2) % 3)
            return carry
        lax.fori_loop(0, (BLK_CH - 1) // 3, body, 0)

        q_last = (b + BLK_CH - 1) % 3
        drain_g(BLK_CH - 1, q_last)
        consume(BLK_CH - 1, q_last)
        if b + 1 < NBLK:
            fire_blk(b + 1)
            drain_blk()
            fire_g(0, (b + 1) % 3)
            fire_g(1, (b + 2) % 3)

    plsc.subcore_barrier()

    pltpu.sync_copy(agg_sh.at[pl.ds(r0, ROWS_PT)], agg_out.at[c, pl.ds(r0, ROWS_PT)])

    @pl.when(s == NS - 1)
    def _():
        pltpu.sync_copy(agg_sh.at[pl.ds(TAIL0, TAIL)], agg_out.at[c, pl.ds(TAIL0, TAIL)])

    pltpu.sync_copy(deg_l, deg_out.at[pl.ds(wid * N_DST, N_DST)])


def _sc_aggregate(x_src, src, dst, z128):
    f = pl.kernel(
        _sc_body,
        out_type=[
            jax.ShapeDtypeStruct((NC, N_DST, D), jnp.float32),
            jax.ShapeDtypeStruct((NW * N_DST,), jnp.float32),
        ],
        mesh=plsc.VectorSubcoreMesh(core_axis_name="c", subcore_axis_name="s"),
        scratch_types=[
            pltpu.VMEM((BLK_E,), jnp.int32),
            pltpu.VMEM((BLK_E,), jnp.int32),
            pltpu.VMEM((1, K), jnp.int32),
            pltpu.VMEM((K, D), jnp.float32),
            pltpu.VMEM((K, D), jnp.float32),
            pltpu.VMEM((K, D), jnp.float32),
            pltpu.VMEM((N_DST,), jnp.float32),
            pltpu.VMEM_SHARED((N_DST, D), jnp.float32),
        ] + [pltpu.SemaphoreType.DMA] * 4,
        compiler_params=pltpu.CompilerParams(needs_layout_passes=False),
    )
    return f(x_src, src, dst, z128)


def _tc_body(p_ref, d_ref, xd_ref, ws_ref, wd_ref, wm_ref,
             bs_ref, bd_ref, bm_ref, o_ref):
    a = p_ref[0] + p_ref[1]
    deg = jnp.sum(d_ref[...], axis=1, keepdims=True)
    inv = 1.0 / jnp.maximum(deg, 1.0)
    scale = jnp.minimum(deg, 1.0)
    t = jnp.dot(a, ws_ref[...], preferred_element_type=jnp.float32)
    agg_n = t * inv + bs_ref[...] * scale
    out = (jnp.dot(agg_n, wm_ref[...], preferred_element_type=jnp.float32)
           + jnp.dot(xd_ref[...], wd_ref[...], preferred_element_type=jnp.float32)
           + bm_ref[...] + bd_ref[...])
    o_ref[...] = jnp.maximum(out, 0.0)


def _tc_finish(parts, deg_nt, x_dst, ws_t, wd_t, wm_t, bs, bd, bm):
    B = 1000
    return pl.pallas_call(
        _tc_body,
        grid=(N_DST // B,),
        in_specs=[
            pl.BlockSpec((NC, B, D), lambda i: (0, i, 0)),
            pl.BlockSpec((B, NW), lambda i: (i, 0)),
            pl.BlockSpec((B, D), lambda i: (i, 0)),
            pl.BlockSpec((D, D), lambda i: (0, 0)),
            pl.BlockSpec((D, D), lambda i: (0, 0)),
            pl.BlockSpec((D, D), lambda i: (0, 0)),
            pl.BlockSpec((1, D), lambda i: (0, 0)),
            pl.BlockSpec((1, D), lambda i: (0, 0)),
            pl.BlockSpec((1, D), lambda i: (0, 0)),
        ],
        out_specs=pl.BlockSpec((B, D), lambda i: (i, 0)),
        out_shape=jax.ShapeDtypeStruct((N_DST, D), jnp.float32),
    )(parts, deg_nt, x_dst, ws_t, wd_t, wm_t, bs, bd, bm)


def kernel(x_src, x_dst, edge_index, W_src, b_src, W_dst, b_dst, W_m, b_m):
    src = edge_index[0]
    dst = edge_index[1]
    z128 = jnp.zeros((ROWS_PT, D), jnp.float32)
    parts, deg_flat = _sc_aggregate(x_src, src, dst, z128)
    deg_nt = deg_flat.reshape(NW, N_DST).T
    return _tc_finish(parts, deg_nt, x_dst, W_src.T, W_dst.T, W_m.T,
                      b_src[None, :], b_dst[None, :], b_m[None, :])

# --- scband reference (transcript-rebuilt; emitter-appended) ---
"""Pipeline reference for scband-rel-sageconv-16423954940677 (READ-ONLY COPY).

The authoritative reference and input builder live on the scoring server;
editing this copy changes nothing except your own understanding.
"""

import jax, jax.numpy as jnp
import numpy as np

N_SRC = 10000
N_DST = 10000
E = 320000
D_IN = 128
D_OUT = 128


def setup_inputs(seed: int = 0) -> dict:
    key = jax.random.key(seed)
    ks = jax.random.split(key, 9)
    x_src = jax.random.normal(ks[0], (N_SRC, D_IN), dtype=jnp.float32)
    x_dst = jax.random.normal(ks[1], (N_DST, D_IN), dtype=jnp.float32)
    edge_index = jax.random.randint(ks[2], (2, E), 0, N_DST, dtype=jnp.int32)
    lim_src = 1.0 / np.sqrt(D_IN)
    lim_m = 1.0 / np.sqrt(D_OUT)
    W_src = jax.random.uniform(ks[3], (D_OUT, D_IN), dtype=jnp.float32, minval=-lim_src, maxval=lim_src)
    b_src = jax.random.uniform(ks[4], (D_OUT,), dtype=jnp.float32, minval=-lim_src, maxval=lim_src)
    W_dst = jax.random.uniform(ks[5], (D_OUT, D_IN), dtype=jnp.float32, minval=-lim_src, maxval=lim_src)
    b_dst = jax.random.uniform(ks[6], (D_OUT,), dtype=jnp.float32, minval=-lim_src, maxval=lim_src)
    W_m = jax.random.uniform(ks[7], (D_OUT, D_OUT), dtype=jnp.float32, minval=-lim_m, maxval=lim_m)
    b_m = jax.random.uniform(ks[8], (D_OUT,), dtype=jnp.float32, minval=-lim_m, maxval=lim_m)
    return {"x_src": x_src, "x_dst": x_dst, "edge_index": edge_index,
            "W_src": W_src, "b_src": b_src, "W_dst": W_dst, "b_dst": b_dst,
            "W_m": W_m, "b_m": b_m}


def reference(x_src, x_dst, edge_index, W_src, b_src, W_dst, b_dst, W_m, b_m):
    src = edge_index[0]
    dst = edge_index[1]
    # degree of each dst node, clamped to >= 1 (torch.bincount + clamp_min)
    deg = jnp.clip(jnp.bincount(dst, length=N_DST), 1).astype(x_dst.dtype)
    # message: lin_src applied to gathered source features (chunking in the
    # original is a memory optimization; math is identical done in one shot)
    m = x_src[src] @ W_src.T + b_src
    # scatter-add messages into destination buckets (index_add_)
    agg = jnp.zeros((N_DST, D_OUT), dtype=x_dst.dtype).at[dst].add(m)
    agg = agg / deg[:, None]
    out = agg @ W_m.T + b_m + (x_dst @ W_dst.T + b_dst)
    # dropout with p=0.0 (eval / identity)
    return jax.nn.relu(out)

if __name__ == "__main__":
    import jax
    _d = setup_inputs()
    print(jax.jit(kernel)(*tuple(_d.values())))

</pallas_src>

<mosaic_0001>
#map = affine_map<(d0, d1) -> (0, 0)>
#map1 = affine_map<(d0, d1) -> (0)>
#map2 = affine_map<(d0, d1) -> (0, 0, 0)>
module attributes {stable_mosaic.version = 14 : i64} {
  func.func @_sc_body(%arg0: i32, %arg1: i32, %arg2: memref<10000x128xf32, #tpu.memory_space<hbm>>, %arg3: memref<320000xi32, #tpu.memory_space<hbm>>, %arg4: memref<320000xi32, #tpu.memory_space<hbm>>, %arg5: memref<624x128xf32, #tpu.memory_space<hbm>>, %arg6: memref<2x10000x128xf32, #tpu.memory_space<hbm>>, %arg7: memref<320000xf32, #tpu.memory_space<hbm>>, %arg8: memref<2000xi32, #tpu.memory_space<vmem>>, %arg9: memref<2000xi32, #tpu.memory_space<vmem>>, %arg10: memref<1x80xi32, #tpu.memory_space<vmem>>, %arg11: memref<80x128xf32, #tpu.memory_space<vmem>>, %arg12: memref<80x128xf32, #tpu.memory_space<vmem>>, %arg13: memref<80x128xf32, #tpu.memory_space<vmem>>, %arg14: memref<10000xf32, #tpu.memory_space<vmem>>, %arg15: memref<10000x128xf32, #tpu.memory_space<vmem_shared>>, %arg16: memref<!tpu.dma_semaphore, #tpu.memory_space<semaphore_mem>>, %arg17: memref<!tpu.dma_semaphore, #tpu.memory_space<semaphore_mem>>, %arg18: memref<!tpu.dma_semaphore, #tpu.memory_space<semaphore_mem>>, %arg19: memref<!tpu.dma_semaphore, #tpu.memory_space<semaphore_mem>>) attributes {dimension_semantics = [#tpu.dimension_semantics<core_parallel>, #tpu.dimension_semantics<subcore_parallel>], iteration_bounds = array<i64: 2, 16>, scalar_prefetch = 0 : i64, scratch_operands = 12 : i64, tpu.core_type = #tpu.core_type<sc_vector_subcore>, window_params = [{transform_indices = #map}, {transform_indices = #map1}, {transform_indices = #map1}, {transform_indices = #map}, {transform_indices = #map2}, {transform_indices = #map1}]} {
    %mul3A = arith.constant 2 : i32
    %mul3A_0 = arith.muli %arg1, %mul3A : i32
    %add3A = arith.addi %mul3A_0, %arg0 : i32
    %mul3A_1 = arith.constant 624 : i32
    %mul3A_2 = arith.muli %arg1, %mul3A_1 : i32
    "tpu.region"() ({
      %run_scoped3A_236 = tpu.sem_alloc : memref<!tpu.dma_semaphore, #tpu.memory_space<semaphore_mem>>
      %dma_start3A_237 = arith.constant 0 : i32
      %dma_start3A_238 = tpu.memref_slice %arg15[%mul3A_2, %dma_start3A_237] : memref<10000x128xf32, #tpu.memory_space<vmem_shared>> -> memref<624x128xf32, #tpu.memory_space<vmem_shared>>
      %dma_start3A_239 = arith.constant 0 : i32
      %dma_start3A_240 = arith.constant 0 : i32
      %dma_start3A_241 = tpu.memref_slice %arg5[%dma_start3A_239, %dma_start3A_240] : memref<624x128xf32, #tpu.memory_space<hbm>> -> memref<624x128xf32, #tpu.memory_space<hbm>>
      tpu.enqueue_dma source(%dma_start3A_241 : memref<624x128xf32, #tpu.memory_space<hbm>>) target(%dma_start3A_238 : memref<624x128xf32, #tpu.memory_space<vmem_shared>>) target_semaphore(%run_scoped3A_236 : memref<!tpu.dma_semaphore, #tpu.memory_space<semaphore_mem>>)
      %dma_wait3A_242 = arith.constant 0 : i32
      %dma_wait3A_243 = tpu.memref_slice %arg15[%mul3A_2, %dma_wait3A_242] : memref<10000x128xf32, #tpu.memory_space<vmem_shared>> -> memref<624x128xf32, #tpu.memory_space<vmem_shared>>
      %dma_wait3A_244 = arith.constant 0 : i32
      %dma_wait3A_245 = arith.constant 0 : i32
      %dma_wait3A_246 = tpu.memref_slice %arg5[%dma_wait3A_244, %dma_wait3A_245] : memref<624x128xf32, #tpu.memory_space<hbm>> -> memref<624x128xf32, #tpu.memory_space<hbm>>
      tpu.wait_dma2 semaphore(%run_scoped3A_236 : memref<!tpu.dma_semaphore, #tpu.memory_space<semaphore_mem>>) src(%dma_wait3A_246 : memref<624x128xf32, #tpu.memory_space<hbm>>) dst(%dma_wait3A_243 : memref<624x128xf32, #tpu.memory_space<vmem_shared>>)
      tpu.yield
    }) : () -> ()
    %eq3A = arith.constant 15 : i32
    %eq3A_3 = arith.cmpi eq, %arg1, %eq3A : i32
    %convert_element_type3A = arith.extui %eq3A_3 : i1 to i32
    %cond3A = arith.constant 0 : i32
    %cond3A_4 = arith.cmpi ne, %convert_element_type3A, %cond3A : i32
    scf.if %cond3A_4 {
      "tpu.region"() ({
        %run_scoped3A_236 = tpu.sem_alloc : memref<!tpu.dma_semaphore, #tpu.memory_space<semaphore_mem>>
        %dma_start3A_237 = arith.constant 9984 : i32
        %dma_start3A_238 = arith.constant 0 : i32
        %dma_start3A_239 = tpu.memref_slice %arg15[%dma_start3A_237, %dma_start3A_238] : memref<10000x128xf32, #tpu.memory_space<vmem_shared>> -> memref<16x128xf32, #tpu.memory_space<vmem_shared>>
        %dma_start3A_240 = arith.constant 0 : i32
        %dma_start3A_241 = arith.constant 0 : i32
        %dma_start3A_242 = tpu.memref_slice %arg5[%dma_start3A_240, %dma_start3A_241] : memref<624x128xf32, #tpu.memory_space<hbm>> -> memref<16x128xf32, #tpu.memory_space<hbm>>
        tpu.enqueue_dma source(%dma_start3A_242 : memref<16x128xf32, #tpu.memory_space<hbm>>) target(%dma_start3A_239 : memref<16x128xf32, #tpu.memory_space<vmem_shared>>) target_semaphore(%run_scoped3A_236 : memref<!tpu.dma_semaphore, #tpu.memory_space<semaphore_mem>>)
        %dma_wait3A_243 = arith.constant 9984 : i32
        %dma_wait3A_244 = arith.constant 0 : i32
        %dma_wait3A_245 = tpu.memref_slice %arg15[%dma_wait3A_243, %dma_wait3A_244] : memref<10000x128xf32, #tpu.memory_space<vmem_shared>> -> memref<16x128xf32, #tpu.memory_space<vmem_shared>>
        %dma_wait3A_246 = arith.constant 0 : i32
        %dma_wait3A_247 = arith.constant 0 : i32
        %dma_wait3A_248 = tpu.memref_slice %arg5[%dma_wait3A_246, %dma_wait3A_247] : memref<624x128xf32, #tpu.memory_space<hbm>> -> memref<16x128xf32, #tpu.memory_space<hbm>>
        tpu.wait_dma2 semaphore(%run_scoped3A_236 : memref<!tpu.dma_semaphore, #tpu.memory_space<semaphore_mem>>) src(%dma_wait3A_248 : memref<16x128xf32, #tpu.memory_space<hbm>>) dst(%dma_wait3A_245 : memref<16x128xf32, #tpu.memory_space<vmem_shared>>)
        tpu.yield
      }) : () -> ()
    } else {
    }
    %scan3A = arith.constant 0 : i32
    %scan3A_5 = arith.constant 0 : i32
    %scan3A_6 = arith.constant 625 : i32
    %scan3A_7 = arith.addi %scan3A_5, %scan3A_6 : i32
    %scan3A_8 = arith.constant 1 : i32
    scf.for %scan3A_236 = %scan3A_5 to %scan3A_7 step %scan3A_8  : i32 {
      %broadcast_in_dim3A_237 = arith.constant 0.000000e+00 : f32
      %broadcast_in_dim3A_238 = vector.broadcast %broadcast_in_dim3A_237 : f32 to vector<16xf32>
      %mul3A_239 = arith.constant 16 : i32
      %mul3A_240 = arith.muli %scan3A_236, %mul3A_239 : i32
      %swap3A = arith.index_cast %mul3A_240 : i32 to index
      %swap3A_241 = tpu.vector_load %arg14[%swap3A] {strides = array<i32>} : memref<10000xf32, #tpu.memory_space<vmem>>, vector<16xf32>,
      tpu.vector_store %arg14[%swap3A], %broadcast_in_dim3A_238 {strides = array<i32>} : memref<10000xf32, #tpu.memory_space<vmem>>, vector<16xf32>,
    }
    %scan3A_9 = arith.constant 625 : i32
    %barrier3A = arith.constant 0 : index
    tpu.barrier barrier_id(%barrier3A)
    %broadcast_in_dim3A = arith.constant 1.000000e+00 : f32
    %broadcast_in_dim3A_10 = vector.broadcast %broadcast_in_dim3A : f32 to vector<16xf32>
    %mul3A_11 = arith.constant 10000 : i32
    %mul3A_12 = arith.muli %add3A, %mul3A_11 : i32
    %add3A_13 = arith.constant 0 : i32
    %add3A_14 = arith.addi %mul3A_12, %add3A_13 : i32
    %dma_start3A = tpu.memref_slice %arg3[%add3A_14] : memref<320000xi32, #tpu.memory_space<hbm>> -> memref<2000xi32, #tpu.memory_space<hbm>>
    %dma_start3A_15 = tpu.memref_slice %arg3[%add3A_14] : memref<320000xi32, #tpu.memory_space<hbm>> -> memref<2000xi32, #tpu.memory_space<hbm>>
    tpu.enqueue_dma source(%dma_start3A_15 : memref<2000xi32, #tpu.memory_space<hbm>>) target(%arg8 : memref<2000xi32, #tpu.memory_space<vmem>>) target_semaphore(%arg19 : memref<!tpu.dma_semaphore, #tpu.memory_space<semaphore_mem>>)
    %dma_start3A_16 = tpu.memref_slice %arg4[%add3A_14] : memref<320000xi32, #tpu.memory_space<hbm>> -> memref<2000xi32, #tpu.memory_space<hbm>>
    %dma_start3A_17 = tpu.memref_slice %arg4[%add3A_14] : memref<320000xi32, #tpu.memory_space<hbm>> -> memref<2000xi32, #tpu.memory_space<hbm>>
    tpu.enqueue_dma source(%dma_start3A_17 : memref<2000xi32, #tpu.memory_space<hbm>>) target(%arg9 : memref<2000xi32, #tpu.memory_space<vmem>>) target_semaphore(%arg19 : memref<!tpu.dma_semaphore, #tpu.memory_space<semaphore_mem>>)
    %dma_wait3A = arith.constant 0 : i32
    %dma_wait3A_18 = tpu.memref_slice %arg3[%dma_wait3A] : memref<320000xi32, #tpu.memory_space<hbm>> -> memref<2000xi32, #tpu.memory_space<hbm>>
    %dma_wait3A_19 = arith.constant 0 : i32
    %dma_wait3A_20 = tpu.memref_slice %arg3[%dma_wait3A_19] : memref<320000xi32, #tpu.memory_space<hbm>> -> memref<2000xi32, #tpu.memory_space<hbm>>
    tpu.wait_dma2 semaphore(%arg19 : memref<!tpu.dma_semaphore, #tpu.memory_space<semaphore_mem>>) src(%dma_wait3A_20 : memref<2000xi32, #tpu.memory_space<hbm>>) dst(%arg8 : memref<2000xi32, #tpu.memory_space<vmem>>)
    %dma_wait3A_21 = arith.constant 0 : i32
    %dma_wait3A_22 = tpu.memref_slice %arg4[%dma_wait3A_21] : memref<320000xi32, #tpu.memory_space<hbm>> -> memref<2000xi32, #tpu.memory_space<hbm>>
    %dma_wait3A_23 = arith.constant 0 : i32
    %dma_wait3A_24 = tpu.memref_slice %arg4[%dma_wait3A_23] : memref<320000xi32, #tpu.memory_space<hbm>> -> memref<2000xi32, #tpu.memory_space<hbm>>
    tpu.wait_dma2 semaphore(%arg19 : memref<!tpu.dma_semaphore, #tpu.memory_space<semaphore_mem>>) src(%dma_wait3A_24 : memref<2000xi32, #tpu.memory_space<hbm>>) dst(%arg9 : memref<2000xi32, #tpu.memory_space<vmem>>)
    %dma_start3A_25 = arith.constant 0 : i32
    %dma_start3A_26 = tpu.memref_slice %arg8[%dma_start3A_25] : memref<2000xi32, #tpu.memory_space<vmem>> -> memref<80xi32, #tpu.memory_space<vmem>>
    %dma_start3A_27 = arith.constant 0 : i32
    %dma_start3A_28 = arith.constant 0 : i32
    %dma_start3A_29 = tpu.memref_slice %arg2[%dma_start3A_27, %dma_start3A_28] : memref<10000x128xf32, #tpu.memory_space<hbm>> -> memref<10000x128xf32, #tpu.memory_space<hbm>>
    tpu.enqueue_indirect_dma source(%dma_start3A_29 : memref<10000x128xf32, #tpu.memory_space<hbm>>) target(%arg11 : memref<80x128xf32, #tpu.memory_space<vmem>>) offsets(%dma_start3A_26 : memref<80xi32, #tpu.memory_space<vmem>>) semaphore(%arg16 : memref<!tpu.dma_semaphore, #tpu.memory_space<semaphore_mem>>)
    %dma_start3A_30 = arith.constant 80 : i32
    %dma_start3A_31 = tpu.memref_slice %arg8[%dma_start3A_30] : memref<2000xi32, #tpu.memory_space<vmem>> -> memref<80xi32, #tpu.memory_space<vmem>>
    %dma_start3A_32 = arith.constant 0 : i32
    %dma_start3A_33 = arith.constant 0 : i32
    %dma_start3A_34 = tpu.memref_slice %arg2[%dma_start3A_32, %dma_start3A_33] : memref<10000x128xf32, #tpu.memory_space<hbm>> -> memref<10000x128xf32, #tpu.memory_space<hbm>>
    tpu.enqueue_indirect_dma source(%dma_start3A_34 : memref<10000x128xf32, #tpu.memory_space<hbm>>) target(%arg12 : memref<80x128xf32, #tpu.memory_space<vmem>>) offsets(%dma_start3A_31 : memref<80xi32, #tpu.memory_space<vmem>>) semaphore(%arg17 : memref<!tpu.dma_semaphore, #tpu.memory_space<semaphore_mem>>)
    %scan3A_35 = arith.constant 0 : i32
    %scan3A_36 = arith.constant 0 : i32
    %scan3A_37 = arith.constant 8 : i32
    %scan3A_38 = arith.addi %scan3A_36, %scan3A_37 : i32
    %scan3A_39 = arith.constant 1 : i32
    scf.for %scan3A_236 = %scan3A_36 to %scan3A_38 step %scan3A_39  : i32 {
      %mul3A_237 = arith.constant 3 : i32
      %mul3A_238 = arith.muli %mul3A_237, %scan3A_236 : i32
      %add3A_239 = arith.constant 0 : i32
      %add3A_240 = arith.addi %mul3A_238, %add3A_239 : i32
      %mul3A_241 = arith.constant 80 : i32
      %mul3A_242 = arith.muli %add3A_240, %mul3A_241 : i32
      %dma_wait3A_243 = tpu.memref_slice %arg8[%mul3A_242] : memref<2000xi32, #tpu.memory_space<vmem>> -> memref<80xi32, #tpu.memory_space<vmem>>
      %dma_wait3A_244 = arith.constant 0 : i32
      %dma_wait3A_245 = arith.constant 0 : i32
      %dma_wait3A_246 = tpu.memref_slice %arg2[%dma_wait3A_244, %dma_wait3A_245] : memref<10000x128xf32, #tpu.memory_space<hbm>> -> memref<10000x128xf32, #tpu.memory_space<hbm>>
      tpu.wait_indirect_dma semaphore(%arg16 : memref<!tpu.dma_semaphore, #tpu.memory_space<semaphore_mem>>) src(%dma_wait3A_246 : memref<10000x128xf32, #tpu.memory_space<hbm>>) dst(%arg11 : memref<80x128xf32, #tpu.memory_space<vmem>>)
      %scan3A_247 = arith.constant 0 : i32
      %scan3A_248 = arith.constant 0 : i32
      %scan3A_249 = arith.constant 5 : i32
      %scan3A_250 = arith.addi %scan3A_248, %scan3A_249 : i32
      %scan3A_251 = arith.constant 1 : i32
      scf.for %scan3A_308 = %scan3A_248 to %scan3A_250 step %scan3A_251  : i32 {
        %mul3A_309 = arith.constant 80 : i32
        %mul3A_310 = arith.muli %add3A_240, %mul3A_309 : i32
        %mul3A_311 = arith.constant 16 : i32
        %mul3A_312 = arith.muli %scan3A_308, %mul3A_311 : i32
        %add3A_313 = arith.addi %mul3A_310, %mul3A_312 : i32
        %get3A = arith.index_cast %add3A_313 : i32 to index
        %get3A_314 = tpu.vector_load %arg9[%get3A] {strides = array<i32>} : memref<2000xi32, #tpu.memory_space<vmem>>, vector<16xi32>,
        %mul3A_315 = arith.constant 16 : i32
        %mul3A_316 = arith.muli %scan3A_308, %mul3A_315 : i32
        %swap3A = arith.constant 0 : i32
        %swap3A_317 = arith.index_cast %swap3A : i32 to index
        %swap3A_318 = arith.index_cast %mul3A_316 : i32 to index
        %swap3A_319 = tpu.vector_load %arg10[%swap3A_317, %swap3A_318] {strides = array<i32>} : memref<1x80xi32, #tpu.memory_space<vmem>>, vector<16xi32>,
        tpu.vector_store %arg10[%swap3A_317, %swap3A_318], %get3A_314 {strides = array<i32>} : memref<1x80xi32, #tpu.memory_space<vmem>>, vector<16xi32>,
        tpu.vector_store_idx %arg14[%get3A_314], %broadcast_in_dim3A_10 {add = true} : memref<10000xf32, #tpu.memory_space<vmem>>[vector<16xi32>], vector<16xf32>,
      }
      %scan3A_252 = arith.constant 5 : i32
      %run_scoped3A_253 = arith.constant 0 : i32
      "tpu.region"() ({
        %run_scoped3A_308 = tpu.sem_alloc : memref<!tpu.dma_semaphore, #tpu.memory_space<semaphore_mem>>
        %dma_start3A_309 = arith.constant 0 : i32
        %dma_start3A_310 = tpu.memref_slice %arg10[%run_scoped3A_253, %dma_start3A_309] : memref<1x80xi32, #tpu.memory_space<vmem>> -> memref<1x80xi32, #tpu.memory_space<vmem>>
        %dma_start3A_311 = tpu.memref_squeeze %dma_start3A_310 : memref<1x80xi32, #tpu.memory_space<vmem>> -> memref<80xi32, #tpu.memory_space<vmem>>
        %dma_start3A_312 = arith.constant 0 : i32
        %dma_start3A_313 = arith.constant 0 : i32
        %dma_start3A_314 = tpu.memref_slice %arg15[%dma_start3A_312, %dma_start3A_313] : memref<10000x128xf32, #tpu.memory_space<vmem_shared>> -> memref<10000x128xf32, #tpu.memory_space<vmem_shared>>
        tpu.enqueue_indirect_dma source(%arg11 : memref<80x128xf32, #tpu.memory_space<vmem>>) target(%dma_start3A_314 : memref<10000x128xf32, #tpu.memory_space<vmem_shared>>) offsets(%dma_start3A_311 : memref<80xi32, #tpu.memory_space<vmem>>) semaphore(%run_scoped3A_308 : memref<!tpu.dma_semaphore, #tpu.memory_space<semaphore_mem>>) {add = true}
        %dma_wait3A_315 = arith.constant 0 : i32
        %dma_wait3A_316 = tpu.memref_slice %arg10[%run_scoped3A_253, %dma_wait3A_315] : memref<1x80xi32, #tpu.memory_space<vmem>> -> memref<1x80xi32, #tpu.memory_space<vmem>>
        %dma_wait3A_317 = tpu.memref_squeeze %dma_wait3A_316 : memref<1x80xi32, #tpu.memory_space<vmem>> -> memref<80xi32, #tpu.memory_space<vmem>>
        %dma_wait3A_318 = arith.constant 0 : i32
        %dma_wait3A_319 = arith.constant 0 : i32
        %dma_wait3A_320 = tpu.memref_slice %arg15[%dma_wait3A_318, %dma_wait3A_319] : memref<10000x128xf32, #tpu.memory_space<vmem_shared>> -> memref<10000x128xf32, #tpu.memory_space<vmem_shared>>
        tpu.wait_indirect_dma semaphore(%run_scoped3A_308 : memref<!tpu.dma_semaphore, #tpu.memory_space<semaphore_mem>>) src(%arg11 : memref<80x128xf32, #tpu.memory_space<vmem>>) dst(%dma_wait3A_320 : memref<10000x128xf32, #tpu.memory_space<vmem_shared>>)
        tpu.yield
      }) : () -> ()
      %add3A_254 = arith.constant 2 : i32
      %add3A_255 = arith.addi %add3A_240, %add3A_254 : i32
      %lt3A = arith.constant 25 : i32
      %lt3A_256 = arith.cmpi slt, %add3A_255, %lt3A : i32
      %convert_element_type3A_257 = arith.extui %lt3A_256 : i1 to i32
      %cond3A_258 = arith.constant 0 : i32
      %cond3A_259 = arith.cmpi ne, %convert_element_type3A_257, %cond3A_258 : i32
      scf.if %cond3A_259 {
        %add3A_308 = arith.constant 2 : i32
        %add3A_309 = arith.addi %add3A_240, %add3A_308 : i32
        %mul3A_310 = arith.constant 80 : i32
        %mul3A_311 = arith.muli %add3A_309, %mul3A_310 : i32
        %dma_start3A_312 = tpu.memref_slice %arg8[%mul3A_311] : memref<2000xi32, #tpu.memory_space<vmem>> -> memref<80xi32, #tpu.memory_space<vmem>>
        %dma_start3A_313 = arith.constant 0 : i32
        %dma_start3A_314 = arith.constant 0 : i32
        %dma_start3A_315 = tpu.memref_slice %arg2[%dma_start3A_313, %dma_start3A_314] : memref<10000x128xf32, #tpu.memory_space<hbm>> -> memref<10000x128xf32, #tpu.memory_space<hbm>>
        tpu.enqueue_indirect_dma source(%dma_start3A_315 : memref<10000x128xf32, #tpu.memory_space<hbm>>) target(%arg13 : memref<80x128xf32, #tpu.memory_space<vmem>>) offsets(%dma_start3A_312 : memref<80xi32, #tpu.memory_space<vmem>>) semaphore(%arg18 : memref<!tpu.dma_semaphore, #tpu.memory_space<semaphore_mem>>)
      } else {
      }
      %mul3A_260 = arith.constant 3 : i32
      %mul3A_261 = arith.muli %mul3A_260, %scan3A_236 : i32
      %add3A_262 = arith.constant 1 : i32
      %add3A_263 = arith.addi %mul3A_261, %add3A_262 : i32
      %mul3A_264 = arith.constant 80 : i32
      %mul3A_265 = arith.muli %add3A_263, %mul3A_264 : i32
      %dma_wait3A_266 = tpu.memref_slice %arg8[%mul3A_265] : memref<2000xi32, #tpu.memory_space<vmem>> -> memref<80xi32, #tpu.memory_space<vmem>>
      %dma_wait3A_267 = arith.constant 0 : i32
      %dma_wait3A_268 = arith.constant 0 : i32
      %dma_wait3A_269 = tpu.memref_slice %arg2[%dma_wait3A_267, %dma_wait3A_268] : memref<10000x128xf32, #tpu.memory_space<hbm>> -> memref<10000x128xf32, #tpu.memory_space<hbm>>
      tpu.wait_indirect_dma semaphore(%arg17 : memref<!tpu.dma_semaphore, #tpu.memory_space<semaphore_mem>>) src(%dma_wait3A_269 : memref<10000x128xf32, #tpu.memory_space<hbm>>) dst(%arg12 : memref<80x128xf32, #tpu.memory_space<vmem>>)
      %scan3A_270 = arith.constant 0 : i32
      %scan3A_271 = arith.constant 0 : i32
      %scan3A_272 = arith.constant 5 : i32
      %scan3A_273 = arith.addi %scan3A_271, %scan3A_272 : i32
      %scan3A_274 = arith.constant 1 : i32
      scf.for %scan3A_308 = %scan3A_271 to %scan3A_273 step %scan3A_274  : i32 {
        %mul3A_309 = arith.constant 80 : i32
        %mul3A_310 = arith.muli %add3A_263, %mul3A_309 : i32
        %mul3A_311 = arith.constant 16 : i32
        %mul3A_312 = arith.muli %scan3A_308, %mul3A_311 : i32
        %add3A_313 = arith.addi %mul3A_310, %mul3A_312 : i32
        %get3A = arith.index_cast %add3A_313 : i32 to index
        %get3A_314 = tpu.vector_load %arg9[%get3A] {strides = array<i32>} : memref<2000xi32, #tpu.memory_space<vmem>>, vector<16xi32>,
        %mul3A_315 = arith.constant 16 : i32
        %mul3A_316 = arith.muli %scan3A_308, %mul3A_315 : i32
        %swap3A = arith.constant 0 : i32
        %swap3A_317 = arith.index_cast %swap3A : i32 to index
        %swap3A_318 = arith.index_cast %mul3A_316 : i32 to index
        %swap3A_319 = tpu.vector_load %arg10[%swap3A_317, %swap3A_318] {strides = array<i32>} : memref<1x80xi32, #tpu.memory_space<vmem>>, vector<16xi32>,
        tpu.vector_store %arg10[%swap3A_317, %swap3A_318], %get3A_314 {strides = array<i32>} : memref<1x80xi32, #tpu.memory_space<vmem>>, vector<16xi32>,
        tpu.vector_store_idx %arg14[%get3A_314], %broadcast_in_dim3A_10 {add = true} : memref<10000xf32, #tpu.memory_space<vmem>>[vector<16xi32>], vector<16xf32>,
      }
      %scan3A_275 = arith.constant 5 : i32
      %run_scoped3A_276 = arith.constant 0 : i32
      "tpu.region"() ({
        %run_scoped3A_308 = tpu.sem_alloc : memref<!tpu.dma_semaphore, #tpu.memory_space<semaphore_mem>>
        %dma_start3A_309 = arith.constant 0 : i32
        %dma_start3A_310 = tpu.memref_slice %arg10[%run_scoped3A_276, %dma_start3A_309] : memref<1x80xi32, #tpu.memory_space<vmem>> -> memref<1x80xi32, #tpu.memory_space<vmem>>
        %dma_start3A_311 = tpu.memref_squeeze %dma_start3A_310 : memref<1x80xi32, #tpu.memory_space<vmem>> -> memref<80xi32, #tpu.memory_space<vmem>>
        %dma_start3A_312 = arith.constant 0 : i32
        %dma_start3A_313 = arith.constant 0 : i32
        %dma_start3A_314 = tpu.memref_slice %arg15[%dma_start3A_312, %dma_start3A_313] : memref<10000x128xf32, #tpu.memory_space<vmem_shared>> -> memref<10000x128xf32, #tpu.memory_space<vmem_shared>>
        tpu.enqueue_indirect_dma source(%arg12 : memref<80x128xf32, #tpu.memory_space<vmem>>) target(%dma_start3A_314 : memref<10000x128xf32, #tpu.memory_space<vmem_shared>>) offsets(%dma_start3A_311 : memref<80xi32, #tpu.memory_space<vmem>>) semaphore(%run_scoped3A_308 : memref<!tpu.dma_semaphore, #tpu.memory_space<semaphore_mem>>) {add = true}
        %dma_wait3A_315 = arith.constant 0 : i32
        %dma_wait3A_316 = tpu.memref_slice %arg10[%run_scoped3A_276, %dma_wait3A_315] : memref<1x80xi32, #tpu.memory_space<vmem>> -> memref<1x80xi32, #tpu.memory_space<vmem>>
        %dma_wait3A_317 = tpu.memref_squeeze %dma_wait3A_316 : memref<1x80xi32, #tpu.memory_space<vmem>> -> memref<80xi32, #tpu.memory_space<vmem>>
        %dma_wait3A_318 = arith.constant 0 : i32
        %dma_wait3A_319 = arith.constant 0 : i32
        %dma_wait3A_320 = tpu.memref_slice %arg15[%dma_wait3A_318, %dma_wait3A_319] : memref<10000x128xf32, #tpu.memory_space<vmem_shared>> -> memref<10000x128xf32, #tpu.memory_space<vmem_shared>>
        tpu.wait_indirect_dma semaphore(%run_scoped3A_308 : memref<!tpu.dma_semaphore, #tpu.memory_space<semaphore_mem>>) src(%arg12 : memref<80x128xf32, #tpu.memory_space<vmem>>) dst(%dma_wait3A_320 : memref<10000x128xf32, #tpu.memory_space<vmem_shared>>)
        tpu.yield
      }) : () -> ()
      %add3A_277 = arith.constant 2 : i32
      %add3A_278 = arith.addi %add3A_263, %add3A_277 : i32
      %lt3A_279 = arith.constant 25 : i32
      %lt3A_280 = arith.cmpi slt, %add3A_278, %lt3A_279 : i32
      %convert_element_type3A_281 = arith.extui %lt3A_280 : i1 to i32
      %cond3A_282 = arith.constant 0 : i32
      %cond3A_283 = arith.cmpi ne, %convert_element_type3A_281, %cond3A_282 : i32
      scf.if %cond3A_283 {
        %add3A_308 = arith.constant 2 : i32
        %add3A_309 = arith.addi %add3A_263, %add3A_308 : i32
        %mul3A_310 = arith.constant 80 : i32
        %mul3A_311 = arith.muli %add3A_309, %mul3A_310 : i32
        %dma_start3A_312 = tpu.memref_slice %arg8[%mul3A_311] : memref<2000xi32, #tpu.memory_space<vmem>> -> memref<80xi32, #tpu.memory_space<vmem>>
        %dma_start3A_313 = arith.constant 0 : i32
        %dma_start3A_314 = arith.constant 0 : i32
        %dma_start3A_315 = tpu.memref_slice %arg2[%dma_start3A_313, %dma_start3A_314] : memref<10000x128xf32, #tpu.memory_space<hbm>> -> memref<10000x128xf32, #tpu.memory_space<hbm>>
        tpu.enqueue_indirect_dma source(%dma_start3A_315 : memref<10000x128xf32, #tpu.memory_space<hbm>>) target(%arg11 : memref<80x128xf32, #tpu.memory_space<vmem>>) offsets(%dma_start3A_312 : memref<80xi32, #tpu.memory_space<vmem>>) semaphore(%arg16 : memref<!tpu.dma_semaphore, #tpu.memory_space<semaphore_mem>>)
      } else {
      }
      %mul3A_284 = arith.constant 3 : i32
      %mul3A_285 = arith.muli %mul3A_284, %scan3A_236 : i32
      %add3A_286 = arith.constant 2 : i32
      %add3A_287 = arith.addi %mul3A_285, %add3A_286 : i32
      %mul3A_288 = arith.constant 80 : i32
      %mul3A_289 = arith.muli %add3A_287, %mul3A_288 : i32
      %dma_wait3A_290 = tpu.memref_slice %arg8[%mul3A_289] : memref<2000xi32, #tpu.memory_space<vmem>> -> memref<80xi32, #tpu.memory_space<vmem>>
      %dma_wait3A_291 = arith.constant 0 : i32
      %dma_wait3A_292 = arith.constant 0 : i32
      %dma_wait3A_293 = tpu.memref_slice %arg2[%dma_wait3A_291, %dma_wait3A_292] : memref<10000x128xf32, #tpu.memory_space<hbm>> -> memref<10000x128xf32, #tpu.memory_space<hbm>>
      tpu.wait_indirect_dma semaphore(%arg18 : memref<!tpu.dma_semaphore, #tpu.memory_space<semaphore_mem>>) src(%dma_wait3A_293 : memref<10000x128xf32, #tpu.memory_space<hbm>>) dst(%arg13 : memref<80x128xf32, #tpu.memory_space<vmem>>)
      %scan3A_294 = arith.constant 0 : i32
      %scan3A_295 = arith.constant 0 : i32
      %scan3A_296 = arith.constant 5 : i32
      %scan3A_297 = arith.addi %scan3A_295, %scan3A_296 : i32
      %scan3A_298 = arith.constant 1 : i32
      scf.for %scan3A_308 = %scan3A_295 to %scan3A_297 step %scan3A_298  : i32 {
        %mul3A_309 = arith.constant 80 : i32
        %mul3A_310 = arith.muli %add3A_287, %mul3A_309 : i32
        %mul3A_311 = arith.constant 16 : i32
        %mul3A_312 = arith.muli %scan3A_308, %mul3A_311 : i32
        %add3A_313 = arith.addi %mul3A_310, %mul3A_312 : i32
        %get3A = arith.index_cast %add3A_313 : i32 to index
        %get3A_314 = tpu.vector_load %arg9[%get3A] {strides = array<i32>} : memref<2000xi32, #tpu.memory_space<vmem>>, vector<16xi32>,
        %mul3A_315 = arith.constant 16 : i32
        %mul3A_316 = arith.muli %scan3A_308, %mul3A_315 : i32
        %swap3A = arith.constant 0 : i32
        %swap3A_317 = arith.index_cast %swap3A : i32 to index
        %swap3A_318 = arith.index_cast %mul3A_316 : i32 to index
        %swap3A_319 = tpu.vector_load %arg10[%swap3A_317, %swap3A_318] {strides = array<i32>} : memref<1x80xi32, #tpu.memory_space<vmem>>, vector<16xi32>,
        tpu.vector_store %arg10[%swap3A_317, %swap3A_318], %get3A_314 {strides = array<i32>} : memref<1x80xi32, #tpu.memory_space<vmem>>, vector<16xi32>,
        tpu.vector_store_idx %arg14[%get3A_314], %broadcast_in_dim3A_10 {add = true} : memref<10000xf32, #tpu.memory_space<vmem>>[vector<16xi32>], vector<16xf32>,
      }
      %scan3A_299 = arith.constant 5 : i32
      %run_scoped3A_300 = arith.constant 0 : i32
      "tpu.region"() ({
        %run_scoped3A_308 = tpu.sem_alloc : memref<!tpu.dma_semaphore, #tpu.memory_space<semaphore_mem>>
        %dma_start3A_309 = arith.constant 0 : i32
        %dma_start3A_310 = tpu.memref_slice %arg10[%run_scoped3A_300, %dma_start3A_309] : memref<1x80xi32, #tpu.memory_space<vmem>> -> memref<1x80xi32, #tpu.memory_space<vmem>>
        %dma_start3A_311 = tpu.memref_squeeze %dma_start3A_310 : memref<1x80xi32, #tpu.memory_space<vmem>> -> memref<80xi32, #tpu.memory_space<vmem>>
        %dma_start3A_312 = arith.constant 0 : i32
        %dma_start3A_313 = arith.constant 0 : i32
        %dma_start3A_314 = tpu.memref_slice %arg15[%dma_start3A_312, %dma_start3A_313] : memref<10000x128xf32, #tpu.memory_space<vmem_shared>> -> memref<10000x128xf32, #tpu.memory_space<vmem_shared>>
        tpu.enqueue_indirect_dma source(%arg13 : memref<80x128xf32, #tpu.memory_space<vmem>>) target(%dma_start3A_314 : memref<10000x128xf32, #tpu.memory_space<vmem_shared>>) offsets(%dma_start3A_311 : memref<80xi32, #tpu.memory_space<vmem>>) semaphore(%run_scoped3A_308 : memref<!tpu.dma_semaphore, #tpu.memory_space<semaphore_mem>>) {add = true}
        %dma_wait3A_315 = arith.constant 0 : i32
        %dma_wait3A_316 = tpu.memref_slice %arg10[%run_scoped3A_300, %dma_wait3A_315] : memref<1x80xi32, #tpu.memory_space<vmem>> -> memref<1x80xi32, #tpu.memory_space<vmem>>
        %dma_wait3A_317 = tpu.memref_squeeze %dma_wait3A_316 : memref<1x80xi32, #tpu.memory_space<vmem>> -> memref<80xi32, #tpu.memory_space<vmem>>
        %dma_wait3A_318 = arith.constant 0 : i32
        %dma_wait3A_319 = arith.constant 0 : i32
        %dma_wait3A_320 = tpu.memref_slice %arg15[%dma_wait3A_318, %dma_wait3A_319] : memref<10000x128xf32, #tpu.memory_space<vmem_shared>> -> memref<10000x128xf32, #tpu.memory_space<vmem_shared>>
        tpu.wait_indirect_dma semaphore(%run_scoped3A_308 : memref<!tpu.dma_semaphore, #tpu.memory_space<semaphore_mem>>) src(%arg13 : memref<80x128xf32, #tpu.memory_space<vmem>>) dst(%dma_wait3A_320 : memref<10000x128xf32, #tpu.memory_space<vmem_shared>>)
        tpu.yield
      }) : () -> ()
      %add3A_301 = arith.constant 2 : i32
      %add3A_302 = arith.addi %add3A_287, %add3A_301 : i32
      %lt3A_303 = arith.constant 25 : i32
      %lt3A_304 = arith.cmpi slt, %add3A_302, %lt3A_303 : i32
      %convert_element_type3A_305 = arith.extui %lt3A_304 : i1 to i32
      %cond3A_306 = arith.constant 0 : i32
      %cond3A_307 = arith.cmpi ne, %convert_element_type3A_305, %cond3A_306 : i32
      scf.if %cond3A_307 {
        %add3A_308 = arith.constant 2 : i32
        %add3A_309 = arith.addi %add3A_287, %add3A_308 : i32
        %mul3A_310 = arith.constant 80 : i32
        %mul3A_311 = arith.muli %add3A_309, %mul3A_310 : i32
        %dma_start3A_312 = tpu.memref_slice %arg8[%mul3A_311] : memref<2000xi32, #tpu.memory_space<vmem>> -> memref<80xi32, #tpu.memory_space<vmem>>
        %dma_start3A_313 = arith.constant 0 : i32
        %dma_start3A_314 = arith.constant 0 : i32
        %dma_start3A_315 = tpu.memref_slice %arg2[%dma_start3A_313, %dma_start3A_314] : memref<10000x128xf32, #tpu.memory_space<hbm>> -> memref<10000x128xf32, #tpu.memory_space<hbm>>
        tpu.enqueue_indirect_dma source(%dma_start3A_315 : memref<10000x128xf32, #tpu.memory_space<hbm>>) target(%arg12 : memref<80x128xf32, #tpu.memory_space<vmem>>) offsets(%dma_start3A_312 : memref<80xi32, #tpu.memory_space<vmem>>) semaphore(%arg17 : memref<!tpu.dma_semaphore, #tpu.memory_space<semaphore_mem>>)
      } else {
      }
    }
    %scan3A_40 = arith.constant 8 : i32
    %dma_wait3A_41 = arith.constant 1920 : i32
    %dma_wait3A_42 = tpu.memref_slice %arg8[%dma_wait3A_41] : memref<2000xi32, #tpu.memory_space<vmem>> -> memref<80xi32, #tpu.memory_space<vmem>>
    %dma_wait3A_43 = arith.constant 0 : i32
    %dma_wait3A_44 = arith.constant 0 : i32
    %dma_wait3A_45 = tpu.memref_slice %arg2[%dma_wait3A_43, %dma_wait3A_44] : memref<10000x128xf32, #tpu.memory_space<hbm>> -> memref<10000x128xf32, #tpu.memory_space<hbm>>
    tpu.wait_indirect_dma semaphore(%arg16 : memref<!tpu.dma_semaphore, #tpu.memory_space<semaphore_mem>>) src(%dma_wait3A_45 : memref<10000x128xf32, #tpu.memory_space<hbm>>) dst(%arg11 : memref<80x128xf32, #tpu.memory_space<vmem>>)
    %scan3A_46 = arith.constant 0 : i32
    %scan3A_47 = arith.constant 0 : i32
    %scan3A_48 = arith.constant 5 : i32
    %scan3A_49 = arith.addi %scan3A_47, %scan3A_48 : i32
    %scan3A_50 = arith.constant 1 : i32
    scf.for %scan3A_236 = %scan3A_47 to %scan3A_49 step %scan3A_50  : i32 {
      %mul3A_237 = arith.constant 16 : i32
      %mul3A_238 = arith.muli %scan3A_236, %mul3A_237 : i32
      %add3A_239 = arith.constant 1920 : i32
      %add3A_240 = arith.addi %add3A_239, %mul3A_238 : i32
      %get3A = arith.index_cast %add3A_240 : i32 to index
      %get3A_241 = tpu.vector_load %arg9[%get3A] {strides = array<i32>} : memref<2000xi32, #tpu.memory_space<vmem>>, vector<16xi32>,
      %mul3A_242 = arith.constant 16 : i32
      %mul3A_243 = arith.muli %scan3A_236, %mul3A_242 : i32
      %swap3A = arith.constant 0 : i32
      %swap3A_244 = arith.index_cast %swap3A : i32 to index
      %swap3A_245 = arith.index_cast %mul3A_243 : i32 to index
      %swap3A_246 = tpu.vector_load %arg10[%swap3A_244, %swap3A_245] {strides = array<i32>} : memref<1x80xi32, #tpu.memory_space<vmem>>, vector<16xi32>,
      tpu.vector_store %arg10[%swap3A_244, %swap3A_245], %get3A_241 {strides = array<i32>} : memref<1x80xi32, #tpu.memory_space<vmem>>, vector<16xi32>,
      tpu.vector_store_idx %arg14[%get3A_241], %broadcast_in_dim3A_10 {add = true} : memref<10000xf32, #tpu.memory_space<vmem>>[vector<16xi32>], vector<16xf32>,
    }
    %scan3A_51 = arith.constant 5 : i32
    %run_scoped3A = arith.constant 0 : i32
    "tpu.region"() ({
      %run_scoped3A_236 = tpu.sem_alloc : memref<!tpu.dma_semaphore, #tpu.memory_space<semaphore_mem>>
      %dma_start3A_237 = arith.constant 0 : i32
      %dma_start3A_238 = tpu.memref_slice %arg10[%run_scoped3A, %dma_start3A_237] : memref<1x80xi32, #tpu.memory_space<vmem>> -> memref<1x80xi32, #tpu.memory_space<vmem>>
      %dma_start3A_239 = tpu.memref_squeeze %dma_start3A_238 : memref<1x80xi32, #tpu.memory_space<vmem>> -> memref<80xi32, #tpu.memory_space<vmem>>
      %dma_start3A_240 = arith.constant 0 : i32
      %dma_start3A_241 = arith.constant 0 : i32
      %dma_start3A_242 = tpu.memref_slice %arg15[%dma_start3A_240, %dma_start3A_241] : memref<10000x128xf32, #tpu.memory_space<vmem_shared>> -> memref<10000x128xf32, #tpu.memory_space<vmem_shared>>
      tpu.enqueue_indirect_dma source(%arg11 : memref<80x128xf32, #tpu.memory_space<vmem>>) target(%dma_start3A_242 : memref<10000x128xf32, #tpu.memory_space<vmem_shared>>) offsets(%dma_start3A_239 : memref<80xi32, #tpu.memory_space<vmem>>) semaphore(%run_scoped3A_236 : memref<!tpu.dma_semaphore, #tpu.memory_space<semaphore_mem>>) {add = true}
      %dma_wait3A_243 = arith.constant 0 : i32
      %dma_wait3A_244 = tpu.memref_slice %arg10[%run_scoped3A, %dma_wait3A_243] : memref<1x80xi32, #tpu.memory_space<vmem>> -> memref<1x80xi32, #tpu.memory_space<vmem>>
      %dma_wait3A_245 = tpu.memref_squeeze %dma_wait3A_244 : memref<1x80xi32, #tpu.memory_space<vmem>> -> memref<80xi32, #tpu.memory_space<vmem>>
      %dma_wait3A_246 = arith.constant 0 : i32
      %dma_wait3A_247 = arith.constant 0 : i32
      %dma_wait3A_248 = tpu.memref_slice %arg15[%dma_wait3A_246, %dma_wait3A_247] : memref<10000x128xf32, #tpu.memory_space<vmem_shared>> -> memref<10000x128xf32, #tpu.memory_space<vmem_shared>>
      tpu.wait_indirect_dma semaphore(%run_scoped3A_236 : memref<!tpu.dma_semaphore, #tpu.memory_space<semaphore_mem>>) src(%arg11 : memref<80x128xf32, #tpu.memory_space<vmem>>) dst(%dma_wait3A_248 : memref<10000x128xf32, #tpu.memory_space<vmem_shared>>)
      tpu.yield
    }) : () -> ()
    %mul3A_52 = arith.constant 10000 : i32
    %mul3A_53 = arith.muli %add3A, %mul3A_52 : i32
    %add3A_54 = arith.constant 2000 : i32
    %add3A_55 = arith.addi %mul3A_53, %add3A_54 : i32
    %dma_start3A_56 = tpu.memref_slice %arg3[%add3A_55] : memref<320000xi32, #tpu.memory_space<hbm>> -> memref<2000xi32, #tpu.memory_space<hbm>>
    %dma_start3A_57 = tpu.memref_slice %arg3[%add3A_55] : memref<320000xi32, #tpu.memory_space<hbm>> -> memref<2000xi32, #tpu.memory_space<hbm>>
    tpu.enqueue_dma source(%dma_start3A_57 : memref<2000xi32, #tpu.memory_space<hbm>>) target(%arg8 : memref<2000xi32, #tpu.memory_space<vmem>>) target_semaphore(%arg19 : memref<!tpu.dma_semaphore, #tpu.memory_space<semaphore_mem>>)
    %dma_start3A_58 = tpu.memref_slice %arg4[%add3A_55] : memref<320000xi32, #tpu.memory_space<hbm>> -> memref<2000xi32, #tpu.memory_space<hbm>>
    %dma_start3A_59 = tpu.memref_slice %arg4[%add3A_55] : memref<320000xi32, #tpu.memory_space<hbm>> -> memref<2000xi32, #tpu.memory_space<hbm>>
    tpu.enqueue_dma source(%dma_start3A_59 : memref<2000xi32, #tpu.memory_space<hbm>>) target(%arg9 : memref<2000xi32, #tpu.memory_space<vmem>>) target_semaphore(%arg19 : memref<!tpu.dma_semaphore, #tpu.memory_space<semaphore_mem>>)
    %dma_wait3A_60 = arith.constant 0 : i32
    %dma_wait3A_61 = tpu.memref_slice %arg3[%dma_wait3A_60] : memref<320000xi32, #tpu.memory_space<hbm>> -> memref<2000xi32, #tpu.memory_space<hbm>>
    %dma_wait3A_62 = arith.constant 0 : i32
    %dma_wait3A_63 = tpu.memref_slice %arg3[%dma_wait3A_62] : memref<320000xi32, #tpu.memory_space<hbm>> -> memref<2000xi32, #tpu.memory_space<hbm>>
    tpu.wait_dma2 semaphore(%arg19 : memref<!tpu.dma_semaphore, #tpu.memory_space<semaphore_mem>>) src(%dma_wait3A_63 : memref<2000xi32, #tpu.memory_space<hbm>>) dst(%arg8 : memref<2000xi32, #tpu.memory_space<vmem>>)
    %dma_wait3A_64 = arith.constant 0 : i32
    %dma_wait3A_65 = tpu.memref_slice %arg4[%dma_wait3A_64] : memref<320000xi32, #tpu.memory_space<hbm>> -> memref<2000xi32, #tpu.memory_space<hbm>>
    %dma_wait3A_66 = arith.constant 0 : i32
    %dma_wait3A_67 = tpu.memref_slice %arg4[%dma_wait3A_66] : memref<320000xi32, #tpu.memory_space<hbm>> -> memref<2000xi32, #tpu.memory_space<hbm>>
    tpu.wait_dma2 semaphore(%arg19 : memref<!tpu.dma_semaphore, #tpu.memory_space<semaphore_mem>>) src(%dma_wait3A_67 : memref<2000xi32, #tpu.memory_space<hbm>>) dst(%arg9 : memref<2000xi32, #tpu.memory_space<vmem>>)
    %dma_start3A_68 = arith.constant 0 : i32
    %dma_start3A_69 = tpu.memref_slice %arg8[%dma_start3A_68] : memref<2000xi32, #tpu.memory_space<vmem>> -> memref<80xi32, #tpu.memory_space<vmem>>
    %dma_start3A_70 = arith.constant 0 : i32
    %dma_start3A_71 = arith.constant 0 : i32
    %dma_start3A_72 = tpu.memref_slice %arg2[%dma_start3A_70, %dma_start3A_71] : memref<10000x128xf32, #tpu.memory_space<hbm>> -> memref<10000x128xf32, #tpu.memory_space<hbm>>
    tpu.enqueue_indirect_dma source(%dma_start3A_72 : memref<10000x128xf32, #tpu.memory_space<hbm>>) target(%arg12 : memref<80x128xf32, #tpu.memory_space<vmem>>) offsets(%dma_start3A_69 : memref<80xi32, #tpu.memory_space<vmem>>) semaphore(%arg17 : memref<!tpu.dma_semaphore, #tpu.memory_space<semaphore_mem>>)
    %dma_start3A_73 = arith.constant 80 : i32
    %dma_start3A_74 = tpu.memref_slice %arg8[%dma_start3A_73] : memref<2000xi32, #tpu.memory_space<vmem>> -> memref<80xi32, #tpu.memory_space<vmem>>
    %dma_start3A_75 = arith.constant 0 : i32
    %dma_start3A_76 = arith.constant 0 : i32
    %dma_start3A_77 = tpu.memref_slice %arg2[%dma_start3A_75, %dma_start3A_76] : memref<10000x128xf32, #tpu.memory_space<hbm>> -> memref<10000x128xf32, #tpu.memory_space<hbm>>
    tpu.enqueue_indirect_dma source(%dma_start3A_77 : memref<10000x128xf32, #tpu.memory_space<hbm>>) target(%arg13 : memref<80x128xf32, #tpu.memory_space<vmem>>) offsets(%dma_start3A_74 : memref<80xi32, #tpu.memory_space<vmem>>) semaphore(%arg18 : memref<!tpu.dma_semaphore, #tpu.memory_space<semaphore_mem>>)
    %scan3A_78 = arith.constant 0 : i32
    %scan3A_79 = arith.constant 0 : i32
    %scan3A_80 = arith.constant 8 : i32
    %scan3A_81 = arith.addi %scan3A_79, %scan3A_80 : i32
    %scan3A_82 = arith.constant 1 : i32
    scf.for %scan3A_236 = %scan3A_79 to %scan3A_81 step %scan3A_82  : i32 {
      %mul3A_237 = arith.constant 3 : i32
      %mul3A_238 = arith.muli %mul3A_237, %scan3A_236 : i32
      %add3A_239 = arith.constant 0 : i32
      %add3A_240 = arith.addi %mul3A_238, %add3A_239 : i32
      %mul3A_241 = arith.constant 80 : i32
      %mul3A_242 = arith.muli %add3A_240, %mul3A_241 : i32
      %dma_wait3A_243 = tpu.memref_slice %arg8[%mul3A_242] : memref<2000xi32, #tpu.memory_space<vmem>> -> memref<80xi32, #tpu.memory_space<vmem>>
      %dma_wait3A_244 = arith.constant 0 : i32
      %dma_wait3A_245 = arith.constant 0 : i32
      %dma_wait3A_246 = tpu.memref_slice %arg2[%dma_wait3A_244, %dma_wait3A_245] : memref<10000x128xf32, #tpu.memory_space<hbm>> -> memref<10000x128xf32, #tpu.memory_space<hbm>>
      tpu.wait_indirect_dma semaphore(%arg17 : memref<!tpu.dma_semaphore, #tpu.memory_space<semaphore_mem>>) src(%dma_wait3A_246 : memref<10000x128xf32, #tpu.memory_space<hbm>>) dst(%arg12 : memref<80x128xf32, #tpu.memory_space<vmem>>)
      %scan3A_247 = arith.constant 0 : i32
      %scan3A_248 = arith.constant 0 : i32
      %scan3A_249 = arith.constant 5 : i32
      %scan3A_250 = arith.addi %scan3A_248, %scan3A_249 : i32
      %scan3A_251 = arith.constant 1 : i32
      scf.for %scan3A_308 = %scan3A_248 to %scan3A_250 step %scan3A_251  : i32 {
        %mul3A_309 = arith.constant 80 : i32
        %mul3A_310 = arith.muli %add3A_240, %mul3A_309 : i32
        %mul3A_311 = arith.constant 16 : i32
        %mul3A_312 = arith.muli %scan3A_308, %mul3A_311 : i32
        %add3A_313 = arith.addi %mul3A_310, %mul3A_312 : i32
        %get3A = arith.index_cast %add3A_313 : i32 to index
        %get3A_314 = tpu.vector_load %arg9[%get3A] {strides = array<i32>} : memref<2000xi32, #tpu.memory_space<vmem>>, vector<16xi32>,
        %mul3A_315 = arith.constant 16 : i32
        %mul3A_316 = arith.muli %scan3A_308, %mul3A_315 : i32
        %swap3A = arith.constant 0 : i32
        %swap3A_317 = arith.index_cast %swap3A : i32 to index
        %swap3A_318 = arith.index_cast %mul3A_316 : i32 to index
        %swap3A_319 = tpu.vector_load %arg10[%swap3A_317, %swap3A_318] {strides = array<i32>} : memref<1x80xi32, #tpu.memory_space<vmem>>, vector<16xi32>,
        tpu.vector_store %arg10[%swap3A_317, %swap3A_318], %get3A_314 {strides = array<i32>} : memref<1x80xi32, #tpu.memory_space<vmem>>, vector<16xi32>,
        tpu.vector_store_idx %arg14[%get3A_314], %broadcast_in_dim3A_10 {add = true} : memref<10000xf32, #tpu.memory_space<vmem>>[vector<16xi32>], vector<16xf32>,
      }
      %scan3A_252 = arith.constant 5 : i32
      %run_scoped3A_253 = arith.constant 0 : i32
      "tpu.region"() ({
        %run_scoped3A_308 = tpu.sem_alloc : memref<!tpu.dma_semaphore, #tpu.memory_space<semaphore_mem>>
        %dma_start3A_309 = arith.constant 0 : i32
        %dma_start3A_310 = tpu.memref_slice %arg10[%run_scoped3A_253, %dma_start3A_309] : memref<1x80xi32, #tpu.memory_space<vmem>> -> memref<1x80xi32, #tpu.memory_space<vmem>>
        %dma_start3A_311 = tpu.memref_squeeze %dma_start3A_310 : memref<1x80xi32, #tpu.memory_space<vmem>> -> memref<80xi32, #tpu.memory_space<vmem>>
        %dma_start3A_312 = arith.constant 0 : i32
        %dma_start3A_313 = arith.constant 0 : i32
        %dma_start3A_314 = tpu.memref_slice %arg15[%dma_start3A_312, %dma_start3A_313] : memref<10000x128xf32, #tpu.memory_space<vmem_shared>> -> memref<10000x128xf32, #tpu.memory_space<vmem_shared>>
        tpu.enqueue_indirect_dma source(%arg12 : memref<80x128xf32, #tpu.memory_space<vmem>>) target(%dma_start3A_314 : memref<10000x128xf32, #tpu.memory_space<vmem_shared>>) offsets(%dma_start3A_311 : memref<80xi32, #tpu.memory_space<vmem>>) semaphore(%run_scoped3A_308 : memref<!tpu.dma_semaphore, #tpu.memory_space<semaphore_mem>>) {add = true}
        %dma_wait3A_315 = arith.constant 0 : i32
        %dma_wait3A_316 = tpu.memref_slice %arg10[%run_scoped3A_253, %dma_wait3A_315] : memref<1x80xi32, #tpu.memory_space<vmem>> -> memref<1x80xi32, #tpu.memory_space<vmem>>
        %dma_wait3A_317 = tpu.memref_squeeze %dma_wait3A_316 : memref<1x80xi32, #tpu.memory_space<vmem>> -> memref<80xi32, #tpu.memory_space<vmem>>
        %dma_wait3A_318 = arith.constant 0 : i32
        %dma_wait3A_319 = arith.constant 0 : i32
        %dma_wait3A_320 = tpu.memref_slice %arg15[%dma_wait3A_318, %dma_wait3A_319] : memref<10000x128xf32, #tpu.memory_space<vmem_shared>> -> memref<10000x128xf32, #tpu.memory_space<vmem_shared>>
        tpu.wait_indirect_dma semaphore(%run_scoped3A_308 : memref<!tpu.dma_semaphore, #tpu.memory_space<semaphore_mem>>) src(%arg12 : memref<80x128xf32, #tpu.memory_space<vmem>>) dst(%dma_wait3A_320 : memref<10000x128xf32, #tpu.memory_space<vmem_shared>>)
        tpu.yield
      }) : () -> ()
      %add3A_254 = arith.constant 2 : i32
      %add3A_255 = arith.addi %add3A_240, %add3A_254 : i32
      %lt3A = arith.constant 25 : i32
      %lt3A_256 = arith.cmpi slt, %add3A_255, %lt3A : i32
      %convert_element_type3A_257 = arith.extui %lt3A_256 : i1 to i32
      %cond3A_258 = arith.constant 0 : i32
      %cond3A_259 = arith.cmpi ne, %convert_element_type3A_257, %cond3A_258 : i32
      scf.if %cond3A_259 {
        %add3A_308 = arith.constant 2 : i32
        %add3A_309 = arith.addi %add3A_240, %add3A_308 : i32
        %mul3A_310 = arith.constant 80 : i32
        %mul3A_311 = arith.muli %add3A_309, %mul3A_310 : i32
        %dma_start3A_312 = tpu.memref_slice %arg8[%mul3A_311] : memref<2000xi32, #tpu.memory_space<vmem>> -> memref<80xi32, #tpu.memory_space<vmem>>
        %dma_start3A_313 = arith.constant 0 : i32
        %dma_start3A_314 = arith.constant 0 : i32
        %dma_start3A_315 = tpu.memref_slice %arg2[%dma_start3A_313, %dma_start3A_314] : memref<10000x128xf32, #tpu.memory_space<hbm>> -> memref<10000x128xf32, #tpu.memory_space<hbm>>
        tpu.enqueue_indirect_dma source(%dma_start3A_315 : memref<10000x128xf32, #tpu.memory_space<hbm>>) target(%arg11 : memref<80x128xf32, #tpu.memory_space<vmem>>) offsets(%dma_start3A_312 : memref<80xi32, #tpu.memory_space<vmem>>) semaphore(%arg16 : memref<!tpu.dma_semaphore, #tpu.memory_space<semaphore_mem>>)
      } else {
      }
      %mul3A_260 = arith.constant 3 : i32
      %mul3A_261 = arith.muli %mul3A_260, %scan3A_236 : i32
      %add3A_262 = arith.constant 1 : i32
      %add3A_263 = arith.addi %mul3A_261, %add3A_262 : i32
      %mul3A_264 = arith.constant 80 : i32
      %mul3A_265 = arith.muli %add3A_263, %mul3A_264 : i32
      %dma_wait3A_266 = tpu.memref_slice %arg8[%mul3A_265] : memref<2000xi32, #tpu.memory_space<vmem>> -> memref<80xi32, #tpu.memory_space<vmem>>
      %dma_wait3A_267 = arith.constant 0 : i32
      %dma_wait3A_268 = arith.constant 0 : i32
      %dma_wait3A_269 = tpu.memref_slice %arg2[%dma_wait3A_267, %dma_wait3A_268] : memref<10000x128xf32, #tpu.memory_space<hbm>> -> memref<10000x128xf32, #tpu.memory_space<hbm>>
      tpu.wait_indirect_dma semaphore(%arg18 : memref<!tpu.dma_semaphore, #tpu.memory_space<semaphore_mem>>) src(%dma_wait3A_269 : memref<10000x128xf32, #tpu.memory_space<hbm>>) dst(%arg13 : memref<80x128xf32, #tpu.memory_space<vmem>>)
      %scan3A_270 = arith.constant 0 : i32
      %scan3A_271 = arith.constant 0 : i32
      %scan3A_272 = arith.constant 5 : i32
      %scan3A_273 = arith.addi %scan3A_271, %scan3A_272 : i32
      %scan3A_274 = arith.constant 1 : i32
      scf.for %scan3A_308 = %scan3A_271 to %scan3A_273 step %scan3A_274  : i32 {
        %mul3A_309 = arith.constant 80 : i32
        %mul3A_310 = arith.muli %add3A_263, %mul3A_309 : i32
        %mul3A_311 = arith.constant 16 : i32
        %mul3A_312 = arith.muli %scan3A_308, %mul3A_311 : i32
        %add3A_313 = arith.addi %mul3A_310, %mul3A_312 : i32
        %get3A = arith.index_cast %add3A_313 : i32 to index
        %get3A_314 = tpu.vector_load %arg9[%get3A] {strides = array<i32>} : memref<2000xi32, #tpu.memory_space<vmem>>, vector<16xi32>,
        %mul3A_315 = arith.constant 16 : i32
        %mul3A_316 = arith.muli %scan3A_308, %mul3A_315 : i32
        %swap3A = arith.constant 0 : i32
        %swap3A_317 = arith.index_cast %swap3A : i32 to index
        %swap3A_318 = arith.index_cast %mul3A_316 : i32 to index
        %swap3A_319 = tpu.vector_load %arg10[%swap3A_317, %swap3A_318] {strides = array<i32>} : memref<1x80xi32, #tpu.memory_space<vmem>>, vector<16xi32>,
        tpu.vector_store %arg10[%swap3A_317, %swap3A_318], %get3A_314 {strides = array<i32>} : memref<1x80xi32, #tpu.memory_space<vmem>>, vector<16xi32>,
        tpu.vector_store_idx %arg14[%get3A_314], %broadcast_in_dim3A_10 {add = true} : memref<10000xf32, #tpu.memory_space<vmem>>[vector<16xi32>], vector<16xf32>,
      }
      %scan3A_275 = arith.constant 5 : i32
      %run_scoped3A_276 = arith.constant 0 : i32
      "tpu.region"() ({
        %run_scoped3A_308 = tpu.sem_alloc : memref<!tpu.dma_semaphore, #tpu.memory_space<semaphore_mem>>
        %dma_start3A_309 = arith.constant 0 : i32
        %dma_start3A_310 = tpu.memref_slice %arg10[%run_scoped3A_276, %dma_start3A_309] : memref<1x80xi32, #tpu.memory_space<vmem>> -> memref<1x80xi32, #tpu.memory_space<vmem>>
        %dma_start3A_311 = tpu.memref_squeeze %dma_start3A_310 : memref<1x80xi32, #tpu.memory_space<vmem>> -> memref<80xi32, #tpu.memory_space<vmem>>
        %dma_start3A_312 = arith.constant 0 : i32
        %dma_start3A_313 = arith.constant 0 : i32
        %dma_start3A_314 = tpu.memref_slice %arg15[%dma_start3A_312, %dma_start3A_313] : memref<10000x128xf32, #tpu.memory_space<vmem_shared>> -> memref<10000x128xf32, #tpu.memory_space<vmem_shared>>
        tpu.enqueue_indirect_dma source(%arg13 : memref<80x128xf32, #tpu.memory_space<vmem>>) target(%dma_start3A_314 : memref<10000x128xf32, #tpu.memory_space<vmem_shared>>) offsets(%dma_start3A_311 : memref<80xi32, #tpu.memory_space<vmem>>) semaphore(%run_scoped3A_308 : memref<!tpu.dma_semaphore, #tpu.memory_space<semaphore_mem>>) {add = true}
        %dma_wait3A_315 = arith.constant 0 : i32
        %dma_wait3A_316 = tpu.memref_slice %arg10[%run_scoped3A_276, %dma_wait3A_315] : memref<1x80xi32, #tpu.memory_space<vmem>> -> memref<1x80xi32, #tpu.memory_space<vmem>>
        %dma_wait3A_317 = tpu.memref_squeeze %dma_wait3A_316 : memref<1x80xi32, #tpu.memory_space<vmem>> -> memref<80xi32, #tpu.memory_space<vmem>>
        %dma_wait3A_318 = arith.constant 0 : i32
        %dma_wait3A_319 = arith.constant 0 : i32
        %dma_wait3A_320 = tpu.memref_slice %arg15[%dma_wait3A_318, %dma_wait3A_319] : memref<10000x128xf32, #tpu.memory_space<vmem_shared>> -> memref<10000x128xf32, #tpu.memory_space<vmem_shared>>
        tpu.wait_indirect_dma semaphore(%run_scoped3A_308 : memref<!tpu.dma_semaphore, #tpu.memory_space<semaphore_mem>>) src(%arg13 : memref<80x128xf32, #tpu.memory_space<vmem>>) dst(%dma_wait3A_320 : memref<10000x128xf32, #tpu.memory_space<vmem_shared>>)
        tpu.yield
      }) : () -> ()
      %add3A_277 = arith.constant 2 : i32
      %add3A_278 = arith.addi %add3A_263, %add3A_277 : i32
      %lt3A_279 = arith.constant 25 : i32
      %lt3A_280 = arith.cmpi slt, %add3A_278, %lt3A_279 : i32
      %convert_element_type3A_281 = arith.extui %lt3A_280 : i1 to i32
      %cond3A_282 = arith.constant 0 : i32
      %cond3A_283 = arith.cmpi ne, %convert_element_type3A_281, %cond3A_282 : i32
      scf.if %cond3A_283 {
        %add3A_308 = arith.constant 2 : i32
        %add3A_309 = arith.addi %add3A_263, %add3A_308 : i32
        %mul3A_310 = arith.constant 80 : i32
        %mul3A_311 = arith.muli %add3A_309, %mul3A_310 : i32
        %dma_start3A_312 = tpu.memref_slice %arg8[%mul3A_311] : memref<2000xi32, #tpu.memory_space<vmem>> -> memref<80xi32, #tpu.memory_space<vmem>>
        %dma_start3A_313 = arith.constant 0 : i32
        %dma_start3A_314 = arith.constant 0 : i32
        %dma_start3A_315 = tpu.memref_slice %arg2[%dma_start3A_313, %dma_start3A_314] : memref<10000x128xf32, #tpu.memory_space<hbm>> -> memref<10000x128xf32, #tpu.memory_space<hbm>>
        tpu.enqueue_indirect_dma source(%dma_start3A_315 : memref<10000x128xf32, #tpu.memory_space<hbm>>) target(%arg12 : memref<80x128xf32, #tpu.memory_space<vmem>>) offsets(%dma_start3A_312 : memref<80xi32, #tpu.memory_space<vmem>>) semaphore(%arg17 : memref<!tpu.dma_semaphore, #tpu.memory_space<semaphore_mem>>)
      } else {
      }
      %mul3A_284 = arith.constant 3 : i32
      %mul3A_285 = arith.muli %mul3A_284, %scan3A_236 : i32
      %add3A_286 = arith.constant 2 : i32
      %add3A_287 = arith.addi %mul3A_285, %add3A_286 : i32
      %mul3A_288 = arith.constant 80 : i32
      %mul3A_289 = arith.muli %add3A_287, %mul3A_288 : i32
      %dma_wait3A_290 = tpu.memref_slice %arg8[%mul3A_289] : memref<2000xi32, #tpu.memory_space<vmem>> -> memref<80xi32, #tpu.memory_space<vmem>>
      %dma_wait3A_291 = arith.constant 0 : i32
      %dma_wait3A_292 = arith.constant 0 : i32
      %dma_wait3A_293 = tpu.memref_slice %arg2[%dma_wait3A_291, %dma_wait3A_292] : memref<10000x128xf32, #tpu.memory_space<hbm>> -> memref<10000x128xf32, #tpu.memory_space<hbm>>
      tpu.wait_indirect_dma semaphore(%arg16 : memref<!tpu.dma_semaphore, #tpu.memory_space<semaphore_mem>>) src(%dma_wait3A_293 : memref<10000x128xf32, #tpu.memory_space<hbm>>) dst(%arg11 : memref<80x128xf32, #tpu.memory_space<vmem>>)
      %scan3A_294 = arith.constant 0 : i32
      %scan3A_295 = arith.constant 0 : i32
      %scan3A_296 = arith.constant 5 : i32
      %scan3A_297 = arith.addi %scan3A_295, %scan3A_296 : i32
      %scan3A_298 = arith.constant 1 : i32
      scf.for %scan3A_308 = %scan3A_295 to %scan3A_297 step %scan3A_298  : i32 {
        %mul3A_309 = arith.constant 80 : i32
        %mul3A_310 = arith.muli %add3A_287, %mul3A_309 : i32
        %mul3A_311 = arith.constant 16 : i32
        %mul3A_312 = arith.muli %scan3A_308, %mul3A_311 : i32
        %add3A_313 = arith.addi %mul3A_310, %mul3A_312 : i32
        %get3A = arith.index_cast %add3A_313 : i32 to index
        %get3A_314 = tpu.vector_load %arg9[%get3A] {strides = array<i32>} : memref<2000xi32, #tpu.memory_space<vmem>>, vector<16xi32>,
        %mul3A_315 = arith.constant 16 : i32
        %mul3A_316 = arith.muli %scan3A_308, %mul3A_315 : i32
        %swap3A = arith.constant 0 : i32
        %swap3A_317 = arith.index_cast %swap3A : i32 to index
        %swap3A_318 = arith.index_cast %mul3A_316 : i32 to index
        %swap3A_319 = tpu.vector_load %arg10[%swap3A_317, %swap3A_318] {strides = array<i32>} : memref<1x80xi32, #tpu.memory_space<vmem>>, vector<16xi32>,
        tpu.vector_store %arg10[%swap3A_317, %swap3A_318], %get3A_314 {strides = array<i32>} : memref<1x80xi32, #tpu.memory_space<vmem>>, vector<16xi32>,
        tpu.vector_store_idx %arg14[%get3A_314], %broadcast_in_dim3A_10 {add = true} : memref<10000xf32, #tpu.memory_space<vmem>>[vector<16xi32>], vector<16xf32>,
      }
      %scan3A_299 = arith.constant 5 : i32
      %run_scoped3A_300 = arith.constant 0 : i32
      "tpu.region"() ({
        %run_scoped3A_308 = tpu.sem_alloc : memref<!tpu.dma_semaphore, #tpu.memory_space<semaphore_mem>>
        %dma_start3A_309 = arith.constant 0 : i32
        %dma_start3A_310 = tpu.memref_slice %arg10[%run_scoped3A_300, %dma_start3A_309] : memref<1x80xi32, #tpu.memory_space<vmem>> -> memref<1x80xi32, #tpu.memory_space<vmem>>
        %dma_start3A_311 = tpu.memref_squeeze %dma_start3A_310 : memref<1x80xi32, #tpu.memory_space<vmem>> -> memref<80xi32, #tpu.memory_space<vmem>>
        %dma_start3A_312 = arith.constant 0 : i32
        %dma_start3A_313 = arith.constant 0 : i32
        %dma_start3A_314 = tpu.memref_slice %arg15[%dma_start3A_312, %dma_start3A_313] : memref<10000x128xf32, #tpu.memory_space<vmem_shared>> -> memref<10000x128xf32, #tpu.memory_space<vmem_shared>>
        tpu.enqueue_indirect_dma source(%arg11 : memref<80x128xf32, #tpu.memory_space<vmem>>) target(%dma_start3A_314 : memref<10000x128xf32, #tpu.memory_space<vmem_shared>>) offsets(%dma_start3A_311 : memref<80xi32, #tpu.memory_space<vmem>>) semaphore(%run_scoped3A_308 : memref<!tpu.dma_semaphore, #tpu.memory_space<semaphore_mem>>) {add = true}
        %dma_wait3A_315 = arith.constant 0 : i32
        %dma_wait3A_316 = tpu.memref_slice %arg10[%run_scoped3A_300, %dma_wait3A_315] : memref<1x80xi32, #tpu.memory_space<vmem>> -> memref<1x80xi32, #tpu.memory_space<vmem>>
        %dma_wait3A_317 = tpu.memref_squeeze %dma_wait3A_316 : memref<1x80xi32, #tpu.memory_space<vmem>> -> memref<80xi32, #tpu.memory_space<vmem>>
        %dma_wait3A_318 = arith.constant 0 : i32
        %dma_wait3A_319 = arith.constant 0 : i32
        %dma_wait3A_320 = tpu.memref_slice %arg15[%dma_wait3A_318, %dma_wait3A_319] : memref<10000x128xf32, #tpu.memory_space<vmem_shared>> -> memref<10000x128xf32, #tpu.memory_space<vmem_shared>>
        tpu.wait_indirect_dma semaphore(%run_scoped3A_308 : memref<!tpu.dma_semaphore, #tpu.memory_space<semaphore_mem>>) src(%arg11 : memref<80x128xf32, #tpu.memory_space<vmem>>) dst(%dma_wait3A_320 : memref<10000x128xf32, #tpu.memory_space<vmem_shared>>)
        tpu.yield
      }) : () -> ()
      %add3A_301 = arith.constant 2 : i32
      %add3A_302 = arith.addi %add3A_287, %add3A_301 : i32
      %lt3A_303 = arith.constant 25 : i32
      %lt3A_304 = arith.cmpi slt, %add3A_302, %lt3A_303 : i32
      %convert_element_type3A_305 = arith.extui %lt3A_304 : i1 to i32
      %cond3A_306 = arith.constant 0 : i32
      %cond3A_307 = arith.cmpi ne, %convert_element_type3A_305, %cond3A_306 : i32
      scf.if %cond3A_307 {
        %add3A_308 = arith.constant 2 : i32
        %add3A_309 = arith.addi %add3A_287, %add3A_308 : i32
        %mul3A_310 = arith.constant 80 : i32
        %mul3A_311 = arith.muli %add3A_309, %mul3A_310 : i32
        %dma_start3A_312 = tpu.memref_slice %arg8[%mul3A_311] : memref<2000xi32, #tpu.memory_space<vmem>> -> memref<80xi32, #tpu.memory_space<vmem>>
        %dma_start3A_313 = arith.constant 0 : i32
        %dma_start3A_314 = arith.constant 0 : i32
        %dma_start3A_315 = tpu.memref_slice %arg2[%dma_start3A_313, %dma_start3A_314] : memref<10000x128xf32, #tpu.memory_space<hbm>> -> memref<10000x128xf32, #tpu.memory_space<hbm>>
        tpu.enqueue_indirect_dma source(%dma_start3A_315 : memref<10000x128xf32, #tpu.memory_space<hbm>>) target(%arg13 : memref<80x128xf32, #tpu.memory_space<vmem>>) offsets(%dma_start3A_312 : memref<80xi32, #tpu.memory_space<vmem>>) semaphore(%arg18 : memref<!tpu.dma_semaphore, #tpu.memory_space<semaphore_mem>>)
      } else {
      }
    }
    %scan3A_83 = arith.constant 8 : i32
    %dma_wait3A_84 = arith.constant 1920 : i32
    %dma_wait3A_85 = tpu.memref_slice %arg8[%dma_wait3A_84] : memref<2000xi32, #tpu.memory_space<vmem>> -> memref<80xi32, #tpu.memory_space<vmem>>
    %dma_wait3A_86 = arith.constant 0 : i32
    %dma_wait3A_87 = arith.constant 0 : i32
    %dma_wait3A_88 = tpu.memref_slice %arg2[%dma_wait3A_86, %dma_wait3A_87] : memref<10000x128xf32, #tpu.memory_space<hbm>> -> memref<10000x128xf32, #tpu.memory_space<hbm>>
    tpu.wait_indirect_dma semaphore(%arg17 : memref<!tpu.dma_semaphore, #tpu.memory_space<semaphore_mem>>) src(%dma_wait3A_88 : memref<10000x128xf32, #tpu.memory_space<hbm>>) dst(%arg12 : memref<80x128xf32, #tpu.memory_space<vmem>>)
    %scan3A_89 = arith.constant 0 : i32
    %scan3A_90 = arith.constant 0 : i32
    %scan3A_91 = arith.constant 5 : i32
    %scan3A_92 = arith.addi %scan3A_90, %scan3A_91 : i32
    %scan3A_93 = arith.constant 1 : i32
    scf.for %scan3A_236 = %scan3A_90 to %scan3A_92 step %scan3A_93  : i32 {
      %mul3A_237 = arith.constant 16 : i32
      %mul3A_238 = arith.muli %scan3A_236, %mul3A_237 : i32
      %add3A_239 = arith.constant 1920 : i32
      %add3A_240 = arith.addi %add3A_239, %mul3A_238 : i32
      %get3A = arith.index_cast %add3A_240 : i32 to index
      %get3A_241 = tpu.vector_load %arg9[%get3A] {strides = array<i32>} : memref<2000xi32, #tpu.memory_space<vmem>>, vector<16xi32>,
      %mul3A_242 = arith.constant 16 : i32
      %mul3A_243 = arith.muli %scan3A_236, %mul3A_242 : i32
      %swap3A = arith.constant 0 : i32
      %swap3A_244 = arith.index_cast %swap3A : i32 to index
      %swap3A_245 = arith.index_cast %mul3A_243 : i32 to index
      %swap3A_246 = tpu.vector_load %arg10[%swap3A_244, %swap3A_245] {strides = array<i32>} : memref<1x80xi32, #tpu.memory_space<vmem>>, vector<16xi32>,
      tpu.vector_store %arg10[%swap3A_244, %swap3A_245], %get3A_241 {strides = array<i32>} : memref<1x80xi32, #tpu.memory_space<vmem>>, vector<16xi32>,
      tpu.vector_store_idx %arg14[%get3A_241], %broadcast_in_dim3A_10 {add = true} : memref<10000xf32, #tpu.memory_space<vmem>>[vector<16xi32>], vector<16xf32>,
    }
    %scan3A_94 = arith.constant 5 : i32
    %run_scoped3A_95 = arith.constant 0 : i32
    "tpu.region"() ({
      %run_scoped3A_236 = tpu.sem_alloc : memref<!tpu.dma_semaphore, #tpu.memory_space<semaphore_mem>>
      %dma_start3A_237 = arith.constant 0 : i32
      %dma_start3A_238 = tpu.memref_slice %arg10[%run_scoped3A_95, %dma_start3A_237] : memref<1x80xi32, #tpu.memory_space<vmem>> -> memref<1x80xi32, #tpu.memory_space<vmem>>
      %dma_start3A_239 = tpu.memref_squeeze %dma_start3A_238 : memref<1x80xi32, #tpu.memory_space<vmem>> -> memref<80xi32, #tpu.memory_space<vmem>>
      %dma_start3A_240 = arith.constant 0 : i32
      %dma_start3A_241 = arith.constant 0 : i32
      %dma_start3A_242 = tpu.memref_slice %arg15[%dma_start3A_240, %dma_start3A_241] : memref<10000x128xf32, #tpu.memory_space<vmem_shared>> -> memref<10000x128xf32, #tpu.memory_space<vmem_shared>>
      tpu.enqueue_indirect_dma source(%arg12 : memref<80x128xf32, #tpu.memory_space<vmem>>) target(%dma_start3A_242 : memref<10000x128xf32, #tpu.memory_space<vmem_shared>>) offsets(%dma_start3A_239 : memref<80xi32, #tpu.memory_space<vmem>>) semaphore(%run_scoped3A_236 : memref<!tpu.dma_semaphore, #tpu.memory_space<semaphore_mem>>) {add = true}
      %dma_wait3A_243 = arith.constant 0 : i32
      %dma_wait3A_244 = tpu.memref_slice %arg10[%run_scoped3A_95, %dma_wait3A_243] : memref<1x80xi32, #tpu.memory_space<vmem>> -> memref<1x80xi32, #tpu.memory_space<vmem>>
      %dma_wait3A_245 = tpu.memref_squeeze %dma_wait3A_244 : memref<1x80xi32, #tpu.memory_space<vmem>> -> memref<80xi32, #tpu.memory_space<vmem>>
      %dma_wait3A_246 = arith.constant 0 : i32
      %dma_wait3A_247 = arith.constant 0 : i32
      %dma_wait3A_248 = tpu.memref_slice %arg15[%dma_wait3A_246, %dma_wait3A_247] : memref<10000x128xf32, #tpu.memory_space<vmem_shared>> -> memref<10000x128xf32, #tpu.memory_space<vmem_shared>>
      tpu.wait_indirect_dma semaphore(%run_scoped3A_236 : memref<!tpu.dma_semaphore, #tpu.memory_space<semaphore_mem>>) src(%arg12 : memref<80x128xf32, #tpu.memory_space<vmem>>) dst(%dma_wait3A_248 : memref<10000x128xf32, #tpu.memory_space<vmem_shared>>)
      tpu.yield
    }) : () -> ()
    %mul3A_96 = arith.constant 10000 : i32
    %mul3A_97 = arith.muli %add3A, %mul3A_96 : i32
    %add3A_98 = arith.constant 4000 : i32
    %add3A_99 = arith.addi %mul3A_97, %add3A_98 : i32
    %dma_start3A_100 = tpu.memref_slice %arg3[%add3A_99] : memref<320000xi32, #tpu.memory_space<hbm>> -> memref<2000xi32, #tpu.memory_space<hbm>>
    %dma_start3A_101 = tpu.memref_slice %arg3[%add3A_99] : memref<320000xi32, #tpu.memory_space<hbm>> -> memref<2000xi32, #tpu.memory_space<hbm>>
    tpu.enqueue_dma source(%dma_start3A_101 : memref<2000xi32, #tpu.memory_space<hbm>>) target(%arg8 : memref<2000xi32, #tpu.memory_space<vmem>>) target_semaphore(%arg19 : memref<!tpu.dma_semaphore, #tpu.memory_space<semaphore_mem>>)
    %dma_start3A_102 = tpu.memref_slice %arg4[%add3A_99] : memref<320000xi32, #tpu.memory_space<hbm>> -> memref<2000xi32, #tpu.memory_space<hbm>>
    %dma_start3A_103 = tpu.memref_slice %arg4[%add3A_99] : memref<320000xi32, #tpu.memory_space<hbm>> -> memref<2000xi32, #tpu.memory_space<hbm>>
    tpu.enqueue_dma source(%dma_start3A_103 : memref<2000xi32, #tpu.memory_space<hbm>>) target(%arg9 : memref<2000xi32, #tpu.memory_space<vmem>>) target_semaphore(%arg19 : memref<!tpu.dma_semaphore, #tpu.memory_space<semaphore_mem>>)
    %dma_wait3A_104 = arith.constant 0 : i32
    %dma_wait3A_105 = tpu.memref_slice %arg3[%dma_wait3A_104] : memref<320000xi32, #tpu.memory_space<hbm>> -> memref<2000xi32, #tpu.memory_space<hbm>>
    %dma_wait3A_106 = arith.constant 0 : i32
    %dma_wait3A_107 = tpu.memref_slice %arg3[%dma_wait3A_106] : memref<320000xi32, #tpu.memory_space<hbm>> -> memref<2000xi32, #tpu.memory_space<hbm>>
    tpu.wait_dma2 semaphore(%arg19 : memref<!tpu.dma_semaphore, #tpu.memory_space<semaphore_mem>>) src(%dma_wait3A_107 : memref<2000xi32, #tpu.memory_space<hbm>>) dst(%arg8 : memref<2000xi32, #tpu.memory_space<vmem>>)
    %dma_wait3A_108 = arith.constant 0 : i32
    %dma_wait3A_109 = tpu.memref_slice %arg4[%dma_wait3A_108] : memref<320000xi32, #tpu.memory_space<hbm>> -> memref<2000xi32, #tpu.memory_space<hbm>>
    %dma_wait3A_110 = arith.constant 0 : i32
    %dma_wait3A_111 = tpu.memref_slice %arg4[%dma_wait3A_110] : memref<320000xi32, #tpu.memory_space<hbm>> -> memref<2000xi32, #tpu.memory_space<hbm>>
    tpu.wait_dma2 semaphore(%arg19 : memref<!tpu.dma_semaphore, #tpu.memory_space<semaphore_mem>>) src(%dma_wait3A_111 : memref<2000xi32, #tpu.memory_space<hbm>>) dst(%arg9 : memref<2000xi32, #tpu.memory_space<vmem>>)
    %dma_start3A_112 = arith.constant 0 : i32
    %dma_start3A_113 = tpu.memref_slice %arg8[%dma_start3A_112] : memref<2000xi32, #tpu.memory_space<vmem>> -> memref<80xi32, #tpu.memory_space<vmem>>
    %dma_start3A_114 = arith.constant 0 : i32
    %dma_start3A_115 = arith.constant 0 : i32
    %dma_start3A_116 = tpu.memref_slice %arg2[%dma_start3A_114, %dma_start3A_115] : memref<10000x128xf32, #tpu.memory_space<hbm>> -> memref<10000x128xf32, #tpu.memory_space<hbm>>
    tpu.enqueue_indirect_dma source(%dma_start3A_116 : memref<10000x128xf32, #tpu.memory_space<hbm>>) target(%arg13 : memref<80x128xf32, #tpu.memory_space<vmem>>) offsets(%dma_start3A_113 : memref<80xi32, #tpu.memory_space<vmem>>) semaphore(%arg18 : memref<!tpu.dma_semaphore, #tpu.memory_space<semaphore_mem>>)
    %dma_start3A_117 = arith.constant 80 : i32
    %dma_start3A_118 = tpu.memref_slice %arg8[%dma_start3A_117] : memref<2000xi32, #tpu.memory_space<vmem>> -> memref<80xi32, #tpu.memory_space<vmem>>
    %dma_start3A_119 = arith.constant 0 : i32
    %dma_start3A_120 = arith.constant 0 : i32
    %dma_start3A_121 = tpu.memref_slice %arg2[%dma_start3A_119, %dma_start3A_120] : memref<10000x128xf32, #tpu.memory_space<hbm>> -> memref<10000x128xf32, #tpu.memory_space<hbm>>
    tpu.enqueue_indirect_dma source(%dma_start3A_121 : memref<10000x128xf32, #tpu.memory_space<hbm>>) target(%arg11 : memref<80x128xf32, #tpu.memory_space<vmem>>) offsets(%dma_start3A_118 : memref<80xi32, #tpu.memory_space<vmem>>) semaphore(%arg16 : memref<!tpu.dma_semaphore, #tpu.memory_space<semaphore_mem>>)
    %scan3A_122 = arith.constant 0 : i32
    %scan3A_123 = arith.constant 0 : i32
    %scan3A_124 = arith.constant 8 : i32
    %scan3A_125 = arith.addi %scan3A_123, %scan3A_124 : i32
    %scan3A_126 = arith.constant 1 : i32
    scf.for %scan3A_236 = %scan3A_123 to %scan3A_125 step %scan3A_126  : i32 {
      %mul3A_237 = arith.constant 3 : i32
      %mul3A_238 = arith.muli %mul3A_237, %scan3A_236 : i32
      %add3A_239 = arith.constant 0 : i32
      %add3A_240 = arith.addi %mul3A_238, %add3A_239 : i32
      %mul3A_241 = arith.constant 80 : i32
      %mul3A_242 = arith.muli %add3A_240, %mul3A_241 : i32
      %dma_wait3A_243 = tpu.memref_slice %arg8[%mul3A_242] : memref<2000xi32, #tpu.memory_space<vmem>> -> memref<80xi32, #tpu.memory_space<vmem>>
      %dma_wait3A_244 = arith.constant 0 : i32
      %dma_wait3A_245 = arith.constant 0 : i32
      %dma_wait3A_246 = tpu.memref_slice %arg2[%dma_wait3A_244, %dma_wait3A_245] : memref<10000x128xf32, #tpu.memory_space<hbm>> -> memref<10000x128xf32, #tpu.memory_space<hbm>>
      tpu.wait_indirect_dma semaphore(%arg18 : memref<!tpu.dma_semaphore, #tpu.memory_space<semaphore_mem>>) src(%dma_wait3A_246 : memref<10000x128xf32, #tpu.memory_space<hbm>>) dst(%arg13 : memref<80x128xf32, #tpu.memory_space<vmem>>)
      %scan3A_247 = arith.constant 0 : i32
      %scan3A_248 = arith.constant 0 : i32
      %scan3A_249 = arith.constant 5 : i32
      %scan3A_250 = arith.addi %scan3A_248, %scan3A_249 : i32
      %scan3A_251 = arith.constant 1 : i32
      scf.for %scan3A_308 = %scan3A_248 to %scan3A_250 step %scan3A_251  : i32 {
        %mul3A_309 = arith.constant 80 : i32
        %mul3A_310 = arith.muli %add3A_240, %mul3A_309 : i32
        %mul3A_311 = arith.constant 16 : i32
        %mul3A_312 = arith.muli %scan3A_308, %mul3A_311 : i32
        %add3A_313 = arith.addi %mul3A_310, %mul3A_312 : i32
        %get3A = arith.index_cast %add3A_313 : i32 to index
        %get3A_314 = tpu.vector_load %arg9[%get3A] {strides = array<i32>} : memref<2000xi32, #tpu.memory_space<vmem>>, vector<16xi32>,
        %mul3A_315 = arith.constant 16 : i32
        %mul3A_316 = arith.muli %scan3A_308, %mul3A_315 : i32
        %swap3A = arith.constant 0 : i32
        %swap3A_317 = arith.index_cast %swap3A : i32 to index
        %swap3A_318 = arith.index_cast %mul3A_316 : i32 to index
        %swap3A_319 = tpu.vector_load %arg10[%swap3A_317, %swap3A_318] {strides = array<i32>} : memref<1x80xi32, #tpu.memory_space<vmem>>, vector<16xi32>,
        tpu.vector_store %arg10[%swap3A_317, %swap3A_318], %get3A_314 {strides = array<i32>} : memref<1x80xi32, #tpu.memory_space<vmem>>, vector<16xi32>,
        tpu.vector_store_idx %arg14[%get3A_314], %broadcast_in_dim3A_10 {add = true} : memref<10000xf32, #tpu.memory_space<vmem>>[vector<16xi32>], vector<16xf32>,
      }
      %scan3A_252 = arith.constant 5 : i32
      %run_scoped3A_253 = arith.constant 0 : i32
      "tpu.region"() ({
        %run_scoped3A_308 = tpu.sem_alloc : memref<!tpu.dma_semaphore, #tpu.memory_space<semaphore_mem>>
        %dma_start3A_309 = arith.constant 0 : i32
        %dma_start3A_310 = tpu.memref_slice %arg10[%run_scoped3A_253, %dma_start3A_309] : memref<1x80xi32, #tpu.memory_space<vmem>> -> memref<1x80xi32, #tpu.memory_space<vmem>>
        %dma_start3A_311 = tpu.memref_squeeze %dma_start3A_310 : memref<1x80xi32, #tpu.memory_space<vmem>> -> memref<80xi32, #tpu.memory_space<vmem>>
        %dma_start3A_312 = arith.constant 0 : i32
        %dma_start3A_313 = arith.constant 0 : i32
        %dma_start3A_314 = tpu.memref_slice %arg15[%dma_start3A_312, %dma_start3A_313] : memref<10000x128xf32, #tpu.memory_space<vmem_shared>> -> memref<10000x128xf32, #tpu.memory_space<vmem_shared>>
        tpu.enqueue_indirect_dma source(%arg13 : memref<80x128xf32, #tpu.memory_space<vmem>>) target(%dma_start3A_314 : memref<10000x128xf32, #tpu.memory_space<vmem_shared>>) offsets(%dma_start3A_311 : memref<80xi32, #tpu.memory_space<vmem>>) semaphore(%run_scoped3A_308 : memref<!tpu.dma_semaphore, #tpu.memory_space<semaphore_mem>>) {add = true}
        %dma_wait3A_315 = arith.constant 0 : i32
        %dma_wait3A_316 = tpu.memref_slice %arg10[%run_scoped3A_253, %dma_wait3A_315] : memref<1x80xi32, #tpu.memory_space<vmem>> -> memref<1x80xi32, #tpu.memory_space<vmem>>
        %dma_wait3A_317 = tpu.memref_squeeze %dma_wait3A_316 : memref<1x80xi32, #tpu.memory_space<vmem>> -> memref<80xi32, #tpu.memory_space<vmem>>
        %dma_wait3A_318 = arith.constant 0 : i32
        %dma_wait3A_319 = arith.constant 0 : i32
        %dma_wait3A_320 = tpu.memref_slice %arg15[%dma_wait3A_318, %dma_wait3A_319] : memref<10000x128xf32, #tpu.memory_space<vmem_shared>> -> memref<10000x128xf32, #tpu.memory_space<vmem_shared>>
        tpu.wait_indirect_dma semaphore(%run_scoped3A_308 : memref<!tpu.dma_semaphore, #tpu.memory_space<semaphore_mem>>) src(%arg13 : memref<80x128xf32, #tpu.memory_space<vmem>>) dst(%dma_wait3A_320 : memref<10000x128xf32, #tpu.memory_space<vmem_shared>>)
        tpu.yield
      }) : () -> ()
      %add3A_254 = arith.constant 2 : i32
      %add3A_255 = arith.addi %add3A_240, %add3A_254 : i32
      %lt3A = arith.constant 25 : i32
      %lt3A_256 = arith.cmpi slt, %add3A_255, %lt3A : i32
      %convert_element_type3A_257 = arith.extui %lt3A_256 : i1 to i32
      %cond3A_258 = arith.constant 0 : i32
      %cond3A_259 = arith.cmpi ne, %convert_element_type3A_257, %cond3A_258 : i32
      scf.if %cond3A_259 {
        %add3A_308 = arith.constant 2 : i32
        %add3A_309 = arith.addi %add3A_240, %add3A_308 : i32
        %mul3A_310 = arith.constant 80 : i32
        %mul3A_311 = arith.muli %add3A_309, %mul3A_310 : i32
        %dma_start3A_312 = tpu.memref_slice %arg8[%mul3A_311] : memref<2000xi32, #tpu.memory_space<vmem>> -> memref<80xi32, #tpu.memory_space<vmem>>
        %dma_start3A_313 = arith.constant 0 : i32
        %dma_start3A_314 = arith.constant 0 : i32
        %dma_start3A_315 = tpu.memref_slice %arg2[%dma_start3A_313, %dma_start3A_314] : memref<10000x128xf32, #tpu.memory_space<hbm>> -> memref<10000x128xf32, #tpu.memory_space<hbm>>
        tpu.enqueue_indirect_dma source(%dma_start3A_315 : memref<10000x128xf32, #tpu.memory_space<hbm>>) target(%arg12 : memref<80x128xf32, #tpu.memory_space<vmem>>) offsets(%dma_start3A_312 : memref<80xi32, #tpu.memory_space<vmem>>) semaphore(%arg17 : memref<!tpu.dma_semaphore, #tpu.memory_space<semaphore_mem>>)
      } else {
      }
      %mul3A_260 = arith.constant 3 : i32
      %mul3A_261 = arith.muli %mul3A_260, %scan3A_236 : i32
      %add3A_262 = arith.constant 1 : i32
      %add3A_263 = arith.addi %mul3A_261, %add3A_262 : i32
      %mul3A_264 = arith.constant 80 : i32
      %mul3A_265 = arith.muli %add3A_263, %mul3A_264 : i32
      %dma_wait3A_266 = tpu.memref_slice %arg8[%mul3A_265] : memref<2000xi32, #tpu.memory_space<vmem>> -> memref<80xi32, #tpu.memory_space<vmem>>
      %dma_wait3A_267 = arith.constant 0 : i32
      %dma_wait3A_268 = arith.constant 0 : i32
      %dma_wait3A_269 = tpu.memref_slice %arg2[%dma_wait3A_267, %dma_wait3A_268] : memref<10000x128xf32, #tpu.memory_space<hbm>> -> memref<10000x128xf32, #tpu.memory_space<hbm>>
      tpu.wait_indirect_dma semaphore(%arg16 : memref<!tpu.dma_semaphore, #tpu.memory_space<semaphore_mem>>) src(%dma_wait3A_269 : memref<10000x128xf32, #tpu.memory_space<hbm>>) dst(%arg11 : memref<80x128xf32, #tpu.memory_space<vmem>>)
      %scan3A_270 = arith.constant 0 : i32
      %scan3A_271 = arith.constant 0 : i32
      %scan3A_272 = arith.constant 5 : i32
      %scan3A_273 = arith.addi %scan3A_271, %scan3A_272 : i32
      %scan3A_274 = arith.constant 1 : i32
      scf.for %scan3A_308 = %scan3A_271 to %scan3A_273 step %scan3A_274  : i32 {
        %mul3A_309 = arith.constant 80 : i32
        %mul3A_310 = arith.muli %add3A_263, %mul3A_309 : i32
        %mul3A_311 = arith.constant 16 : i32
        %mul3A_312 = arith.muli %scan3A_308, %mul3A_311 : i32
        %add3A_313 = arith.addi %mul3A_310, %mul3A_312 : i32
        %get3A = arith.index_cast %add3A_313 : i32 to index
        %get3A_314 = tpu.vector_load %arg9[%get3A] {strides = array<i32>} : memref<2000xi32, #tpu.memory_space<vmem>>, vector<16xi32>,
        %mul3A_315 = arith.constant 16 : i32
        %mul3A_316 = arith.muli %scan3A_308, %mul3A_315 : i32
        %swap3A = arith.constant 0 : i32
        %swap3A_317 = arith.index_cast %swap3A : i32 to index
        %swap3A_318 = arith.index_cast %mul3A_316 : i32 to index
        %swap3A_319 = tpu.vector_load %arg10[%swap3A_317, %swap3A_318] {strides = array<i32>} : memref<1x80xi32, #tpu.memory_space<vmem>>, vector<16xi32>,
        tpu.vector_store %arg10[%swap3A_317, %swap3A_318], %get3A_314 {strides = array<i32>} : memref<1x80xi32, #tpu.memory_space<vmem>>, vector<16xi32>,
        tpu.vector_store_idx %arg14[%get3A_314], %broadcast_in_dim3A_10 {add = true} : memref<10000xf32, #tpu.memory_space<vmem>>[vector<16xi32>], vector<16xf32>,
      }
      %scan3A_275 = arith.constant 5 : i32
      %run_scoped3A_276 = arith.constant 0 : i32
      "tpu.region"() ({
        %run_scoped3A_308 = tpu.sem_alloc : memref<!tpu.dma_semaphore, #tpu.memory_space<semaphore_mem>>
        %dma_start3A_309 = arith.constant 0 : i32
        %dma_start3A_310 = tpu.memref_slice %arg10[%run_scoped3A_276, %dma_start3A_309] : memref<1x80xi32, #tpu.memory_space<vmem>> -> memref<1x80xi32, #tpu.memory_space<vmem>>
        %dma_start3A_311 = tpu.memref_squeeze %dma_start3A_310 : memref<1x80xi32, #tpu.memory_space<vmem>> -> memref<80xi32, #tpu.memory_space<vmem>>
        %dma_start3A_312 = arith.constant 0 : i32
        %dma_start3A_313 = arith.constant 0 : i32
        %dma_start3A_314 = tpu.memref_slice %arg15[%dma_start3A_312, %dma_start3A_313] : memref<10000x128xf32, #tpu.memory_space<vmem_shared>> -> memref<10000x128xf32, #tpu.memory_space<vmem_shared>>
        tpu.enqueue_indirect_dma source(%arg11 : memref<80x128xf32, #tpu.memory_space<vmem>>) target(%dma_start3A_314 : memref<10000x128xf32, #tpu.memory_space<vmem_shared>>) offsets(%dma_start3A_311 : memref<80xi32, #tpu.memory_space<vmem>>) semaphore(%run_scoped3A_308 : memref<!tpu.dma_semaphore, #tpu.memory_space<semaphore_mem>>) {add = true}
        %dma_wait3A_315 = arith.constant 0 : i32
        %dma_wait3A_316 = tpu.memref_slice %arg10[%run_scoped3A_276, %dma_wait3A_315] : memref<1x80xi32, #tpu.memory_space<vmem>> -> memref<1x80xi32, #tpu.memory_space<vmem>>
        %dma_wait3A_317 = tpu.memref_squeeze %dma_wait3A_316 : memref<1x80xi32, #tpu.memory_space<vmem>> -> memref<80xi32, #tpu.memory_space<vmem>>
        %dma_wait3A_318 = arith.constant 0 : i32
        %dma_wait3A_319 = arith.constant 0 : i32
        %dma_wait3A_320 = tpu.memref_slice %arg15[%dma_wait3A_318, %dma_wait3A_319] : memref<10000x128xf32, #tpu.memory_space<vmem_shared>> -> memref<10000x128xf32, #tpu.memory_space<vmem_shared>>
        tpu.wait_indirect_dma semaphore(%run_scoped3A_308 : memref<!tpu.dma_semaphore, #tpu.memory_space<semaphore_mem>>) src(%arg11 : memref<80x128xf32, #tpu.memory_space<vmem>>) dst(%dma_wait3A_320 : memref<10000x128xf32, #tpu.memory_space<vmem_shared>>)
        tpu.yield
      }) : () -> ()
      %add3A_277 = arith.constant 2 : i32
      %add3A_278 = arith.addi %add3A_263, %add3A_277 : i32
      %lt3A_279 = arith.constant 25 : i32
      %lt3A_280 = arith.cmpi slt, %add3A_278, %lt3A_279 : i32
      %convert_element_type3A_281 = arith.extui %lt3A_280 : i1 to i32
      %cond3A_282 = arith.constant 0 : i32
      %cond3A_283 = arith.cmpi ne, %convert_element_type3A_281, %cond3A_282 : i32
      scf.if %cond3A_283 {
        %add3A_308 = arith.constant 2 : i32
        %add3A_309 = arith.addi %add3A_263, %add3A_308 : i32
        %mul3A_310 = arith.constant 80 : i32
        %mul3A_311 = arith.muli %add3A_309, %mul3A_310 : i32
        %dma_start3A_312 = tpu.memref_slice %arg8[%mul3A_311] : memref<2000xi32, #tpu.memory_space<vmem>> -> memref<80xi32, #tpu.memory_space<vmem>>
        %dma_start3A_313 = arith.constant 0 : i32
        %dma_start3A_314 = arith.constant 0 : i32
        %dma_start3A_315 = tpu.memref_slice %arg2[%dma_start3A_313, %dma_start3A_314] : memref<10000x128xf32, #tpu.memory_space<hbm>> -> memref<10000x128xf32, #tpu.memory_space<hbm>>
        tpu.enqueue_indirect_dma source(%dma_start3A_315 : memref<10000x128xf32, #tpu.memory_space<hbm>>) target(%arg13 : memref<80x128xf32, #tpu.memory_space<vmem>>) offsets(%dma_start3A_312 : memref<80xi32, #tpu.memory_space<vmem>>) semaphore(%arg18 : memref<!tpu.dma_semaphore, #tpu.memory_space<semaphore_mem>>)
      } else {
      }
      %mul3A_284 = arith.constant 3 : i32
      %mul3A_285 = arith.muli %mul3A_284, %scan3A_236 : i32
      %add3A_286 = arith.constant 2 : i32
      %add3A_287 = arith.addi %mul3A_285, %add3A_286 : i32
      %mul3A_288 = arith.constant 80 : i32
      %mul3A_289 = arith.muli %add3A_287, %mul3A_288 : i32
      %dma_wait3A_290 = tpu.memref_slice %arg8[%mul3A_289] : memref<2000xi32, #tpu.memory_space<vmem>> -> memref<80xi32, #tpu.memory_space<vmem>>
      %dma_wait3A_291 = arith.constant 0 : i32
      %dma_wait3A_292 = arith.constant 0 : i32
      %dma_wait3A_293 = tpu.memref_slice %arg2[%dma_wait3A_291, %dma_wait3A_292] : memref<10000x128xf32, #tpu.memory_space<hbm>> -> memref<10000x128xf32, #tpu.memory_space<hbm>>
      tpu.wait_indirect_dma semaphore(%arg17 : memref<!tpu.dma_semaphore, #tpu.memory_space<semaphore_mem>>) src(%dma_wait3A_293 : memref<10000x128xf32, #tpu.memory_space<hbm>>) dst(%arg12 : memref<80x128xf32, #tpu.memory_space<vmem>>)
      %scan3A_294 = arith.constant 0 : i32
      %scan3A_295 = arith.constant 0 : i32
      %scan3A_296 = arith.constant 5 : i32
      %scan3A_297 = arith.addi %scan3A_295, %scan3A_296 : i32
      %scan3A_298 = arith.constant 1 : i32
      scf.for %scan3A_308 = %scan3A_295 to %scan3A_297 step %scan3A_298  : i32 {
        %mul3A_309 = arith.constant 80 : i32
        %mul3A_310 = arith.muli %add3A_287, %mul3A_309 : i32
        %mul3A_311 = arith.constant 16 : i32
        %mul3A_312 = arith.muli %scan3A_308, %mul3A_311 : i32
        %add3A_313 = arith.addi %mul3A_310, %mul3A_312 : i32
        %get3A = arith.index_cast %add3A_313 : i32 to index
        %get3A_314 = tpu.vector_load %arg9[%get3A] {strides = array<i32>} : memref<2000xi32, #tpu.memory_space<vmem>>, vector<16xi32>,
        %mul3A_315 = arith.constant 16 : i32
        %mul3A_316 = arith.muli %scan3A_308, %mul3A_315 : i32
        %swap3A = arith.constant 0 : i32
        %swap3A_317 = arith.index_cast %swap3A : i32 to index
        %swap3A_318 = arith.index_cast %mul3A_316 : i32 to index
        %swap3A_319 = tpu.vector_load %arg10[%swap3A_317, %swap3A_318] {strides = array<i32>} : memref<1x80xi32, #tpu.memory_space<vmem>>, vector<16xi32>,
        tpu.vector_store %arg10[%swap3A_317, %swap3A_318], %get3A_314 {strides = array<i32>} : memref<1x80xi32, #tpu.memory_space<vmem>>, vector<16xi32>,
        tpu.vector_store_idx %arg14[%get3A_314], %broadcast_in_dim3A_10 {add = true} : memref<10000xf32, #tpu.memory_space<vmem>>[vector<16xi32>], vector<16xf32>,
      }
      %scan3A_299 = arith.constant 5 : i32
      %run_scoped3A_300 = arith.constant 0 : i32
      "tpu.region"() ({
        %run_scoped3A_308 = tpu.sem_alloc : memref<!tpu.dma_semaphore, #tpu.memory_space<semaphore_mem>>
        %dma_start3A_309 = arith.constant 0 : i32
        %dma_start3A_310 = tpu.memref_slice %arg10[%run_scoped3A_300, %dma_start3A_309] : memref<1x80xi32, #tpu.memory_space<vmem>> -> memref<1x80xi32, #tpu.memory_space<vmem>>
        %dma_start3A_311 = tpu.memref_squeeze %dma_start3A_310 : memref<1x80xi32, #tpu.memory_space<vmem>> -> memref<80xi32, #tpu.memory_space<vmem>>
        %dma_start3A_312 = arith.constant 0 : i32
        %dma_start3A_313 = arith.constant 0 : i32
        %dma_start3A_314 = tpu.memref_slice %arg15[%dma_start3A_312, %dma_start3A_313] : memref<10000x128xf32, #tpu.memory_space<vmem_shared>> -> memref<10000x128xf32, #tpu.memory_space<vmem_shared>>
        tpu.enqueue_indirect_dma source(%arg12 : memref<80x128xf32, #tpu.memory_space<vmem>>) target(%dma_start3A_314 : memref<10000x128xf32, #tpu.memory_space<vmem_shared>>) offsets(%dma_start3A_311 : memref<80xi32, #tpu.memory_space<vmem>>) semaphore(%run_scoped3A_308 : memref<!tpu.dma_semaphore, #tpu.memory_space<semaphore_mem>>) {add = true}
        %dma_wait3A_315 = arith.constant 0 : i32
        %dma_wait3A_316 = tpu.memref_slice %arg10[%run_scoped3A_300, %dma_wait3A_315] : memref<1x80xi32, #tpu.memory_space<vmem>> -> memref<1x80xi32, #tpu.memory_space<vmem>>
        %dma_wait3A_317 = tpu.memref_squeeze %dma_wait3A_316 : memref<1x80xi32, #tpu.memory_space<vmem>> -> memref<80xi32, #tpu.memory_space<vmem>>
        %dma_wait3A_318 = arith.constant 0 : i32
        %dma_wait3A_319 = arith.constant 0 : i32
        %dma_wait3A_320 = tpu.memref_slice %arg15[%dma_wait3A_318, %dma_wait3A_319] : memref<10000x128xf32, #tpu.memory_space<vmem_shared>> -> memref<10000x128xf32, #tpu.memory_space<vmem_shared>>
        tpu.wait_indirect_dma semaphore(%run_scoped3A_308 : memref<!tpu.dma_semaphore, #tpu.memory_space<semaphore_mem>>) src(%arg12 : memref<80x128xf32, #tpu.memory_space<vmem>>) dst(%dma_wait3A_320 : memref<10000x128xf32, #tpu.memory_space<vmem_shared>>)
        tpu.yield
      }) : () -> ()
      %add3A_301 = arith.constant 2 : i32
      %add3A_302 = arith.addi %add3A_287, %add3A_301 : i32
      %lt3A_303 = arith.constant 25 : i32
      %lt3A_304 = arith.cmpi slt, %add3A_302, %lt3A_303 : i32
      %convert_element_type3A_305 = arith.extui %lt3A_304 : i1 to i32
      %cond3A_306 = arith.constant 0 : i32
      %cond3A_307 = arith.cmpi ne, %convert_element_type3A_305, %cond3A_306 : i32
      scf.if %cond3A_307 {
        %add3A_308 = arith.constant 2 : i32
        %add3A_309 = arith.addi %add3A_287, %add3A_308 : i32
        %mul3A_310 = arith.constant 80 : i32
        %mul3A_311 = arith.muli %add3A_309, %mul3A_310 : i32
        %dma_start3A_312 = tpu.memref_slice %arg8[%mul3A_311] : memref<2000xi32, #tpu.memory_space<vmem>> -> memref<80xi32, #tpu.memory_space<vmem>>
        %dma_start3A_313 = arith.constant 0 : i32
        %dma_start3A_314 = arith.constant 0 : i32
        %dma_start3A_315 = tpu.memref_slice %arg2[%dma_start3A_313, %dma_start3A_314] : memref<10000x128xf32, #tpu.memory_space<hbm>> -> memref<10000x128xf32, #tpu.memory_space<hbm>>
        tpu.enqueue_indirect_dma source(%dma_start3A_315 : memref<10000x128xf32, #tpu.memory_space<hbm>>) target(%arg11 : memref<80x128xf32, #tpu.memory_space<vmem>>) offsets(%dma_start3A_312 : memref<80xi32, #tpu.memory_space<vmem>>) semaphore(%arg16 : memref<!tpu.dma_semaphore, #tpu.memory_space<semaphore_mem>>)
      } else {
      }
    }
    %scan3A_127 = arith.constant 8 : i32
    %dma_wait3A_128 = arith.constant 1920 : i32
    %dma_wait3A_129 = tpu.memref_slice %arg8[%dma_wait3A_128] : memref<2000xi32, #tpu.memory_space<vmem>> -> memref<80xi32, #tpu.memory_space<vmem>>
    %dma_wait3A_130 = arith.constant 0 : i32
    %dma_wait3A_131 = arith.constant 0 : i32
    %dma_wait3A_132 = tpu.memref_slice %arg2[%dma_wait3A_130, %dma_wait3A_131] : memref<10000x128xf32, #tpu.memory_space<hbm>> -> memref<10000x128xf32, #tpu.memory_space<hbm>>
    tpu.wait_indirect_dma semaphore(%arg18 : memref<!tpu.dma_semaphore, #tpu.memory_space<semaphore_mem>>) src(%dma_wait3A_132 : memref<10000x128xf32, #tpu.memory_space<hbm>>) dst(%arg13 : memref<80x128xf32, #tpu.memory_space<vmem>>)
    %scan3A_133 = arith.constant 0 : i32
    %scan3A_134 = arith.constant 0 : i32
    %scan3A_135 = arith.constant 5 : i32
    %scan3A_136 = arith.addi %scan3A_134, %scan3A_135 : i32
    %scan3A_137 = arith.constant 1 : i32
    scf.for %scan3A_236 = %scan3A_134 to %scan3A_136 step %scan3A_137  : i32 {
      %mul3A_237 = arith.constant 16 : i32
      %mul3A_238 = arith.muli %scan3A_236, %mul3A_237 : i32
      %add3A_239 = arith.constant 1920 : i32
      %add3A_240 = arith.addi %add3A_239, %mul3A_238 : i32
      %get3A = arith.index_cast %add3A_240 : i32 to index
      %get3A_241 = tpu.vector_load %arg9[%get3A] {strides = array<i32>} : memref<2000xi32, #tpu.memory_space<vmem>>, vector<16xi32>,
      %mul3A_242 = arith.constant 16 : i32
      %mul3A_243 = arith.muli %scan3A_236, %mul3A_242 : i32
      %swap3A = arith.constant 0 : i32
      %swap3A_244 = arith.index_cast %swap3A : i32 to index
      %swap3A_245 = arith.index_cast %mul3A_243 : i32 to index
      %swap3A_246 = tpu.vector_load %arg10[%swap3A_244, %swap3A_245] {strides = array<i32>} : memref<1x80xi32, #tpu.memory_space<vmem>>, vector<16xi32>,
      tpu.vector_store %arg10[%swap3A_244, %swap3A_245], %get3A_241 {strides = array<i32>} : memref<1x80xi32, #tpu.memory_space<vmem>>, vector<16xi32>,
      tpu.vector_store_idx %arg14[%get3A_241], %broadcast_in_dim3A_10 {add = true} : memref<10000xf32, #tpu.memory_space<vmem>>[vector<16xi32>], vector<16xf32>,
    }
    %scan3A_138 = arith.constant 5 : i32
    %run_scoped3A_139 = arith.constant 0 : i32
    "tpu.region"() ({
      %run_scoped3A_236 = tpu.sem_alloc : memref<!tpu.dma_semaphore, #tpu.memory_space<semaphore_mem>>
      %dma_start3A_237 = arith.constant 0 : i32
      %dma_start3A_238 = tpu.memref_slice %arg10[%run_scoped3A_139, %dma_start3A_237] : memref<1x80xi32, #tpu.memory_space<vmem>> -> memref<1x80xi32, #tpu.memory_space<vmem>>
      %dma_start3A_239 = tpu.memref_squeeze %dma_start3A_238 : memref<1x80xi32, #tpu.memory_space<vmem>> -> memref<80xi32, #tpu.memory_space<vmem>>
      %dma_start3A_240 = arith.constant 0 : i32
      %dma_start3A_241 = arith.constant 0 : i32
      %dma_start3A_242 = tpu.memref_slice %arg15[%dma_start3A_240, %dma_start3A_241] : memref<10000x128xf32, #tpu.memory_space<vmem_shared>> -> memref<10000x128xf32, #tpu.memory_space<vmem_shared>>
      tpu.enqueue_indirect_dma source(%arg13 : memref<80x128xf32, #tpu.memory_space<vmem>>) target(%dma_start3A_242 : memref<10000x128xf32, #tpu.memory_space<vmem_shared>>) offsets(%dma_start3A_239 : memref<80xi32, #tpu.memory_space<vmem>>) semaphore(%run_scoped3A_236 : memref<!tpu.dma_semaphore, #tpu.memory_space<semaphore_mem>>) {add = true}
      %dma_wait3A_243 = arith.constant 0 : i32
      %dma_wait3A_244 = tpu.memref_slice %arg10[%run_scoped3A_139, %dma_wait3A_243] : memref<1x80xi32, #tpu.memory_space<vmem>> -> memref<1x80xi32, #tpu.memory_space<vmem>>
      %dma_wait3A_245 = tpu.memref_squeeze %dma_wait3A_244 : memref<1x80xi32, #tpu.memory_space<vmem>> -> memref<80xi32, #tpu.memory_space<vmem>>
      %dma_wait3A_246 = arith.constant 0 : i32
      %dma_wait3A_247 = arith.constant 0 : i32
      %dma_wait3A_248 = tpu.memref_slice %arg15[%dma_wait3A_246, %dma_wait3A_247] : memref<10000x128xf32, #tpu.memory_space<vmem_shared>> -> memref<10000x128xf32, #tpu.memory_space<vmem_shared>>
      tpu.wait_indirect_dma semaphore(%run_scoped3A_236 : memref<!tpu.dma_semaphore, #tpu.memory_space<semaphore_mem>>) src(%arg13 : memref<80x128xf32, #tpu.memory_space<vmem>>) dst(%dma_wait3A_248 : memref<10000x128xf32, #tpu.memory_space<vmem_shared>>)
      tpu.yield
    }) : () -> ()
    %mul3A_140 = arith.constant 10000 : i32
    %mul3A_141 = arith.muli %add3A, %mul3A_140 : i32
    %add3A_142 = arith.constant 6000 : i32
    %add3A_143 = arith.addi %mul3A_141, %add3A_142 : i32
    %dma_start3A_144 = tpu.memref_slice %arg3[%add3A_143] : memref<320000xi32, #tpu.memory_space<hbm>> -> memref<2000xi32, #tpu.memory_space<hbm>>
    %dma_start3A_145 = tpu.memref_slice %arg3[%add3A_143] : memref<320000xi32, #tpu.memory_space<hbm>> -> memref<2000xi32, #tpu.memory_space<hbm>>
    tpu.enqueue_dma source(%dma_start3A_145 : memref<2000xi32, #tpu.memory_space<hbm>>) target(%arg8 : memref<2000xi32, #tpu.memory_space<vmem>>) target_semaphore(%arg19 : memref<!tpu.dma_semaphore, #tpu.memory_space<semaphore_mem>>)
    %dma_start3A_146 = tpu.memref_slice %arg4[%add3A_143] : memref<320000xi32, #tpu.memory_space<hbm>> -> memref<2000xi32, #tpu.memory_space<hbm>>
    %dma_start3A_147 = tpu.memref_slice %arg4[%add3A_143] : memref<320000xi32, #tpu.memory_space<hbm>> -> memref<2000xi32, #tpu.memory_space<hbm>>
    tpu.enqueue_dma source(%dma_start3A_147 : memref<2000xi32, #tpu.memory_space<hbm>>) target(%arg9 : memref<2000xi32, #tpu.memory_space<vmem>>) target_semaphore(%arg19 : memref<!tpu.dma_semaphore, #tpu.memory_space<semaphore_mem>>)
    %dma_wait3A_148 = arith.constant 0 : i32
    %dma_wait3A_149 = tpu.memref_slice %arg3[%dma_wait3A_148] : memref<320000xi32, #tpu.memory_space<hbm>> -> memref<2000xi32, #tpu.memory_space<hbm>>
    %dma_wait3A_150 = arith.constant 0 : i32
    %dma_wait3A_151 = tpu.memref_slice %arg3[%dma_wait3A_150] : memref<320000xi32, #tpu.memory_space<hbm>> -> memref<2000xi32, #tpu.memory_space<hbm>>
    tpu.wait_dma2 semaphore(%arg19 : memref<!tpu.dma_semaphore, #tpu.memory_space<semaphore_mem>>) src(%dma_wait3A_151 : memref<2000xi32, #tpu.memory_space<hbm>>) dst(%arg8 : memref<2000xi32, #tpu.memory_space<vmem>>)
    %dma_wait3A_152 = arith.constant 0 : i32
    %dma_wait3A_153 = tpu.memref_slice %arg4[%dma_wait3A_152] : memref<320000xi32, #tpu.memory_space<hbm>> -> memref<2000xi32, #tpu.memory_space<hbm>>
    %dma_wait3A_154 = arith.constant 0 : i32
    %dma_wait3A_155 = tpu.memref_slice %arg4[%dma_wait3A_154] : memref<320000xi32, #tpu.memory_space<hbm>> -> memref<2000xi32, #tpu.memory_space<hbm>>
    tpu.wait_dma2 semaphore(%arg19 : memref<!tpu.dma_semaphore, #tpu.memory_space<semaphore_mem>>) src(%dma_wait3A_155 : memref<2000xi32, #tpu.memory_space<hbm>>) dst(%arg9 : memref<2000xi32, #tpu.memory_space<vmem>>)
    %dma_start3A_156 = arith.constant 0 : i32
    %dma_start3A_157 = tpu.memref_slice %arg8[%dma_start3A_156] : memref<2000xi32, #tpu.memory_space<vmem>> -> memref<80xi32, #tpu.memory_space<vmem>>
    %dma_start3A_158 = arith.constant 0 : i32
    %dma_start3A_159 = arith.constant 0 : i32
    %dma_start3A_160 = tpu.memref_slice %arg2[%dma_start3A_158, %dma_start3A_159] : memref<10000x128xf32, #tpu.memory_space<hbm>> -> memref<10000x128xf32, #tpu.memory_space<hbm>>
    tpu.enqueue_indirect_dma source(%dma_start3A_160 : memref<10000x128xf32, #tpu.memory_space<hbm>>) target(%arg11 : memref<80x128xf32, #tpu.memory_space<vmem>>) offsets(%dma_start3A_157 : memref<80xi32, #tpu.memory_space<vmem>>) semaphore(%arg16 : memref<!tpu.dma_semaphore, #tpu.memory_space<semaphore_mem>>)
    %dma_start3A_161 = arith.constant 80 : i32
    %dma_start3A_162 = tpu.memref_slice %arg8[%dma_start3A_161] : memref<2000xi32, #tpu.memory_space<vmem>> -> memref<80xi32, #tpu.memory_space<vmem>>
    %dma_start3A_163 = arith.constant 0 : i32
    %dma_start3A_164 = arith.constant 0 : i32
    %dma_start3A_165 = tpu.memref_slice %arg2[%dma_start3A_163, %dma_start3A_164] : memref<10000x128xf32, #tpu.memory_space<hbm>> -> memref<10000x128xf32, #tpu.memory_space<hbm>>
    tpu.enqueue_indirect_dma source(%dma_start3A_165 : memref<10000x128xf32, #tpu.memory_space<hbm>>) target(%arg12 : memref<80x128xf32, #tpu.memory_space<vmem>>) offsets(%dma_start3A_162 : memref<80xi32, #tpu.memory_space<vmem>>) semaphore(%arg17 : memref<!tpu.dma_semaphore, #tpu.memory_space<semaphore_mem>>)
    %scan3A_166 = arith.constant 0 : i32
    %scan3A_167 = arith.constant 0 : i32
    %scan3A_168 = arith.constant 8 : i32
    %scan3A_169 = arith.addi %scan3A_167, %scan3A_168 : i32
    %scan3A_170 = arith.constant 1 : i32
    scf.for %scan3A_236 = %scan3A_167 to %scan3A_169 step %scan3A_170  : i32 {
      %mul3A_237 = arith.constant 3 : i32
      %mul3A_238 = arith.muli %mul3A_237, %scan3A_236 : i32
      %add3A_239 = arith.constant 0 : i32
      %add3A_240 = arith.addi %mul3A_238, %add3A_239 : i32
      %mul3A_241 = arith.constant 80 : i32
      %mul3A_242 = arith.muli %add3A_240, %mul3A_241 : i32
      %dma_wait3A_243 = tpu.memref_slice %arg8[%mul3A_242] : memref<2000xi32, #tpu.memory_space<vmem>> -> memref<80xi32, #tpu.memory_space<vmem>>
      %dma_wait3A_244 = arith.constant 0 : i32
      %dma_wait3A_245 = arith.constant 0 : i32
      %dma_wait3A_246 = tpu.memref_slice %arg2[%dma_wait3A_244, %dma_wait3A_245] : memref<10000x128xf32, #tpu.memory_space<hbm>> -> memref<10000x128xf32, #tpu.memory_space<hbm>>
      tpu.wait_indirect_dma semaphore(%arg16 : memref<!tpu.dma_semaphore, #tpu.memory_space<semaphore_mem>>) src(%dma_wait3A_246 : memref<10000x128xf32, #tpu.memory_space<hbm>>) dst(%arg11 : memref<80x128xf32, #tpu.memory_space<vmem>>)
      %scan3A_247 = arith.constant 0 : i32
      %scan3A_248 = arith.constant 0 : i32
      %scan3A_249 = arith.constant 5 : i32
      %scan3A_250 = arith.addi %scan3A_248, %scan3A_249 : i32
      %scan3A_251 = arith.constant 1 : i32
      scf.for %scan3A_308 = %scan3A_248 to %scan3A_250 step %scan3A_251  : i32 {
        %mul3A_309 = arith.constant 80 : i32
        %mul3A_310 = arith.muli %add3A_240, %mul3A_309 : i32
        %mul3A_311 = arith.constant 16 : i32
        %mul3A_312 = arith.muli %scan3A_308, %mul3A_311 : i32
        %add3A_313 = arith.addi %mul3A_310, %mul3A_312 : i32
        %get3A = arith.index_cast %add3A_313 : i32 to index
        %get3A_314 = tpu.vector_load %arg9[%get3A] {strides = array<i32>} : memref<2000xi32, #tpu.memory_space<vmem>>, vector<16xi32>,
        %mul3A_315 = arith.constant 16 : i32
        %mul3A_316 = arith.muli %scan3A_308, %mul3A_315 : i32
        %swap3A = arith.constant 0 : i32
        %swap3A_317 = arith.index_cast %swap3A : i32 to index
        %swap3A_318 = arith.index_cast %mul3A_316 : i32 to index
        %swap3A_319 = tpu.vector_load %arg10[%swap3A_317, %swap3A_318] {strides = array<i32>} : memref<1x80xi32, #tpu.memory_space<vmem>>, vector<16xi32>,
        tpu.vector_store %arg10[%swap3A_317, %swap3A_318], %get3A_314 {strides = array<i32>} : memref<1x80xi32, #tpu.memory_space<vmem>>, vector<16xi32>,
        tpu.vector_store_idx %arg14[%get3A_314], %broadcast_in_dim3A_10 {add = true} : memref<10000xf32, #tpu.memory_space<vmem>>[vector<16xi32>], vector<16xf32>,
      }
      %scan3A_252 = arith.constant 5 : i32
      %run_scoped3A_253 = arith.constant 0 : i32
      "tpu.region"() ({
        %run_scoped3A_308 = tpu.sem_alloc : memref<!tpu.dma_semaphore, #tpu.memory_space<semaphore_mem>>
        %dma_start3A_309 = arith.constant 0 : i32
        %dma_start3A_310 = tpu.memref_slice %arg10[%run_scoped3A_253, %dma_start3A_309] : memref<1x80xi32, #tpu.memory_space<vmem>> -> memref<1x80xi32, #tpu.memory_space<vmem>>
        %dma_start3A_311 = tpu.memref_squeeze %dma_start3A_310 : memref<1x80xi32, #tpu.memory_space<vmem>> -> memref<80xi32, #tpu.memory_space<vmem>>
        %dma_start3A_312 = arith.constant 0 : i32
        %dma_start3A_313 = arith.constant 0 : i32
        %dma_start3A_314 = tpu.memref_slice %arg15[%dma_start3A_312, %dma_start3A_313] : memref<10000x128xf32, #tpu.memory_space<vmem_shared>> -> memref<10000x128xf32, #tpu.memory_space<vmem_shared>>
        tpu.enqueue_indirect_dma source(%arg11 : memref<80x128xf32, #tpu.memory_space<vmem>>) target(%dma_start3A_314 : memref<10000x128xf32, #tpu.memory_space<vmem_shared>>) offsets(%dma_start3A_311 : memref<80xi32, #tpu.memory_space<vmem>>) semaphore(%run_scoped3A_308 : memref<!tpu.dma_semaphore, #tpu.memory_space<semaphore_mem>>) {add = true}
        %dma_wait3A_315 = arith.constant 0 : i32
        %dma_wait3A_316 = tpu.memref_slice %arg10[%run_scoped3A_253, %dma_wait3A_315] : memref<1x80xi32, #tpu.memory_space<vmem>> -> memref<1x80xi32, #tpu.memory_space<vmem>>
        %dma_wait3A_317 = tpu.memref_squeeze %dma_wait3A_316 : memref<1x80xi32, #tpu.memory_space<vmem>> -> memref<80xi32, #tpu.memory_space<vmem>>
        %dma_wait3A_318 = arith.constant 0 : i32
        %dma_wait3A_319 = arith.constant 0 : i32
        %dma_wait3A_320 = tpu.memref_slice %arg15[%dma_wait3A_318, %dma_wait3A_319] : memref<10000x128xf32, #tpu.memory_space<vmem_shared>> -> memref<10000x128xf32, #tpu.memory_space<vmem_shared>>
        tpu.wait_indirect_dma semaphore(%run_scoped3A_308 : memref<!tpu.dma_semaphore, #tpu.memory_space<semaphore_mem>>) src(%arg11 : memref<80x128xf32, #tpu.memory_space<vmem>>) dst(%dma_wait3A_320 : memref<10000x128xf32, #tpu.memory_space<vmem_shared>>)
        tpu.yield
      }) : () -> ()
      %add3A_254 = arith.constant 2 : i32
      %add3A_255 = arith.addi %add3A_240, %add3A_254 : i32
      %lt3A = arith.constant 25 : i32
      %lt3A_256 = arith.cmpi slt, %add3A_255, %lt3A : i32
      %convert_element_type3A_257 = arith.extui %lt3A_256 : i1 to i32
      %cond3A_258 = arith.constant 0 : i32
      %cond3A_259 = arith.cmpi ne, %convert_element_type3A_257, %cond3A_258 : i32
      scf.if %cond3A_259 {
        %add3A_308 = arith.constant 2 : i32
        %add3A_309 = arith.addi %add3A_240, %add3A_308 : i32
        %mul3A_310 = arith.constant 80 : i32
        %mul3A_311 = arith.muli %add3A_309, %mul3A_310 : i32
        %dma_start3A_312 = tpu.memref_slice %arg8[%mul3A_311] : memref<2000xi32, #tpu.memory_space<vmem>> -> memref<80xi32, #tpu.memory_space<vmem>>
        %dma_start3A_313 = arith.constant 0 : i32
        %dma_start3A_314 = arith.constant 0 : i32
        %dma_start3A_315 = tpu.memref_slice %arg2[%dma_start3A_313, %dma_start3A_314] : memref<10000x128xf32, #tpu.memory_space<hbm>> -> memref<10000x128xf32, #tpu.memory_space<hbm>>
        tpu.enqueue_indirect_dma source(%dma_start3A_315 : memref<10000x128xf32, #tpu.memory_space<hbm>>) target(%arg13 : memref<80x128xf32, #tpu.memory_space<vmem>>) offsets(%dma_start3A_312 : memref<80xi32, #tpu.memory_space<vmem>>) semaphore(%arg18 : memref<!tpu.dma_semaphore, #tpu.memory_space<semaphore_mem>>)
      } else {
      }
      %mul3A_260 = arith.constant 3 : i32
      %mul3A_261 = arith.muli %mul3A_260, %scan3A_236 : i32
      %add3A_262 = arith.constant 1 : i32
      %add3A_263 = arith.addi %mul3A_261, %add3A_262 : i32
      %mul3A_264 = arith.constant 80 : i32
      %mul3A_265 = arith.muli %add3A_263, %mul3A_264 : i32
      %dma_wait3A_266 = tpu.memref_slice %arg8[%mul3A_265] : memref<2000xi32, #tpu.memory_space<vmem>> -> memref<80xi32, #tpu.memory_space<vmem>>
      %dma_wait3A_267 = arith.constant 0 : i32
      %dma_wait3A_268 = arith.constant 0 : i32
      %dma_wait3A_269 = tpu.memref_slice %arg2[%dma_wait3A_267, %dma_wait3A_268] : memref<10000x128xf32, #tpu.memory_space<hbm>> -> memref<10000x128xf32, #tpu.memory_space<hbm>>
      tpu.wait_indirect_dma semaphore(%arg17 : memref<!tpu.dma_semaphore, #tpu.memory_space<semaphore_mem>>) src(%dma_wait3A_269 : memref<10000x128xf32, #tpu.memory_space<hbm>>) dst(%arg12 : memref<80x128xf32, #tpu.memory_space<vmem>>)
      %scan3A_270 = arith.constant 0 : i32
      %scan3A_271 = arith.constant 0 : i32
      %scan3A_272 = arith.constant 5 : i32
      %scan3A_273 = arith.addi %scan3A_271, %scan3A_272 : i32
      %scan3A_274 = arith.constant 1 : i32
      scf.for %scan3A_308 = %scan3A_271 to %scan3A_273 step %scan3A_274  : i32 {
        %mul3A_309 = arith.constant 80 : i32
        %mul3A_310 = arith.muli %add3A_263, %mul3A_309 : i32
        %mul3A_311 = arith.constant 16 : i32
        %mul3A_312 = arith.muli %scan3A_308, %mul3A_311 : i32
        %add3A_313 = arith.addi %mul3A_310, %mul3A_312 : i32
        %get3A = arith.index_cast %add3A_313 : i32 to index
        %get3A_314 = tpu.vector_load %arg9[%get3A] {strides = array<i32>} : memref<2000xi32, #tpu.memory_space<vmem>>, vector<16xi32>,
        %mul3A_315 = arith.constant 16 : i32
        %mul3A_316 = arith.muli %scan3A_308, %mul3A_315 : i32
        %swap3A = arith.constant 0 : i32
        %swap3A_317 = arith.index_cast %swap3A : i32 to index
        %swap3A_318 = arith.index_cast %mul3A_316 : i32 to index
        %swap3A_319 = tpu.vector_load %arg10[%swap3A_317, %swap3A_318] {strides = array<i32>} : memref<1x80xi32, #tpu.memory_space<vmem>>, vector<16xi32>,
        tpu.vector_store %arg10[%swap3A_317, %swap3A_318], %get3A_314 {strides = array<i32>} : memref<1x80xi32, #tpu.memory_space<vmem>>, vector<16xi32>,
        tpu.vector_store_idx %arg14[%get3A_314], %broadcast_in_dim3A_10 {add = true} : memref<10000xf32, #tpu.memory_space<vmem>>[vector<16xi32>], vector<16xf32>,
      }
      %scan3A_275 = arith.constant 5 : i32
      %run_scoped3A_276 = arith.constant 0 : i32
      "tpu.region"() ({
        %run_scoped3A_308 = tpu.sem_alloc : memref<!tpu.dma_semaphore, #tpu.memory_space<semaphore_mem>>
        %dma_start3A_309 = arith.constant 0 : i32
        %dma_start3A_310 = tpu.memref_slice %arg10[%run_scoped3A_276, %dma_start3A_309] : memref<1x80xi32, #tpu.memory_space<vmem>> -> memref<1x80xi32, #tpu.memory_space<vmem>>
        %dma_start3A_311 = tpu.memref_squeeze %dma_start3A_310 : memref<1x80xi32, #tpu.memory_space<vmem>> -> memref<80xi32, #tpu.memory_space<vmem>>
        %dma_start3A_312 = arith.constant 0 : i32
        %dma_start3A_313 = arith.constant 0 : i32
        %dma_start3A_314 = tpu.memref_slice %arg15[%dma_start3A_312, %dma_start3A_313] : memref<10000x128xf32, #tpu.memory_space<vmem_shared>> -> memref<10000x128xf32, #tpu.memory_space<vmem_shared>>
        tpu.enqueue_indirect_dma source(%arg12 : memref<80x128xf32, #tpu.memory_space<vmem>>) target(%dma_start3A_314 : memref<10000x128xf32, #tpu.memory_space<vmem_shared>>) offsets(%dma_start3A_311 : memref<80xi32, #tpu.memory_space<vmem>>) semaphore(%run_scoped3A_308 : memref<!tpu.dma_semaphore, #tpu.memory_space<semaphore_mem>>) {add = true}
        %dma_wait3A_315 = arith.constant 0 : i32
        %dma_wait3A_316 = tpu.memref_slice %arg10[%run_scoped3A_276, %dma_wait3A_315] : memref<1x80xi32, #tpu.memory_space<vmem>> -> memref<1x80xi32, #tpu.memory_space<vmem>>
        %dma_wait3A_317 = tpu.memref_squeeze %dma_wait3A_316 : memref<1x80xi32, #tpu.memory_space<vmem>> -> memref<80xi32, #tpu.memory_space<vmem>>
        %dma_wait3A_318 = arith.constant 0 : i32
        %dma_wait3A_319 = arith.constant 0 : i32
        %dma_wait3A_320 = tpu.memref_slice %arg15[%dma_wait3A_318, %dma_wait3A_319] : memref<10000x128xf32, #tpu.memory_space<vmem_shared>> -> memref<10000x128xf32, #tpu.memory_space<vmem_shared>>
        tpu.wait_indirect_dma semaphore(%run_scoped3A_308 : memref<!tpu.dma_semaphore, #tpu.memory_space<semaphore_mem>>) src(%arg12 : memref<80x128xf32, #tpu.memory_space<vmem>>) dst(%dma_wait3A_320 : memref<10000x128xf32, #tpu.memory_space<vmem_shared>>)
        tpu.yield
      }) : () -> ()
      %add3A_277 = arith.constant 2 : i32
      %add3A_278 = arith.addi %add3A_263, %add3A_277 : i32
      %lt3A_279 = arith.constant 25 : i32
      %lt3A_280 = arith.cmpi slt, %add3A_278, %lt3A_279 : i32
      %convert_element_type3A_281 = arith.extui %lt3A_280 : i1 to i32
      %cond3A_282 = arith.constant 0 : i32
      %cond3A_283 = arith.cmpi ne, %convert_element_type3A_281, %cond3A_282 : i32
      scf.if %cond3A_283 {
        %add3A_308 = arith.constant 2 : i32
        %add3A_309 = arith.addi %add3A_263, %add3A_308 : i32
        %mul3A_310 = arith.constant 80 : i32
        %mul3A_311 = arith.muli %add3A_309, %mul3A_310 : i32
        %dma_start3A_312 = tpu.memref_slice %arg8[%mul3A_311] : memref<2000xi32, #tpu.memory_space<vmem>> -> memref<80xi32, #tpu.memory_space<vmem>>
        %dma_start3A_313 = arith.constant 0 : i32
        %dma_start3A_314 = arith.constant 0 : i32
        %dma_start3A_315 = tpu.memref_slice %arg2[%dma_start3A_313, %dma_start3A_314] : memref<10000x128xf32, #tpu.memory_space<hbm>> -> memref<10000x128xf32, #tpu.memory_space<hbm>>
        tpu.enqueue_indirect_dma source(%dma_start3A_315 : memref<10000x128xf32, #tpu.memory_space<hbm>>) target(%arg11 : memref<80x128xf32, #tpu.memory_space<vmem>>) offsets(%dma_start3A_312 : memref<80xi32, #tpu.memory_space<vmem>>) semaphore(%arg16 : memref<!tpu.dma_semaphore, #tpu.memory_space<semaphore_mem>>)
      } else {
      }
      %mul3A_284 = arith.constant 3 : i32
      %mul3A_285 = arith.muli %mul3A_284, %scan3A_236 : i32
      %add3A_286 = arith.constant 2 : i32
      %add3A_287 = arith.addi %mul3A_285, %add3A_286 : i32
      %mul3A_288 = arith.constant 80 : i32
      %mul3A_289 = arith.muli %add3A_287, %mul3A_288 : i32
      %dma_wait3A_290 = tpu.memref_slice %arg8[%mul3A_289] : memref<2000xi32, #tpu.memory_space<vmem>> -> memref<80xi32, #tpu.memory_space<vmem>>
      %dma_wait3A_291 = arith.constant 0 : i32
      %dma_wait3A_292 = arith.constant 0 : i32
      %dma_wait3A_293 = tpu.memref_slice %arg2[%dma_wait3A_291, %dma_wait3A_292] : memref<10000x128xf32, #tpu.memory_space<hbm>> -> memref<10000x128xf32, #tpu.memory_space<hbm>>
      tpu.wait_indirect_dma semaphore(%arg18 : memref<!tpu.dma_semaphore, #tpu.memory_space<semaphore_mem>>) src(%dma_wait3A_293 : memref<10000x128xf32, #tpu.memory_space<hbm>>) dst(%arg13 : memref<80x128xf32, #tpu.memory_space<vmem>>)
      %scan3A_294 = arith.constant 0 : i32
      %scan3A_295 = arith.constant 0 : i32
      %scan3A_296 = arith.constant 5 : i32
      %scan3A_297 = arith.addi %scan3A_295, %scan3A_296 : i32
      %scan3A_298 = arith.constant 1 : i32
      scf.for %scan3A_308 = %scan3A_295 to %scan3A_297 step %scan3A_298  : i32 {
        %mul3A_309 = arith.constant 80 : i32
        %mul3A_310 = arith.muli %add3A_287, %mul3A_309 : i32
        %mul3A_311 = arith.constant 16 : i32
        %mul3A_312 = arith.muli %scan3A_308, %mul3A_311 : i32
        %add3A_313 = arith.addi %mul3A_310, %mul3A_312 : i32
        %get3A = arith.index_cast %add3A_313 : i32 to index
        %get3A_314 = tpu.vector_load %arg9[%get3A] {strides = array<i32>} : memref<2000xi32, #tpu.memory_space<vmem>>, vector<16xi32>,
        %mul3A_315 = arith.constant 16 : i32
        %mul3A_316 = arith.muli %scan3A_308, %mul3A_315 : i32
        %swap3A = arith.constant 0 : i32
        %swap3A_317 = arith.index_cast %swap3A : i32 to index
        %swap3A_318 = arith.index_cast %mul3A_316 : i32 to index
        %swap3A_319 = tpu.vector_load %arg10[%swap3A_317, %swap3A_318] {strides = array<i32>} : memref<1x80xi32, #tpu.memory_space<vmem>>, vector<16xi32>,
        tpu.vector_store %arg10[%swap3A_317, %swap3A_318], %get3A_314 {strides = array<i32>} : memref<1x80xi32, #tpu.memory_space<vmem>>, vector<16xi32>,
        tpu.vector_store_idx %arg14[%get3A_314], %broadcast_in_dim3A_10 {add = true} : memref<10000xf32, #tpu.memory_space<vmem>>[vector<16xi32>], vector<16xf32>,
      }
      %scan3A_299 = arith.constant 5 : i32
      %run_scoped3A_300 = arith.constant 0 : i32
      "tpu.region"() ({
        %run_scoped3A_308 = tpu.sem_alloc : memref<!tpu.dma_semaphore, #tpu.memory_space<semaphore_mem>>
        %dma_start3A_309 = arith.constant 0 : i32
        %dma_start3A_310 = tpu.memref_slice %arg10[%run_scoped3A_300, %dma_start3A_309] : memref<1x80xi32, #tpu.memory_space<vmem>> -> memref<1x80xi32, #tpu.memory_space<vmem>>
        %dma_start3A_311 = tpu.memref_squeeze %dma_start3A_310 : memref<1x80xi32, #tpu.memory_space<vmem>> -> memref<80xi32, #tpu.memory_space<vmem>>
        %dma_start3A_312 = arith.constant 0 : i32
        %dma_start3A_313 = arith.constant 0 : i32
        %dma_start3A_314 = tpu.memref_slice %arg15[%dma_start3A_312, %dma_start3A_313] : memref<10000x128xf32, #tpu.memory_space<vmem_shared>> -> memref<10000x128xf32, #tpu.memory_space<vmem_shared>>
        tpu.enqueue_indirect_dma source(%arg13 : memref<80x128xf32, #tpu.memory_space<vmem>>) target(%dma_start3A_314 : memref<10000x128xf32, #tpu.memory_space<vmem_shared>>) offsets(%dma_start3A_311 : memref<80xi32, #tpu.memory_space<vmem>>) semaphore(%run_scoped3A_308 : memref<!tpu.dma_semaphore, #tpu.memory_space<semaphore_mem>>) {add = true}
        %dma_wait3A_315 = arith.constant 0 : i32
        %dma_wait3A_316 = tpu.memref_slice %arg10[%run_scoped3A_300, %dma_wait3A_315] : memref<1x80xi32, #tpu.memory_space<vmem>> -> memref<1x80xi32, #tpu.memory_space<vmem>>
        %dma_wait3A_317 = tpu.memref_squeeze %dma_wait3A_316 : memref<1x80xi32, #tpu.memory_space<vmem>> -> memref<80xi32, #tpu.memory_space<vmem>>
        %dma_wait3A_318 = arith.constant 0 : i32
        %dma_wait3A_319 = arith.constant 0 : i32
        %dma_wait3A_320 = tpu.memref_slice %arg15[%dma_wait3A_318, %dma_wait3A_319] : memref<10000x128xf32, #tpu.memory_space<vmem_shared>> -> memref<10000x128xf32, #tpu.memory_space<vmem_shared>>
        tpu.wait_indirect_dma semaphore(%run_scoped3A_308 : memref<!tpu.dma_semaphore, #tpu.memory_space<semaphore_mem>>) src(%arg13 : memref<80x128xf32, #tpu.memory_space<vmem>>) dst(%dma_wait3A_320 : memref<10000x128xf32, #tpu.memory_space<vmem_shared>>)
        tpu.yield
      }) : () -> ()
      %add3A_301 = arith.constant 2 : i32
      %add3A_302 = arith.addi %add3A_287, %add3A_301 : i32
      %lt3A_303 = arith.constant 25 : i32
      %lt3A_304 = arith.cmpi slt, %add3A_302, %lt3A_303 : i32
      %convert_element_type3A_305 = arith.extui %lt3A_304 : i1 to i32
      %cond3A_306 = arith.constant 0 : i32
      %cond3A_307 = arith.cmpi ne, %convert_element_type3A_305, %cond3A_306 : i32
      scf.if %cond3A_307 {
        %add3A_308 = arith.constant 2 : i32
        %add3A_309 = arith.addi %add3A_287, %add3A_308 : i32
        %mul3A_310 = arith.constant 80 : i32
        %mul3A_311 = arith.muli %add3A_309, %mul3A_310 : i32
        %dma_start3A_312 = tpu.memref_slice %arg8[%mul3A_311] : memref<2000xi32, #tpu.memory_space<vmem>> -> memref<80xi32, #tpu.memory_space<vmem>>
        %dma_start3A_313 = arith.constant 0 : i32
        %dma_start3A_314 = arith.constant 0 : i32
        %dma_start3A_315 = tpu.memref_slice %arg2[%dma_start3A_313, %dma_start3A_314] : memref<10000x128xf32, #tpu.memory_space<hbm>> -> memref<10000x128xf32, #tpu.memory_space<hbm>>
        tpu.enqueue_indirect_dma source(%dma_start3A_315 : memref<10000x128xf32, #tpu.memory_space<hbm>>) target(%arg12 : memref<80x128xf32, #tpu.memory_space<vmem>>) offsets(%dma_start3A_312 : memref<80xi32, #tpu.memory_space<vmem>>) semaphore(%arg17 : memref<!tpu.dma_semaphore, #tpu.memory_space<semaphore_mem>>)
      } else {
      }
    }
    %scan3A_171 = arith.constant 8 : i32
    %dma_wait3A_172 = arith.constant 1920 : i32
    %dma_wait3A_173 = tpu.memref_slice %arg8[%dma_wait3A_172] : memref<2000xi32, #tpu.memory_space<vmem>> -> memref<80xi32, #tpu.memory_space<vmem>>
    %dma_wait3A_174 = arith.constant 0 : i32
    %dma_wait3A_175 = arith.constant 0 : i32
    %dma_wait3A_176 = tpu.memref_slice %arg2[%dma_wait3A_174, %dma_wait3A_175] : memref<10000x128xf32, #tpu.memory_space<hbm>> -> memref<10000x128xf32, #tpu.memory_space<hbm>>
    tpu.wait_indirect_dma semaphore(%arg16 : memref<!tpu.dma_semaphore, #tpu.memory_space<semaphore_mem>>) src(%dma_wait3A_176 : memref<10000x128xf32, #tpu.memory_space<hbm>>) dst(%arg11 : memref<80x128xf32, #tpu.memory_space<vmem>>)
    %scan3A_177 = arith.constant 0 : i32
    %scan3A_178 = arith.constant 0 : i32
    %scan3A_179 = arith.constant 5 : i32
    %scan3A_180 = arith.addi %scan3A_178, %scan3A_179 : i32
    %scan3A_181 = arith.constant 1 : i32
    scf.for %scan3A_236 = %scan3A_178 to %scan3A_180 step %scan3A_181  : i32 {
      %mul3A_237 = arith.constant 16 : i32
      %mul3A_238 = arith.muli %scan3A_236, %mul3A_237 : i32
      %add3A_239 = arith.constant 1920 : i32
      %add3A_240 = arith.addi %add3A_239, %mul3A_238 : i32
      %get3A = arith.index_cast %add3A_240 : i32 to index
      %get3A_241 = tpu.vector_load %arg9[%get3A] {strides = array<i32>} : memref<2000xi32, #tpu.memory_space<vmem>>, vector<16xi32>,
      %mul3A_242 = arith.constant 16 : i32
      %mul3A_243 = arith.muli %scan3A_236, %mul3A_242 : i32
      %swap3A = arith.constant 0 : i32
      %swap3A_244 = arith.index_cast %swap3A : i32 to index
      %swap3A_245 = arith.index_cast %mul3A_243 : i32 to index
      %swap3A_246 = tpu.vector_load %arg10[%swap3A_244, %swap3A_245] {strides = array<i32>} : memref<1x80xi32, #tpu.memory_space<vmem>>, vector<16xi32>,
      tpu.vector_store %arg10[%swap3A_244, %swap3A_245], %get3A_241 {strides = array<i32>} : memref<1x80xi32, #tpu.memory_space<vmem>>, vector<16xi32>,
      tpu.vector_store_idx %arg14[%get3A_241], %broadcast_in_dim3A_10 {add = true} : memref<10000xf32, #tpu.memory_space<vmem>>[vector<16xi32>], vector<16xf32>,
    }
    %scan3A_182 = arith.constant 5 : i32
    %run_scoped3A_183 = arith.constant 0 : i32
    "tpu.region"() ({
      %run_scoped3A_236 = tpu.sem_alloc : memref<!tpu.dma_semaphore, #tpu.memory_space<semaphore_mem>>
      %dma_start3A_237 = arith.constant 0 : i32
      %dma_start3A_238 = tpu.memref_slice %arg10[%run_scoped3A_183, %dma_start3A_237] : memref<1x80xi32, #tpu.memory_space<vmem>> -> memref<1x80xi32, #tpu.memory_space<vmem>>
      %dma_start3A_239 = tpu.memref_squeeze %dma_start3A_238 : memref<1x80xi32, #tpu.memory_space<vmem>> -> memref<80xi32, #tpu.memory_space<vmem>>
      %dma_start3A_240 = arith.constant 0 : i32
      %dma_start3A_241 = arith.constant 0 : i32
      %dma_start3A_242 = tpu.memref_slice %arg15[%dma_start3A_240, %dma_start3A_241] : memref<10000x128xf32, #tpu.memory_space<vmem_shared>> -> memref<10000x128xf32, #tpu.memory_space<vmem_shared>>
      tpu.enqueue_indirect_dma source(%arg11 : memref<80x128xf32, #tpu.memory_space<vmem>>) target(%dma_start3A_242 : memref<10000x128xf32, #tpu.memory_space<vmem_shared>>) offsets(%dma_start3A_239 : memref<80xi32, #tpu.memory_space<vmem>>) semaphore(%run_scoped3A_236 : memref<!tpu.dma_semaphore, #tpu.memory_space<semaphore_mem>>) {add = true}
      %dma_wait3A_243 = arith.constant 0 : i32
      %dma_wait3A_244 = tpu.memref_slice %arg10[%run_scoped3A_183, %dma_wait3A_243] : memref<1x80xi32, #tpu.memory_space<vmem>> -> memref<1x80xi32, #tpu.memory_space<vmem>>
      %dma_wait3A_245 = tpu.memref_squeeze %dma_wait3A_244 : memref<1x80xi32, #tpu.memory_space<vmem>> -> memref<80xi32, #tpu.memory_space<vmem>>
      %dma_wait3A_246 = arith.constant 0 : i32
      %dma_wait3A_247 = arith.constant 0 : i32
      %dma_wait3A_248 = tpu.memref_slice %arg15[%dma_wait3A_246, %dma_wait3A_247] : memref<10000x128xf32, #tpu.memory_space<vmem_shared>> -> memref<10000x128xf32, #tpu.memory_space<vmem_shared>>
      tpu.wait_indirect_dma semaphore(%run_scoped3A_236 : memref<!tpu.dma_semaphore, #tpu.memory_space<semaphore_mem>>) src(%arg11 : memref<80x128xf32, #tpu.memory_space<vmem>>) dst(%dma_wait3A_248 : memref<10000x128xf32, #tpu.memory_space<vmem_shared>>)
      tpu.yield
    }) : () -> ()
    %mul3A_184 = arith.constant 10000 : i32
    %mul3A_185 = arith.muli %add3A, %mul3A_184 : i32
    %add3A_186 = arith.constant 8000 : i32
    %add3A_187 = arith.addi %mul3A_185, %add3A_186 : i32
    %dma_start3A_188 = tpu.memref_slice %arg3[%add3A_187] : memref<320000xi32, #tpu.memory_space<hbm>> -> memref<2000xi32, #tpu.memory_space<hbm>>
    %dma_start3A_189 = tpu.memref_slice %arg3[%add3A_187] : memref<320000xi32, #tpu.memory_space<hbm>> -> memref<2000xi32, #tpu.memory_space<hbm>>
    tpu.enqueue_dma source(%dma_start3A_189 : memref<2000xi32, #tpu.memory_space<hbm>>) target(%arg8 : memref<2000xi32, #tpu.memory_space<vmem>>) target_semaphore(%arg19 : memref<!tpu.dma_semaphore, #tpu.memory_space<semaphore_mem>>)
    %dma_start3A_190 = tpu.memref_slice %arg4[%add3A_187] : memref<320000xi32, #tpu.memory_space<hbm>> -> memref<2000xi32, #tpu.memory_space<hbm>>
    %dma_start3A_191 = tpu.memref_slice %arg4[%add3A_187] : memref<320000xi32, #tpu.memory_space<hbm>> -> memref<2000xi32, #tpu.memory_space<hbm>>
    tpu.enqueue_dma source(%dma_start3A_191 : memref<2000xi32, #tpu.memory_space<hbm>>) target(%arg9 : memref<2000xi32, #tpu.memory_space<vmem>>) target_semaphore(%arg19 : memref<!tpu.dma_semaphore, #tpu.memory_space<semaphore_mem>>)
    %dma_wait3A_192 = arith.constant 0 : i32
    %dma_wait3A_193 = tpu.memref_slice %arg3[%dma_wait3A_192] : memref<320000xi32, #tpu.memory_space<hbm>> -> memref<2000xi32, #tpu.memory_space<hbm>>
    %dma_wait3A_194 = arith.constant 0 : i32
    %dma_wait3A_195 = tpu.memref_slice %arg3[%dma_wait3A_194] : memref<320000xi32, #tpu.memory_space<hbm>> -> memref<2000xi32, #tpu.memory_space<hbm>>
    tpu.wait_dma2 semaphore(%arg19 : memref<!tpu.dma_semaphore, #tpu.memory_space<semaphore_mem>>) src(%dma_wait3A_195 : memref<2000xi32, #tpu.memory_space<hbm>>) dst(%arg8 : memref<2000xi32, #tpu.memory_space<vmem>>)
    %dma_wait3A_196 = arith.constant 0 : i32
    %dma_wait3A_197 = tpu.memref_slice %arg4[%dma_wait3A_196] : memref<320000xi32, #tpu.memory_space<hbm>> -> memref<2000xi32, #tpu.memory_space<hbm>>
    %dma_wait3A_198 = arith.constant 0 : i32
    %dma_wait3A_199 = tpu.memref_slice %arg4[%dma_wait3A_198] : memref<320000xi32, #tpu.memory_space<hbm>> -> memref<2000xi32, #tpu.memory_space<hbm>>
    tpu.wait_dma2 semaphore(%arg19 : memref<!tpu.dma_semaphore, #tpu.memory_space<semaphore_mem>>) src(%dma_wait3A_199 : memref<2000xi32, #tpu.memory_space<hbm>>) dst(%arg9 : memref<2000xi32, #tpu.memory_space<vmem>>)
    %dma_start3A_200 = arith.constant 0 : i32
    %dma_start3A_201 = tpu.memref_slice %arg8[%dma_start3A_200] : memref<2000xi32, #tpu.memory_space<vmem>> -> memref<80xi32, #tpu.memory_space<vmem>>
    %dma_start3A_202 = arith.constant 0 : i32
    %dma_start3A_203 = arith.constant 0 : i32
    %dma_start3A_204 = tpu.memref_slice %arg2[%dma_start3A_202, %dma_start3A_203] : memref<10000x128xf32, #tpu.memory_space<hbm>> -> memref<10000x128xf32, #tpu.memory_space<hbm>>
    tpu.enqueue_indirect_dma source(%dma_start3A_204 : memref<10000x128xf32, #tpu.memory_space<hbm>>) target(%arg12 : memref<80x128xf32, #tpu.memory_space<vmem>>) offsets(%dma_start3A_201 : memref<80xi32, #tpu.memory_space<vmem>>) semaphore(%arg17 : memref<!tpu.dma_semaphore, #tpu.memory_space<semaphore_mem>>)
    %dma_start3A_205 = arith.constant 80 : i32
    %dma_start3A_206 = tpu.memref_slice %arg8[%dma_start3A_205] : memref<2000xi32, #tpu.memory_space<vmem>> -> memref<80xi32, #tpu.memory_space<vmem>>
    %dma_start3A_207 = arith.constant 0 : i32
    %dma_start3A_208 = arith.constant 0 : i32
    %dma_start3A_209 = tpu.memref_slice %arg2[%dma_start3A_207, %dma_start3A_208] : memref<10000x128xf32, #tpu.memory_space<hbm>> -> memref<10000x128xf32, #tpu.memory_space<hbm>>
    tpu.enqueue_indirect_dma source(%dma_start3A_209 : memref<10000x128xf32, #tpu.memory_space<hbm>>) target(%arg13 : memref<80x128xf32, #tpu.memory_space<vmem>>) offsets(%dma_start3A_206 : memref<80xi32, #tpu.memory_space<vmem>>) semaphore(%arg18 : memref<!tpu.dma_semaphore, #tpu.memory_space<semaphore_mem>>)
    %scan3A_210 = arith.constant 0 : i32
    %scan3A_211 = arith.constant 0 : i32
    %scan3A_212 = arith.constant 8 : i32
    %scan3A_213 = arith.addi %scan3A_211, %scan3A_212 : i32
    %scan3A_214 = arith.constant 1 : i32
    scf.for %scan3A_236 = %scan3A_211 to %scan3A_213 step %scan3A_214  : i32 {
      %mul3A_237 = arith.constant 3 : i32
      %mul3A_238 = arith.muli %mul3A_237, %scan3A_236 : i32
      %add3A_239 = arith.constant 0 : i32
      %add3A_240 = arith.addi %mul3A_238, %add3A_239 : i32
      %mul3A_241 = arith.constant 80 : i32
      %mul3A_242 = arith.muli %add3A_240, %mul3A_241 : i32
      %dma_wait3A_243 = tpu.memref_slice %arg8[%mul3A_242] : memref<2000xi32, #tpu.memory_space<vmem>> -> memref<80xi32, #tpu.memory_space<vmem>>
      %dma_wait3A_244 = arith.constant 0 : i32
      %dma_wait3A_245 = arith.constant 0 : i32
      %dma_wait3A_246 = tpu.memref_slice %arg2[%dma_wait3A_244, %dma_wait3A_245] : memref<10000x128xf32, #tpu.memory_space<hbm>> -> memref<10000x128xf32, #tpu.memory_space<hbm>>
      tpu.wait_indirect_dma semaphore(%arg17 : memref<!tpu.dma_semaphore, #tpu.memory_space<semaphore_mem>>) src(%dma_wait3A_246 : memref<10000x128xf32, #tpu.memory_space<hbm>>) dst(%arg12 : memref<80x128xf32, #tpu.memory_space<vmem>>)
      %scan3A_247 = arith.constant 0 : i32
      %scan3A_248 = arith.constant 0 : i32
      %scan3A_249 = arith.constant 5 : i32
      %scan3A_250 = arith.addi %scan3A_248, %scan3A_249 : i32
      %scan3A_251 = arith.constant 1 : i32
      scf.for %scan3A_308 = %scan3A_248 to %scan3A_250 step %scan3A_251  : i32 {
        %mul3A_309 = arith.constant 80 : i32
        %mul3A_310 = arith.muli %add3A_240, %mul3A_309 : i32
        %mul3A_311 = arith.constant 16 : i32
        %mul3A_312 = arith.muli %scan3A_308, %mul3A_311 : i32
        %add3A_313 = arith.addi %mul3A_310, %mul3A_312 : i32
        %get3A = arith.index_cast %add3A_313 : i32 to index
        %get3A_314 = tpu.vector_load %arg9[%get3A] {strides = array<i32>} : memref<2000xi32, #tpu.memory_space<vmem>>, vector<16xi32>,
        %mul3A_315 = arith.constant 16 : i32
        %mul3A_316 = arith.muli %scan3A_308, %mul3A_315 : i32
        %swap3A = arith.constant 0 : i32
        %swap3A_317 = arith.index_cast %swap3A : i32 to index
        %swap3A_318 = arith.index_cast %mul3A_316 : i32 to index
        %swap3A_319 = tpu.vector_load %arg10[%swap3A_317, %swap3A_318] {strides = array<i32>} : memref<1x80xi32, #tpu.memory_space<vmem>>, vector<16xi32>,
        tpu.vector_store %arg10[%swap3A_317, %swap3A_318], %get3A_314 {strides = array<i32>} : memref<1x80xi32, #tpu.memory_space<vmem>>, vector<16xi32>,
        tpu.vector_store_idx %arg14[%get3A_314], %broadcast_in_dim3A_10 {add = true} : memref<10000xf32, #tpu.memory_space<vmem>>[vector<16xi32>], vector<16xf32>,
      }
      %scan3A_252 = arith.constant 5 : i32
      %run_scoped3A_253 = arith.constant 0 : i32
      "tpu.region"() ({
        %run_scoped3A_308 = tpu.sem_alloc : memref<!tpu.dma_semaphore, #tpu.memory_space<semaphore_mem>>
        %dma_start3A_309 = arith.constant 0 : i32
        %dma_start3A_310 = tpu.memref_slice %arg10[%run_scoped3A_253, %dma_start3A_309] : memref<1x80xi32, #tpu.memory_space<vmem>> -> memref<1x80xi32, #tpu.memory_space<vmem>>
        %dma_start3A_311 = tpu.memref_squeeze %dma_start3A_310 : memref<1x80xi32, #tpu.memory_space<vmem>> -> memref<80xi32, #tpu.memory_space<vmem>>
        %dma_start3A_312 = arith.constant 0 : i32
        %dma_start3A_313 = arith.constant 0 : i32
        %dma_start3A_314 = tpu.memref_slice %arg15[%dma_start3A_312, %dma_start3A_313] : memref<10000x128xf32, #tpu.memory_space<vmem_shared>> -> memref<10000x128xf32, #tpu.memory_space<vmem_shared>>
        tpu.enqueue_indirect_dma source(%arg12 : memref<80x128xf32, #tpu.memory_space<vmem>>) target(%dma_start3A_314 : memref<10000x128xf32, #tpu.memory_space<vmem_shared>>) offsets(%dma_start3A_311 : memref<80xi32, #tpu.memory_space<vmem>>) semaphore(%run_scoped3A_308 : memref<!tpu.dma_semaphore, #tpu.memory_space<semaphore_mem>>) {add = true}
        %dma_wait3A_315 = arith.constant 0 : i32
        %dma_wait3A_316 = tpu.memref_slice %arg10[%run_scoped3A_253, %dma_wait3A_315] : memref<1x80xi32, #tpu.memory_space<vmem>> -> memref<1x80xi32, #tpu.memory_space<vmem>>
        %dma_wait3A_317 = tpu.memref_squeeze %dma_wait3A_316 : memref<1x80xi32, #tpu.memory_space<vmem>> -> memref<80xi32, #tpu.memory_space<vmem>>
        %dma_wait3A_318 = arith.constant 0 : i32
        %dma_wait3A_319 = arith.constant 0 : i32
        %dma_wait3A_320 = tpu.memref_slice %arg15[%dma_wait3A_318, %dma_wait3A_319] : memref<10000x128xf32, #tpu.memory_space<vmem_shared>> -> memref<10000x128xf32, #tpu.memory_space<vmem_shared>>
        tpu.wait_indirect_dma semaphore(%run_scoped3A_308 : memref<!tpu.dma_semaphore, #tpu.memory_space<semaphore_mem>>) src(%arg12 : memref<80x128xf32, #tpu.memory_space<vmem>>) dst(%dma_wait3A_320 : memref<10000x128xf32, #tpu.memory_space<vmem_shared>>)
        tpu.yield
      }) : () -> ()
      %add3A_254 = arith.constant 2 : i32
      %add3A_255 = arith.addi %add3A_240, %add3A_254 : i32
      %lt3A = arith.constant 25 : i32
      %lt3A_256 = arith.cmpi slt, %add3A_255, %lt3A : i32
      %convert_element_type3A_257 = arith.extui %lt3A_256 : i1 to i32
      %cond3A_258 = arith.constant 0 : i32
      %cond3A_259 = arith.cmpi ne, %convert_element_type3A_257, %cond3A_258 : i32
      scf.if %cond3A_259 {
        %add3A_308 = arith.constant 2 : i32
        %add3A_309 = arith.addi %add3A_240, %add3A_308 : i32
        %mul3A_310 = arith.constant 80 : i32
        %mul3A_311 = arith.muli %add3A_309, %mul3A_310 : i32
        %dma_start3A_312 = tpu.memref_slice %arg8[%mul3A_311] : memref<2000xi32, #tpu.memory_space<vmem>> -> memref<80xi32, #tpu.memory_space<vmem>>
        %dma_start3A_313 = arith.constant 0 : i32
        %dma_start3A_314 = arith.constant 0 : i32
        %dma_start3A_315 = tpu.memref_slice %arg2[%dma_start3A_313, %dma_start3A_314] : memref<10000x128xf32, #tpu.memory_space<hbm>> -> memref<10000x128xf32, #tpu.memory_space<hbm>>
        tpu.enqueue_indirect_dma source(%dma_start3A_315 : memref<10000x128xf32, #tpu.memory_space<hbm>>) target(%arg11 : memref<80x128xf32, #tpu.memory_space<vmem>>) offsets(%dma_start3A_312 : memref<80xi32, #tpu.memory_space<vmem>>) semaphore(%arg16 : memref<!tpu.dma_semaphore, #tpu.memory_space<semaphore_mem>>)
      } else {
      }
      %mul3A_260 = arith.constant 3 : i32
      %mul3A_261 = arith.muli %mul3A_260, %scan3A_236 : i32
      %add3A_262 = arith.constant 1 : i32
      %add3A_263 = arith.addi %mul3A_261, %add3A_262 : i32
      %mul3A_264 = arith.constant 80 : i32
      %mul3A_265 = arith.muli %add3A_263, %mul3A_264 : i32
      %dma_wait3A_266 = tpu.memref_slice %arg8[%mul3A_265] : memref<2000xi32, #tpu.memory_space<vmem>> -> memref<80xi32, #tpu.memory_space<vmem>>
      %dma_wait3A_267 = arith.constant 0 : i32
      %dma_wait3A_268 = arith.constant 0 : i32
      %dma_wait3A_269 = tpu.memref_slice %arg2[%dma_wait3A_267, %dma_wait3A_268] : memref<10000x128xf32, #tpu.memory_space<hbm>> -> memref<10000x128xf32, #tpu.memory_space<hbm>>
      tpu.wait_indirect_dma semaphore(%arg18 : memref<!tpu.dma_semaphore, #tpu.memory_space<semaphore_mem>>) src(%dma_wait3A_269 : memref<10000x128xf32, #tpu.memory_space<hbm>>) dst(%arg13 : memref<80x128xf32, #tpu.memory_space<vmem>>)
      %scan3A_270 = arith.constant 0 : i32
      %scan3A_271 = arith.constant 0 : i32
      %scan3A_272 = arith.constant 5 : i32
      %scan3A_273 = arith.addi %scan3A_271, %scan3A_272 : i32
      %scan3A_274 = arith.constant 1 : i32
      scf.for %scan3A_308 = %scan3A_271 to %scan3A_273 step %scan3A_274  : i32 {
        %mul3A_309 = arith.constant 80 : i32
        %mul3A_310 = arith.muli %add3A_263, %mul3A_309 : i32
        %mul3A_311 = arith.constant 16 : i32
        %mul3A_312 = arith.muli %scan3A_308, %mul3A_311 : i32
        %add3A_313 = arith.addi %mul3A_310, %mul3A_312 : i32
        %get3A = arith.index_cast %add3A_313 : i32 to index
        %get3A_314 = tpu.vector_load %arg9[%get3A] {strides = array<i32>} : memref<2000xi32, #tpu.memory_space<vmem>>, vector<16xi32>,
        %mul3A_315 = arith.constant 16 : i32
        %mul3A_316 = arith.muli %scan3A_308, %mul3A_315 : i32
        %swap3A = arith.constant 0 : i32
        %swap3A_317 = arith.index_cast %swap3A : i32 to index
        %swap3A_318 = arith.index_cast %mul3A_316 : i32 to index
        %swap3A_319 = tpu.vector_load %arg10[%swap3A_317, %swap3A_318] {strides = array<i32>} : memref<1x80xi32, #tpu.memory_space<vmem>>, vector<16xi32>,
        tpu.vector_store %arg10[%swap3A_317, %swap3A_318], %get3A_314 {strides = array<i32>} : memref<1x80xi32, #tpu.memory_space<vmem>>, vector<16xi32>,
        tpu.vector_store_idx %arg14[%get3A_314], %broadcast_in_dim3A_10 {add = true} : memref<10000xf32, #tpu.memory_space<vmem>>[vector<16xi32>], vector<16xf32>,
      }
      %scan3A_275 = arith.constant 5 : i32
      %run_scoped3A_276 = arith.constant 0 : i32
      "tpu.region"() ({
        %run_scoped3A_308 = tpu.sem_alloc : memref<!tpu.dma_semaphore, #tpu.memory_space<semaphore_mem>>
        %dma_start3A_309 = arith.constant 0 : i32
        %dma_start3A_310 = tpu.memref_slice %arg10[%run_scoped3A_276, %dma_start3A_309] : memref<1x80xi32, #tpu.memory_space<vmem>> -> memref<1x80xi32, #tpu.memory_space<vmem>>
        %dma_start3A_311 = tpu.memref_squeeze %dma_start3A_310 : memref<1x80xi32, #tpu.memory_space<vmem>> -> memref<80xi32, #tpu.memory_space<vmem>>
        %dma_start3A_312 = arith.constant 0 : i32
        %dma_start3A_313 = arith.constant 0 : i32
        %dma_start3A_314 = tpu.memref_slice %arg15[%dma_start3A_312, %dma_start3A_313] : memref<10000x128xf32, #tpu.memory_space<vmem_shared>> -> memref<10000x128xf32, #tpu.memory_space<vmem_shared>>
        tpu.enqueue_indirect_dma source(%arg13 : memref<80x128xf32, #tpu.memory_space<vmem>>) target(%dma_start3A_314 : memref<10000x128xf32, #tpu.memory_space<vmem_shared>>) offsets(%dma_start3A_311 : memref<80xi32, #tpu.memory_space<vmem>>) semaphore(%run_scoped3A_308 : memref<!tpu.dma_semaphore, #tpu.memory_space<semaphore_mem>>) {add = true}
        %dma_wait3A_315 = arith.constant 0 : i32
        %dma_wait3A_316 = tpu.memref_slice %arg10[%run_scoped3A_276, %dma_wait3A_315] : memref<1x80xi32, #tpu.memory_space<vmem>> -> memref<1x80xi32, #tpu.memory_space<vmem>>
        %dma_wait3A_317 = tpu.memref_squeeze %dma_wait3A_316 : memref<1x80xi32, #tpu.memory_space<vmem>> -> memref<80xi32, #tpu.memory_space<vmem>>
        %dma_wait3A_318 = arith.constant 0 : i32
        %dma_wait3A_319 = arith.constant 0 : i32
        %dma_wait3A_320 = tpu.memref_slice %arg15[%dma_wait3A_318, %dma_wait3A_319] : memref<10000x128xf32, #tpu.memory_space<vmem_shared>> -> memref<10000x128xf32, #tpu.memory_space<vmem_shared>>
        tpu.wait_indirect_dma semaphore(%run_scoped3A_308 : memref<!tpu.dma_semaphore, #tpu.memory_space<semaphore_mem>>) src(%arg13 : memref<80x128xf32, #tpu.memory_space<vmem>>) dst(%dma_wait3A_320 : memref<10000x128xf32, #tpu.memory_space<vmem_shared>>)
        tpu.yield
      }) : () -> ()
      %add3A_277 = arith.constant 2 : i32
      %add3A_278 = arith.addi %add3A_263, %add3A_277 : i32
      %lt3A_279 = arith.constant 25 : i32
      %lt3A_280 = arith.cmpi slt, %add3A_278, %lt3A_279 : i32
      %convert_element_type3A_281 = arith.extui %lt3A_280 : i1 to i32
      %cond3A_282 = arith.constant 0 : i32
      %cond3A_283 = arith.cmpi ne, %convert_element_type3A_281, %cond3A_282 : i32
      scf.if %cond3A_283 {
        %add3A_308 = arith.constant 2 : i32
        %add3A_309 = arith.addi %add3A_263, %add3A_308 : i32
        %mul3A_310 = arith.constant 80 : i32
        %mul3A_311 = arith.muli %add3A_309, %mul3A_310 : i32
        %dma_start3A_312 = tpu.memref_slice %arg8[%mul3A_311] : memref<2000xi32, #tpu.memory_space<vmem>> -> memref<80xi32, #tpu.memory_space<vmem>>
        %dma_start3A_313 = arith.constant 0 : i32
        %dma_start3A_314 = arith.constant 0 : i32
        %dma_start3A_315 = tpu.memref_slice %arg2[%dma_start3A_313, %dma_start3A_314] : memref<10000x128xf32, #tpu.memory_space<hbm>> -> memref<10000x128xf32, #tpu.memory_space<hbm>>
        tpu.enqueue_indirect_dma source(%dma_start3A_315 : memref<10000x128xf32, #tpu.memory_space<hbm>>) target(%arg12 : memref<80x128xf32, #tpu.memory_space<vmem>>) offsets(%dma_start3A_312 : memref<80xi32, #tpu.memory_space<vmem>>) semaphore(%arg17 : memref<!tpu.dma_semaphore, #tpu.memory_space<semaphore_mem>>)
      } else {
      }
      %mul3A_284 = arith.constant 3 : i32
      %mul3A_285 = arith.muli %mul3A_284, %scan3A_236 : i32
      %add3A_286 = arith.constant 2 : i32
      %add3A_287 = arith.addi %mul3A_285, %add3A_286 : i32
      %mul3A_288 = arith.constant 80 : i32
      %mul3A_289 = arith.muli %add3A_287, %mul3A_288 : i32
      %dma_wait3A_290 = tpu.memref_slice %arg8[%mul3A_289] : memref<2000xi32, #tpu.memory_space<vmem>> -> memref<80xi32, #tpu.memory_space<vmem>>
      %dma_wait3A_291 = arith.constant 0 : i32
      %dma_wait3A_292 = arith.constant 0 : i32
      %dma_wait3A_293 = tpu.memref_slice %arg2[%dma_wait3A_291, %dma_wait3A_292] : memref<10000x128xf32, #tpu.memory_space<hbm>> -> memref<10000x128xf32, #tpu.memory_space<hbm>>
      tpu.wait_indirect_dma semaphore(%arg16 : memref<!tpu.dma_semaphore, #tpu.memory_space<semaphore_mem>>) src(%dma_wait3A_293 : memref<10000x128xf32, #tpu.memory_space<hbm>>) dst(%arg11 : memref<80x128xf32, #tpu.memory_space<vmem>>)
      %scan3A_294 = arith.constant 0 : i32
      %scan3A_295 = arith.constant 0 : i32
      %scan3A_296 = arith.constant 5 : i32
      %scan3A_297 = arith.addi %scan3A_295, %scan3A_296 : i32
      %scan3A_298 = arith.constant 1 : i32
      scf.for %scan3A_308 = %scan3A_295 to %scan3A_297 step %scan3A_298  : i32 {
        %mul3A_309 = arith.constant 80 : i32
        %mul3A_310 = arith.muli %add3A_287, %mul3A_309 : i32
        %mul3A_311 = arith.constant 16 : i32
        %mul3A_312 = arith.muli %scan3A_308, %mul3A_311 : i32
        %add3A_313 = arith.addi %mul3A_310, %mul3A_312 : i32
        %get3A = arith.index_cast %add3A_313 : i32 to index
        %get3A_314 = tpu.vector_load %arg9[%get3A] {strides = array<i32>} : memref<2000xi32, #tpu.memory_space<vmem>>, vector<16xi32>,
        %mul3A_315 = arith.constant 16 : i32
        %mul3A_316 = arith.muli %scan3A_308, %mul3A_315 : i32
        %swap3A = arith.constant 0 : i32
        %swap3A_317 = arith.index_cast %swap3A : i32 to index
        %swap3A_318 = arith.index_cast %mul3A_316 : i32 to index
        %swap3A_319 = tpu.vector_load %arg10[%swap3A_317, %swap3A_318] {strides = array<i32>} : memref<1x80xi32, #tpu.memory_space<vmem>>, vector<16xi32>,
        tpu.vector_store %arg10[%swap3A_317, %swap3A_318], %get3A_314 {strides = array<i32>} : memref<1x80xi32, #tpu.memory_space<vmem>>, vector<16xi32>,
        tpu.vector_store_idx %arg14[%get3A_314], %broadcast_in_dim3A_10 {add = true} : memref<10000xf32, #tpu.memory_space<vmem>>[vector<16xi32>], vector<16xf32>,
      }
      %scan3A_299 = arith.constant 5 : i32
      %run_scoped3A_300 = arith.constant 0 : i32
      "tpu.region"() ({
        %run_scoped3A_308 = tpu.sem_alloc : memref<!tpu.dma_semaphore, #tpu.memory_space<semaphore_mem>>
        %dma_start3A_309 = arith.constant 0 : i32
        %dma_start3A_310 = tpu.memref_slice %arg10[%run_scoped3A_300, %dma_start3A_309] : memref<1x80xi32, #tpu.memory_space<vmem>> -> memref<1x80xi32, #tpu.memory_space<vmem>>
        %dma_start3A_311 = tpu.memref_squeeze %dma_start3A_310 : memref<1x80xi32, #tpu.memory_space<vmem>> -> memref<80xi32, #tpu.memory_space<vmem>>
        %dma_start3A_312 = arith.constant 0 : i32
        %dma_start3A_313 = arith.constant 0 : i32
        %dma_start3A_314 = tpu.memref_slice %arg15[%dma_start3A_312, %dma_start3A_313] : memref<10000x128xf32, #tpu.memory_space<vmem_shared>> -> memref<10000x128xf32, #tpu.memory_space<vmem_shared>>
        tpu.enqueue_indirect_dma source(%arg11 : memref<80x128xf32, #tpu.memory_space<vmem>>) target(%dma_start3A_314 : memref<10000x128xf32, #tpu.memory_space<vmem_shared>>) offsets(%dma_start3A_311 : memref<80xi32, #tpu.memory_space<vmem>>) semaphore(%run_scoped3A_308 : memref<!tpu.dma_semaphore, #tpu.memory_space<semaphore_mem>>) {add = true}
        %dma_wait3A_315 = arith.constant 0 : i32
        %dma_wait3A_316 = tpu.memref_slice %arg10[%run_scoped3A_300, %dma_wait3A_315] : memref<1x80xi32, #tpu.memory_space<vmem>> -> memref<1x80xi32, #tpu.memory_space<vmem>>
        %dma_wait3A_317 = tpu.memref_squeeze %dma_wait3A_316 : memref<1x80xi32, #tpu.memory_space<vmem>> -> memref<80xi32, #tpu.memory_space<vmem>>
        %dma_wait3A_318 = arith.constant 0 : i32
        %dma_wait3A_319 = arith.constant 0 : i32
        %dma_wait3A_320 = tpu.memref_slice %arg15[%dma_wait3A_318, %dma_wait3A_319] : memref<10000x128xf32, #tpu.memory_space<vmem_shared>> -> memref<10000x128xf32, #tpu.memory_space<vmem_shared>>
        tpu.wait_indirect_dma semaphore(%run_scoped3A_308 : memref<!tpu.dma_semaphore, #tpu.memory_space<semaphore_mem>>) src(%arg11 : memref<80x128xf32, #tpu.memory_space<vmem>>) dst(%dma_wait3A_320 : memref<10000x128xf32, #tpu.memory_space<vmem_shared>>)
        tpu.yield
      }) : () -> ()
      %add3A_301 = arith.constant 2 : i32
      %add3A_302 = arith.addi %add3A_287, %add3A_301 : i32
      %lt3A_303 = arith.constant 25 : i32
      %lt3A_304 = arith.cmpi slt, %add3A_302, %lt3A_303 : i32
      %convert_element_type3A_305 = arith.extui %lt3A_304 : i1 to i32
      %cond3A_306 = arith.constant 0 : i32
      %cond3A_307 = arith.cmpi ne, %convert_element_type3A_305, %cond3A_306 : i32
      scf.if %cond3A_307 {
        %add3A_308 = arith.constant 2 : i32
        %add3A_309 = arith.addi %add3A_287, %add3A_308 : i32
        %mul3A_310 = arith.constant 80 : i32
        %mul3A_311 = arith.muli %add3A_309, %mul3A_310 : i32
        %dma_start3A_312 = tpu.memref_slice %arg8[%mul3A_311] : memref<2000xi32, #tpu.memory_space<vmem>> -> memref<80xi32, #tpu.memory_space<vmem>>
        %dma_start3A_313 = arith.constant 0 : i32
        %dma_start3A_314 = arith.constant 0 : i32
        %dma_start3A_315 = tpu.memref_slice %arg2[%dma_start3A_313, %dma_start3A_314] : memref<10000x128xf32, #tpu.memory_space<hbm>> -> memref<10000x128xf32, #tpu.memory_space<hbm>>
        tpu.enqueue_indirect_dma source(%dma_start3A_315 : memref<10000x128xf32, #tpu.memory_space<hbm>>) target(%arg13 : memref<80x128xf32, #tpu.memory_space<vmem>>) offsets(%dma_start3A_312 : memref<80xi32, #tpu.memory_space<vmem>>) semaphore(%arg18 : memref<!tpu.dma_semaphore, #tpu.memory_space<semaphore_mem>>)
      } else {
      }
    }
    %scan3A_215 = arith.constant 8 : i32
    %dma_wait3A_216 = arith.constant 1920 : i32
    %dma_wait3A_217 = tpu.memref_slice %arg8[%dma_wait3A_216] : memref<2000xi32, #tpu.memory_space<vmem>> -> memref<80xi32, #tpu.memory_space<vmem>>
    %dma_wait3A_218 = arith.constant 0 : i32
    %dma_wait3A_219 = arith.constant 0 : i32
    %dma_wait3A_220 = tpu.memref_slice %arg2[%dma_wait3A_218, %dma_wait3A_219] : memref<10000x128xf32, #tpu.memory_space<hbm>> -> memref<10000x128xf32, #tpu.memory_space<hbm>>
    tpu.wait_indirect_dma semaphore(%arg17 : memref<!tpu.dma_semaphore, #tpu.memory_space<semaphore_mem>>) src(%dma_wait3A_220 : memref<10000x128xf32, #tpu.memory_space<hbm>>) dst(%arg12 : memref<80x128xf32, #tpu.memory_space<vmem>>)
    %scan3A_221 = arith.constant 0 : i32
    %scan3A_222 = arith.constant 0 : i32
    %scan3A_223 = arith.constant 5 : i32
    %scan3A_224 = arith.addi %scan3A_222, %scan3A_223 : i32
    %scan3A_225 = arith.constant 1 : i32
    scf.for %scan3A_236 = %scan3A_222 to %scan3A_224 step %scan3A_225  : i32 {
      %mul3A_237 = arith.constant 16 : i32
      %mul3A_238 = arith.muli %scan3A_236, %mul3A_237 : i32
      %add3A_239 = arith.constant 1920 : i32
      %add3A_240 = arith.addi %add3A_239, %mul3A_238 : i32
      %get3A = arith.index_cast %add3A_240 : i32 to index
      %get3A_241 = tpu.vector_load %arg9[%get3A] {strides = array<i32>} : memref<2000xi32, #tpu.memory_space<vmem>>, vector<16xi32>,
      %mul3A_242 = arith.constant 16 : i32
      %mul3A_243 = arith.muli %scan3A_236, %mul3A_242 : i32
      %swap3A = arith.constant 0 : i32
      %swap3A_244 = arith.index_cast %swap3A : i32 to index
      %swap3A_245 = arith.index_cast %mul3A_243 : i32 to index
      %swap3A_246 = tpu.vector_load %arg10[%swap3A_244, %swap3A_245] {strides = array<i32>} : memref<1x80xi32, #tpu.memory_space<vmem>>, vector<16xi32>,
      tpu.vector_store %arg10[%swap3A_244, %swap3A_245], %get3A_241 {strides = array<i32>} : memref<1x80xi32, #tpu.memory_space<vmem>>, vector<16xi32>,
      tpu.vector_store_idx %arg14[%get3A_241], %broadcast_in_dim3A_10 {add = true} : memref<10000xf32, #tpu.memory_space<vmem>>[vector<16xi32>], vector<16xf32>,
    }
    %scan3A_226 = arith.constant 5 : i32
    %run_scoped3A_227 = arith.constant 0 : i32
    "tpu.region"() ({
      %run_scoped3A_236 = tpu.sem_alloc : memref<!tpu.dma_semaphore, #tpu.memory_space<semaphore_mem>>
      %dma_start3A_237 = arith.constant 0 : i32
      %dma_start3A_238 = tpu.memref_slice %arg10[%run_scoped3A_227, %dma_start3A_237] : memref<1x80xi32, #tpu.memory_space<vmem>> -> memref<1x80xi32, #tpu.memory_space<vmem>>
      %dma_start3A_239 = tpu.memref_squeeze %dma_start3A_238 : memref<1x80xi32, #tpu.memory_space<vmem>> -> memref<80xi32, #tpu.memory_space<vmem>>
      %dma_start3A_240 = arith.constant 0 : i32
      %dma_start3A_241 = arith.constant 0 : i32
      %dma_start3A_242 = tpu.memref_slice %arg15[%dma_start3A_240, %dma_start3A_241] : memref<10000x128xf32, #tpu.memory_space<vmem_shared>> -> memref<10000x128xf32, #tpu.memory_space<vmem_shared>>
      tpu.enqueue_indirect_dma source(%arg12 : memref<80x128xf32, #tpu.memory_space<vmem>>) target(%dma_start3A_242 : memref<10000x128xf32, #tpu.memory_space<vmem_shared>>) offsets(%dma_start3A_239 : memref<80xi32, #tpu.memory_space<vmem>>) semaphore(%run_scoped3A_236 : memref<!tpu.dma_semaphore, #tpu.memory_space<semaphore_mem>>) {add = true}
      %dma_wait3A_243 = arith.constant 0 : i32
      %dma_wait3A_244 = tpu.memref_slice %arg10[%run_scoped3A_227, %dma_wait3A_243] : memref<1x80xi32, #tpu.memory_space<vmem>> -> memref<1x80xi32, #tpu.memory_space<vmem>>
      %dma_wait3A_245 = tpu.memref_squeeze %dma_wait3A_244 : memref<1x80xi32, #tpu.memory_space<vmem>> -> memref<80xi32, #tpu.memory_space<vmem>>
      %dma_wait3A_246 = arith.constant 0 : i32
      %dma_wait3A_247 = arith.constant 0 : i32
      %dma_wait3A_248 = tpu.memref_slice %arg15[%dma_wait3A_246, %dma_wait3A_247] : memref<10000x128xf32, #tpu.memory_space<vmem_shared>> -> memref<10000x128xf32, #tpu.memory_space<vmem_shared>>
      tpu.wait_indirect_dma semaphore(%run_scoped3A_236 : memref<!tpu.dma_semaphore, #tpu.memory_space<semaphore_mem>>) src(%arg12 : memref<80x128xf32, #tpu.memory_space<vmem>>) dst(%dma_wait3A_248 : memref<10000x128xf32, #tpu.memory_space<vmem_shared>>)
      tpu.yield
    }) : () -> ()
    %barrier3A_228 = arith.constant 0 : index
    tpu.barrier barrier_id(%barrier3A_228)
    "tpu.region"() ({
      %run_scoped3A_236 = tpu.sem_alloc : memref<!tpu.dma_semaphore, #tpu.memory_space<semaphore_mem>>
      %dma_start3A_237 = arith.constant 0 : i32
      %dma_start3A_238 = tpu.memref_slice %arg6[%arg0, %mul3A_2, %dma_start3A_237] : memref<2x10000x128xf32, #tpu.memory_space<hbm>> -> memref<1x624x128xf32, #tpu.memory_space<hbm>>
      %dma_start3A_239 = tpu.memref_squeeze %dma_start3A_238 : memref<1x624x128xf32, #tpu.memory_space<hbm>> -> memref<624x128xf32, #tpu.memory_space<hbm>>
      %dma_start3A_240 = arith.constant 0 : i32
      %dma_start3A_241 = tpu.memref_slice %arg15[%mul3A_2, %dma_start3A_240] : memref<10000x128xf32, #tpu.memory_space<vmem_shared>> -> memref<624x128xf32, #tpu.memory_space<vmem_shared>>
      tpu.enqueue_dma source(%dma_start3A_241 : memref<624x128xf32, #tpu.memory_space<vmem_shared>>) target(%dma_start3A_239 : memref<624x128xf32, #tpu.memory_space<hbm>>) target_semaphore(%run_scoped3A_236 : memref<!tpu.dma_semaphore, #tpu.memory_space<semaphore_mem>>)
      %dma_wait3A_242 = arith.constant 0 : i32
      %dma_wait3A_243 = tpu.memref_slice %arg6[%arg0, %mul3A_2, %dma_wait3A_242] : memref<2x10000x128xf32, #tpu.memory_space<hbm>> -> memref<1x624x128xf32, #tpu.memory_space<hbm>>
      %dma_wait3A_244 = tpu.memref_squeeze %dma_wait3A_243 : memref<1x624x128xf32, #tpu.memory_space<hbm>> -> memref<624x128xf32, #tpu.memory_space<hbm>>
      %dma_wait3A_245 = arith.constant 0 : i32
      %dma_wait3A_246 = tpu.memref_slice %arg15[%mul3A_2, %dma_wait3A_245] : memref<10000x128xf32, #tpu.memory_space<vmem_shared>> -> memref<624x128xf32, #tpu.memory_space<vmem_shared>>
      tpu.wait_dma2 semaphore(%run_scoped3A_236 : memref<!tpu.dma_semaphore, #tpu.memory_space<semaphore_mem>>) src(%dma_wait3A_246 : memref<624x128xf32, #tpu.memory_space<vmem_shared>>) dst(%dma_wait3A_244 : memref<624x128xf32, #tpu.memory_space<hbm>>)
      tpu.yield
    }) : () -> ()
    %eq3A_229 = arith.constant 15 : i32
    %eq3A_230 = arith.cmpi eq, %arg1, %eq3A_229 : i32
    %convert_element_type3A_231 = arith.extui %eq3A_230 : i1 to i32
    %cond3A_232 = arith.constant 0 : i32
    %cond3A_233 = arith.cmpi ne, %convert_element_type3A_231, %cond3A_232 : i32
    scf.if %cond3A_233 {
      "tpu.region"() ({
        %run_scoped3A_236 = tpu.sem_alloc : memref<!tpu.dma_semaphore, #tpu.memory_space<semaphore_mem>>
        %dma_start3A_237 = arith.constant 9984 : i32
        %dma_start3A_238 = arith.constant 0 : i32
        %dma_start3A_239 = tpu.memref_slice %arg6[%arg0, %dma_start3A_237, %dma_start3A_238] : memref<2x10000x128xf32, #tpu.memory_space<hbm>> -> memref<1x16x128xf32, #tpu.memory_space<hbm>>
        %dma_start3A_240 = tpu.memref_squeeze %dma_start3A_239 : memref<1x16x128xf32, #tpu.memory_space<hbm>> -> memref<16x128xf32, #tpu.memory_space<hbm>>
        %dma_start3A_241 = arith.constant 9984 : i32
        %dma_start3A_242 = arith.constant 0 : i32
        %dma_start3A_243 = tpu.memref_slice %arg15[%dma_start3A_241, %dma_start3A_242] : memref<10000x128xf32, #tpu.memory_space<vmem_shared>> -> memref<16x128xf32, #tpu.memory_space<vmem_shared>>
        tpu.enqueue_dma source(%dma_start3A_243 : memref<16x128xf32, #tpu.memory_space<vmem_shared>>) target(%dma_start3A_240 : memref<16x128xf32, #tpu.memory_space<hbm>>) target_semaphore(%run_scoped3A_236 : memref<!tpu.dma_semaphore, #tpu.memory_space<semaphore_mem>>)
        %dma_wait3A_244 = arith.constant 9984 : i32
        %dma_wait3A_245 = arith.constant 0 : i32
        %dma_wait3A_246 = tpu.memref_slice %arg6[%arg0, %dma_wait3A_244, %dma_wait3A_245] : memref<2x10000x128xf32, #tpu.memory_space<hbm>> -> memref<1x16x128xf32, #tpu.memory_space<hbm>>
        %dma_wait3A_247 = tpu.memref_squeeze %dma_wait3A_246 : memref<1x16x128xf32, #tpu.memory_space<hbm>> -> memref<16x128xf32, #tpu.memory_space<hbm>>
        %dma_wait3A_248 = arith.constant 9984 : i32
        %dma_wait3A_249 = arith.constant 0 : i32
        %dma_wait3A_250 = tpu.memref_slice %arg15[%dma_wait3A_248, %dma_wait3A_249] : memref<10000x128xf32, #tpu.memory_space<vmem_shared>> -> memref<16x128xf32, #tpu.memory_space<vmem_shared>>
        tpu.wait_dma2 semaphore(%run_scoped3A_236 : memref<!tpu.dma_semaphore, #tpu.memory_space<semaphore_mem>>) src(%dma_wait3A_250 : memref<16x128xf32, #tpu.memory_space<vmem_shared>>) dst(%dma_wait3A_247 : memref<16x128xf32, #tpu.memory_space<hbm>>)
        tpu.yield
      }) : () -> ()
    } else {
    }
    %mul3A_234 = arith.constant 10000 : i32
    %mul3A_235 = arith.muli %add3A, %mul3A_234 : i32
    "tpu.region"() ({
      %run_scoped3A_236 = tpu.sem_alloc : memref<!tpu.dma_semaphore, #tpu.memory_space<semaphore_mem>>
      %dma_start3A_237 = tpu.memref_slice %arg7[%mul3A_235] : memref<320000xf32, #tpu.memory_space<hbm>> -> memref<10000xf32, #tpu.memory_space<hbm>>
      %dma_start3A_238 = tpu.memref_slice %arg7[%mul3A_235] : memref<320000xf32, #tpu.memory_space<hbm>> -> memref<10000xf32, #tpu.memory_space<hbm>>
      tpu.enqueue_dma source(%arg14 : memref<10000xf32, #tpu.memory_space<vmem>>) target(%dma_start3A_238 : memref<10000xf32, #tpu.memory_space<hbm>>) target_semaphore(%run_scoped3A_236 : memref<!tpu.dma_semaphore, #tpu.memory_space<semaphore_mem>>)
      %dma_wait3A_239 = tpu.memref_slice %arg7[%mul3A_235] : memref<320000xf32, #tpu.memory_space<hbm>> -> memref<10000xf32, #tpu.memory_space<hbm>>
      %dma_wait3A_240 = tpu.memref_slice %arg7[%mul3A_235] : memref<320000xf32, #tpu.memory_space<hbm>> -> memref<10000xf32, #tpu.memory_space<hbm>>
      tpu.wait_dma2 semaphore(%run_scoped3A_236 : memref<!tpu.dma_semaphore, #tpu.memory_space<semaphore_mem>>) src(%arg14 : memref<10000xf32, #tpu.memory_space<vmem>>) dst(%dma_wait3A_240 : memref<10000xf32, #tpu.memory_space<hbm>>)
      tpu.yield
    }) : () -> ()
    return
  }
}

module attributes {stable_mosaic.version = 14 : i64} {
  func.func @_tc_body(%arg0: i32, %arg1: memref<2x1000x128xf32, #tpu.memory_space<vmem>>, %arg2: memref<1000x32xf32, #tpu.memory_space<vmem>>, %arg3: memref<1000x128xf32, #tpu.memory_space<vmem>>, %arg4: memref<128x128xf32, #tpu.memory_space<vmem>>, %arg5: memref<128x128xf32, #tpu.memory_space<vmem>>, %arg6: memref<128x128xf32, #tpu.memory_space<vmem>>, %arg7: memref<1x128xf32, #tpu.memory_space<vmem>>, %arg8: memref<1x128xf32, #tpu.memory_space<vmem>>, %arg9: memref<1x128xf32, #tpu.memory_space<vmem>>, %arg10: memref<1000x128xf32, #tpu.memory_space<vmem>>) attributes {dimension_semantics = [#tpu.dimension_semantics<arbitrary>], iteration_bounds = array<i64: 10>, scalar_prefetch = 0 : i64, scratch_operands = 0 : i64, tpu.core_type = #tpu.core_type<tc>, window_params = [{transform_indices = @transform_0, window_bounds = array<i64: 2, 1000, 128>}, {transform_indices = @transform_1, window_bounds = array<i64: 1000, 32>}, {transform_indices = @transform_2, window_bounds = array<i64: 1000, 128>}, {pipeline_mode = #tpu.pipeline_mode<synchronous>, transform_indices = @transform_3, window_bounds = array<i64: 128, 128>}, {pipeline_mode = #tpu.pipeline_mode<synchronous>, transform_indices = @transform_4, window_bounds = array<i64: 128, 128>}, {pipeline_mode = #tpu.pipeline_mode<synchronous>, transform_indices = @transform_5, window_bounds = array<i64: 128, 128>}, {pipeline_mode = #tpu.pipeline_mode<synchronous>, transform_indices = @transform_6, window_bounds = array<i64: 1, 128>}, {pipeline_mode = #tpu.pipeline_mode<synchronous>, transform_indices = @transform_7, window_bounds = array<i64: 1, 128>}, {pipeline_mode = #tpu.pipeline_mode<synchronous>, transform_indices = @transform_8, window_bounds = array<i64: 1, 128>}, {transform_indices = @transform_9, window_bounds = array<i64: 1000, 128>}]} {
    %get3A = arith.constant 0 : index
    %get3A_0 = arith.constant 0 : index
    %get3A_1 = arith.constant 0 : index
    %get3A_2 = vector.load %arg1[%get3A, %get3A_0, %get3A_1] : memref<2x1000x128xf32, #tpu.memory_space<vmem>>, vector<1x1000x128xf32>
    %get3A_3 = vector.shape_cast %get3A_2 : vector<1x1000x128xf32> to vector<1000x128xf32>
    %get3A_4 = arith.constant 1 : index
    %get3A_5 = arith.constant 0 : index
    %get3A_6 = arith.constant 0 : index
    %get3A_7 = vector.load %arg1[%get3A_4, %get3A_5, %get3A_6] : memref<2x1000x128xf32, #tpu.memory_space<vmem>>, vector<1x1000x128xf32>
    %get3A_8 = vector.shape_cast %get3A_7 : vector<1x1000x128xf32> to vector<1000x128xf32>
    %add3A = arith.addf %get3A_3, %get3A_8 : vector<1000x128xf32>
    %get3A_9 = arith.constant 0 : index
    %get3A_10 = arith.constant 0 : index
    %get3A_11 = vector.load %arg2[%get3A_9, %get3A_10] : memref<1000x32xf32, #tpu.memory_space<vmem>>, vector<1000x32xf32>
    %reduce_sum3A = arith.constant dense<0.000000e+00> : vector<1000xf32>
    %reduce_sum3A_12 = vector.multi_reduction <add>, %get3A_11, %reduce_sum3A [1] : vector<1000x32xf32> to vector<1000xf32>
    %broadcast_in_dim3A = vector.shape_cast %reduce_sum3A_12 : vector<1000xf32> to vector<1000x1xf32>
    %max3A = arith.constant 1.000000e+00 : f32
    %max3A_13 = vector.broadcast %max3A : f32 to vector<1000x1xf32>
    %max3A_14 = arith.maximumf %broadcast_in_dim3A, %max3A_13 : vector<1000x1xf32>
    %div3A = arith.constant 1.000000e+00 : f32
    %div3A_15 = vector.broadcast %div3A : f32 to vector<1000x1xf32>
    %div3A_16 = arith.divf %div3A_15, %max3A_14 : vector<1000x1xf32>
    %min3A = arith.constant 1.000000e+00 : f32
    %min3A_17 = vector.broadcast %min3A : f32 to vector<1000x1xf32>
    %min3A_18 = arith.minimumf %broadcast_in_dim3A, %min3A_17 : vector<1000x1xf32>
    %get3A_19 = arith.constant 0 : index
    %get3A_20 = arith.constant 0 : index
    %get3A_21 = vector.load %arg4[%get3A_19, %get3A_20] : memref<128x128xf32, #tpu.memory_space<vmem>>, vector<128x128xf32>
    %dot_general3A = arith.constant dense<0.000000e+00> : vector<1000x128xf32>
    %dot_general3A_22 = tpu.matmul %add3A, %get3A_21, %dot_general3A {dimension_numbers = #tpu.dot_dimension_numbers<[1], [0], [0], [1], [0, 0, 1, 1], [], []>, transpose_lhs_hint = false} : vector<1000x128xf32>, vector<128x128xf32>, vector<1000x128xf32> -> vector<1000x128xf32>
    %mul3A = vector.broadcast %div3A_16 : vector<1000x1xf32> to vector<1000x128xf32>
    %mul3A_23 = arith.mulf %dot_general3A_22, %mul3A : vector<1000x128xf32>
    %get3A_24 = arith.constant 0 : index
    %get3A_25 = arith.constant 0 : index
    %get3A_26 = vector.load %arg7[%get3A_24, %get3A_25] : memref<1x128xf32, #tpu.memory_space<vmem>>, vector<1x128xf32>
    %mul3A_27 = vector.broadcast %get3A_26 : vector<1x128xf32> to vector<1000x128xf32>
    %mul3A_28 = vector.broadcast %min3A_18 : vector<1000x1xf32> to vector<1000x128xf32>
    %mul3A_29 = arith.mulf %mul3A_27, %mul3A_28 : vector<1000x128xf32>
    %add3A_30 = arith.addf %mul3A_23, %mul3A_29 : vector<1000x128xf32>
    %get3A_31 = arith.constant 0 : index
    %get3A_32 = arith.constant 0 : index
    %get3A_33 = vector.load %arg6[%get3A_31, %get3A_32] : memref<128x128xf32, #tpu.memory_space<vmem>>, vector<128x128xf32>
    %dot_general3A_34 = arith.constant dense<0.000000e+00> : vector<1000x128xf32>
    %dot_general3A_35 = tpu.matmul %add3A_30, %get3A_33, %dot_general3A_34 {dimension_numbers = #tpu.dot_dimension_numbers<[1], [0], [0], [1], [0, 0, 1, 1], [], []>, transpose_lhs_hint = false} : vector<1000x128xf32>, vector<128x128xf32>, vector<1000x128xf32> -> vector<1000x128xf32>
    %get3A_36 = arith.constant 0 : index
    %get3A_37 = arith.constant 0 : index
    %get3A_38 = vector.load %arg3[%get3A_36, %get3A_37] : memref<1000x128xf32, #tpu.memory_space<vmem>>, vector<1000x128xf32>
    %get3A_39 = arith.constant 0 : index
    %get3A_40 = arith.constant 0 : index
    %get3A_41 = vector.load %arg5[%get3A_39, %get3A_40] : memref<128x128xf32, #tpu.memory_space<vmem>>, vector<128x128xf32>
    %dot_general3A_42 = arith.constant dense<0.000000e+00> : vector<1000x128xf32>
    %dot_general3A_43 = tpu.matmul %get3A_38, %get3A_41, %dot_general3A_42 {dimension_numbers = #tpu.dot_dimension_numbers<[1], [0], [0], [1], [0, 0, 1, 1], [], []>, transpose_lhs_hint = false} : vector<1000x128xf32>, vector<128x128xf32>, vector<1000x128xf32> -> vector<1000x128xf32>
    %add3A_44 = arith.addf %dot_general3A_35, %dot_general3A_43 : vector<1000x128xf32>
    %get3A_45 = arith.constant 0 : index
    %get3A_46 = arith.constant 0 : index
    %get3A_47 = vector.load %arg9[%get3A_45, %get3A_46] : memref<1x128xf32, #tpu.memory_space<vmem>>, vector<1x128xf32>
    %add3A_48 = vector.broadcast %get3A_47 : vector<1x128xf32> to vector<1000x128xf32>
    %add3A_49 = arith.addf %add3A_44, %add3A_48 : vector<1000x128xf32>
    %get3A_50 = arith.constant 0 : index
    %get3A_51 = arith.constant 0 : index
    %get3A_52 = vector.load %arg8[%get3A_50, %get3A_51] : memref<1x128xf32, #tpu.memory_space<vmem>>, vector<1x128xf32>
    %add3A_53 = vector.broadcast %get3A_52 : vector<1x128xf32> to vector<1000x128xf32>
    %add3A_54 = arith.addf %add3A_49, %add3A_53 : vector<1000x128xf32>
    %max3A_55 = arith.constant 0.000000e+00 : f32
    %max3A_56 = vector.broadcast %max3A_55 : f32 to vector<1000x128xf32>
    %max3A_57 = arith.maximumf %add3A_54, %max3A_56 : vector<1000x128xf32>
    %swap3A = arith.constant 0 : index
    %swap3A_58 = arith.constant 0 : index
    %swap3A_59 = vector.load %arg10[%swap3A, %swap3A_58] : memref<1000x128xf32, #tpu.memory_space<vmem>>, vector<1000x128xf32>
    tpu.vector_store %arg10[%swap3A, %swap3A_58], %max3A_57 {strides = array<i32>} : memref<1000x128xf32, #tpu.memory_space<vmem>>, vector<1000x128xf32>,
    return
  }
  func.func @transform_0(%arg0: i32) -> (i32, i32, i32) {
    %c0_i32 = arith.constant 0 : i32
    %c0_i32_0 = arith.constant 0 : i32
    %c0_i32_1 = arith.constant 0 : i32
    return %c0_i32, %arg0, %c0_i32_0 : i32, i32, i32
  }
  func.func @transform_1(%arg0: i32) -> (i32, i32) {
    %c0_i32 = arith.constant 0 : i32
    %c0_i32_0 = arith.constant 0 : i32
    return %arg0, %c0_i32 : i32, i32
  }
  func.func @transform_2(%arg0: i32) -> (i32, i32) {
    %c0_i32 = arith.constant 0 : i32
    %c0_i32_0 = arith.constant 0 : i32
    return %arg0, %c0_i32 : i32, i32
  }
  func.func @transform_3(%arg0: i32) -> (i32, i32) {
    %c0_i32 = arith.constant 0 : i32
    %c0_i32_0 = arith.constant 0 : i32
    %c0_i32_1 = arith.constant 0 : i32
    return %c0_i32, %c0_i32_0 : i32, i32
  }
  func.func @transform_4(%arg0: i32) -> (i32, i32) {
    %c0_i32 = arith.constant 0 : i32
    %c0_i32_0 = arith.constant 0 : i32
    %c0_i32_1 = arith.constant 0 : i32
    return %c0_i32, %c0_i32_0 : i32, i32
  }
  func.func @transform_5(%arg0: i32) -> (i32, i32) {
    %c0_i32 = arith.constant 0 : i32
    %c0_i32_0 = arith.constant 0 : i32
    %c0_i32_1 = arith.constant 0 : i32
    return %c0_i32, %c0_i32_0 : i32, i32
  }
  func.func @transform_6(%arg0: i32) -> (i32, i32) {
    %c0_i32 = arith.constant 0 : i32
    %c0_i32_0 = arith.constant 0 : i32
    %c0_i32_1 = arith.constant 0 : i32
    return %c0_i32, %c0_i32_0 : i32, i32
  }
  func.func @transform_7(%arg0: i32) -> (i32, i32) {
    %c0_i32 = arith.constant 0 : i32
    %c0_i32_0 = arith.constant 0 : i32
    %c0_i32_1 = arith.constant 0 : i32
    return %c0_i32, %c0_i32_0 : i32, i32
  }
  func.func @transform_8(%arg0: i32) -> (i32, i32) {
    %c0_i32 = arith.constant 0 : i32
    %c0_i32_0 = arith.constant 0 : i32
    %c0_i32_1 = arith.constant 0 : i32
    return %c0_i32, %c0_i32_0 : i32, i32
  }
  func.func @transform_9(%arg0: i32) -> (i32, i32) {
    %c0_i32 = arith.constant 0 : i32
    %c0_i32_0 = arith.constant 0 : i32
    return %arg0, %c0_i32 : i32, i32
  }
}

</mosaic_0001>

<sc_bundles>
// kernel: kernel.4.cloned.1.call-start
scs
__scs_entry_jumppad:
0x0: {  	(pc) =	sbr.rel $0x88, $3  }
0x1: {  	(tag) =	ssettag $0x0;
	lr =	simm.s32 $0x1  }
0x2: {  	[smem:$0x3F98] =	sst lr;
	_ =	strace $0xD0000000  }
0x3: {  	_ = 	snop  }
0x4: {  	_ = 	snop  }
0x5: {  	_ = 	snop  }
0x6: {  	_ = 	snop  }
0x7: {  	_ = 	snop  }
__scs_overlays_trampoline_lowered:
0x8: {  	[smem:$0x3FA7] =	sst s0  }
0x9: {  	[smem:$0x3FA8] =	sst s1  }
0xa: {  	[smem:$0x3FA9] =	sst s2  }
0xb: {  	[smem:$0x3FAA] =	sst s3  }
0xc: {  	[smem:$0x3FAB] =	sst s4  }
0xd: {  	[smem:$0x3FAC] =	sst s5  }
0xe: {  	[smem:$0x3FAD] =	sst s6  }
0xf: {  	[smem:$0x3FAE] =	sst s7  }
0x10: {  	[smem:$0x3FAF] =	sst s8  }
0x11: {  	[smem:$0x3FB0] =	sst s9;
	s0 =	simm.s32 @!p0 $0x0  }
0x12: {  	s1 =	sld [smem:$0x3F96];
	s0 =	simm.s32 @p0 $0x1  }
0x13: {  	[smem:$0x3FB1] =	sst s0;
	s0 =	simm.s32 @!p1 $0x0  }
0x14: {  	s2 =	sld [smem:$0x3F95];
	s0 =	simm.s32 @p1 $0x1  }
0x15: {  	[smem:$0x3FB2] =	sst s0;
	s0 =	simm.s32 @!p2 $0x0  }
0x16: {  	s3 =	sld [smem:$0x3FDB];
	s0 =	simm.s32 @p2 $0x1  }
0x17: {  	s4 =	simm.s32 $0x1BF5;
	[smem:$0x3FB4] =	sst s0  }
0x18: {  	s0 =	sld [smem:$0x3F97];
	_ =	swait.ge [sflag:s4], $0x0  }
0x19: {  	s7 =	sld [smem:$0x3F98]  }
0x1a: {  	s8 =	sadd.s32 $0xFFFFE003, lr  }
0x1b: {  	s9 =	sadd.s32 $0xFFFFFEF7, lr;
	s5 =	simm.s32 $0xFFFFFFFF;
	p2 =	slt.u32 s8, $0xFFFFF086  }
0x1c: {  	p1 =	slt.u32 s9, $0xF7A;
	s5 =	simm.s32 @!p2 $0x0  }
0x1d: {  	s5 =	simm.s32 @p1 $0x1;
	p0 =	seq.s32 s7, s2  }
0x1e: {  	s7 =	smul.u32 @!p0 $0xF7A, s2;
	p2 =	seq.s32 @!p0 s5, $0x0  }
0x1f: {  	s9 =	smul.u32 $0xF7A, s1;
	s8 =	simm.s32 @!p0 $0x1BF5;
	p2 =	por !p2, p0  }
0x20: {  	[sflag:s8] =	ssyncset.s32 @!p0 $0xFFFFF086;
	s6 =	sadd.s32 @!p0 s3, s7;
	s7 =	simm.s32 @!p0 $0x108  }
0x21: {  	s3 =	sadd.s32 s3, s9;
	s6 =	sadd.s32 @!p0 $0x88, s6;
	s7 =	simm.s32 @p2 $0x1082  }
0x22: {  	[simem:s7], [sflag:s8] =	dma.local @!p0 [hbm:s6], $0xF7A  }
0x23: {  	s9 =	sor.u32 $0xD0000000, s2;
	s6 =	simm.s32 $0x108;
	_ =	swait.ge @!p0 [sflag:s8], $0x0  }
0x24: {  	s3 =	sadd.s32 $0x88, s3;
	s6 =	simm.s32 @!p1 $0x1082;
	[sflag:s4] =	ssyncset.s32 $0xFFFFF086  }
0x25: {  	[simem:s6], [sflag:s4] =	dma.local [hbm:s3], $0xF7A  }
0x26: {  	[smem:$0x3F98] =	sst s1;
	(tag) =	ssettag s2;
	_ =	strace s9  }
0x27: {  	s1 =	sld [smem:$0x3FA8]  }
0x28: {  	s2 =	sld [smem:$0x3FA9]  }
0x29: {  	s4 =	sld [smem:$0x3FAB]  }
0x2a: {  	p0 =	seq.s32 s5, $0x0;
	s5 =	sld [smem:$0x3FAC]  }
0x2b: {  	s6 =	sld [smem:$0x3FAD]  }
0x2c: {  	s7 =	sld [smem:$0x3FAE]  }
0x2d: {  	s3 =	simm.s32 $0x108;
	s8 =	sld [smem:$0x3FAF]  }
0x2e: {  	s3 =	simm.s32 @!p0 $0x1082;
	s9 =	sld [smem:$0x3FB0]  }
0x2f: {  	lr =	sadd.s32 s0, s3;
	s0 =	sld [smem:$0x3FA7]  }
0x30: {  	s3 =	sld [smem:$0x3FAA]  }
0x31: {  	[smem:$0x3FB3] =	sst s10  }
0x32: {  	s10 =	sld [smem:$0x3FB1];
	_ =	sdelay $0x3  }
0x33: {  	p0 =	seq.s32 s10, $0x1;
	s10 =	sld [smem:$0x3FB3];
	_ =	sdelay $0x3  }
0x34: {  	[smem:$0x3FB3] =	sst s10  }
0x35: {  	s10 =	sld [smem:$0x3FB2];
	_ =	sdelay $0x3  }
0x36: {  	p1 =	seq.s32 s10, $0x1;
	s10 =	sld [smem:$0x3FB3];
	_ =	sdelay $0x3  }
0x37: {  	[smem:$0x3FB3] =	sst s10  }
0x38: {  	s10 =	sld [smem:$0x3FB4]  }
0x39: {  	_ = 	snop;
	(pc) =	sbr.ind lr, $3  }
0x3a: {  	_ = 	snop  }
0x3b: {  	_ = 	snop  }
0x3c: {  	p2 =	seq.s32 s10, $0x1;
	s10 =	sld [smem:$0x3FB3]  }
0x3d: {  	_ =	shalt  }
0x3e: {  	_ =	shalt  }
0x3f: {  	_ =	shalt  }
0x40: {  	_ =	shalt  }
0x41: {  	_ =	shalt  }
0x42: {  	_ =	shalt  }
0x43: {  	_ =	shalt  }
0x44: {  	_ =	shalt  }
0x45: {  	_ =	shalt  }
0x46: {  	_ =	shalt  }
0x47: {  	_ =	shalt  }
0x48: {  	_ =	shalt  }
0x49: {  	_ =	shalt  }
0x4a: {  	_ =	shalt  }
0x4b: {  	_ =	shalt  }
0x4c: {  	_ =	shalt  }
0x4d: {  	_ =	shalt  }
0x4e: {  	_ =	shalt  }
0x4f: {  	_ =	shalt  }
0x50: {  	_ =	shalt  }
0x51: {  	_ =	shalt  }
0x52: {  	_ =	shalt  }
0x53: {  	_ =	shalt  }
0x54: {  	_ =	shalt  }
0x55: {  	_ =	shalt  }
0x56: {  	_ =	shalt  }
0x57: {  	_ =	shalt  }
0x58: {  	_ =	shalt  }
0x59: {  	_ =	shalt  }
0x5a: {  	_ =	shalt  }
0x5b: {  	_ =	shalt  }
0x5c: {  	_ =	shalt  }
0x5d: {  	_ =	shalt  }
0x5e: {  	_ =	shalt  }
0x5f: {  	_ =	shalt  }
0x60: {  	_ =	shalt  }
0x61: {  	_ =	shalt  }
0x62: {  	_ =	shalt  }
0x63: {  	_ =	shalt  }
0x64: {  	_ =	shalt  }
0x65: {  	_ =	shalt  }
0x66: {  	_ =	shalt  }
0x67: {  	_ =	shalt  }
0x68: {  	_ =	shalt  }
0x69: {  	_ =	shalt  }
0x6a: {  	_ =	shalt  }
0x6b: {  	_ =	shalt  }
0x6c: {  	_ =	shalt  }
0x6d: {  	_ =	shalt  }
0x6e: {  	_ =	shalt  }
0x6f: {  	_ =	shalt  }
0x70: {  	_ =	shalt  }
0x71: {  	_ =	shalt  }
0x72: {  	_ =	shalt  }
0x73: {  	_ =	shalt  }
0x74: {  	_ =	shalt  }
0x75: {  	_ =	shalt  }
0x76: {  	_ =	shalt  }
0x77: {  	_ =	shalt  }
0x78: {  	_ =	shalt  }
0x79: {  	_ =	shalt  }
0x7a: {  	_ =	shalt  }
0x7b: {  	_ =	shalt  }
0x7c: {  	_ =	shalt  }
0x7d: {  	_ =	shalt  }
0x7e: {  	_ =	shalt  }
0x7f: {  	_ =	shalt  }
0x80: {  	_ =	shalt  }
0x81: {  	_ =	shalt  }
0x82: {  	_ =	shalt  }
0x83: {  	_ =	shalt  }
0x84: {  	_ =	shalt  }
0x85: {  	_ =	shalt  }
0x86: {  	_ =	shalt  }
0x87: {  	_ =	shalt  }
.Lfunc_end0:
.L_simem_size_0:
called_computation_lowered:
.L_overlay_start_0:
0x88: {  	s2 =	sld [smem:$0x3FD9]  }
0x89: {  	s3 =	sld [smem:$0x3FFE];
	_ =	sdelay $0x1  }
0x8a: {  	s1 =	srdreg.scid  }
0x8b: {  	s0 =	sand.u32 $0x1, s1  }
0x8c: {  	s17 =	sshll.u32 s0, $0xA;
	s2 =	sadd.s32 s3, s2  }
0x8d: {  	s2 =	sadd.s32 s2, s17  }
0x8e: {  	[smem:$0x3FBF] =	sst s2  }
0x8f: {  	_ = 	snop  }
0x90: {  	s2 =	sld [smem:$0x3FC9]  }
0x91: {  	s18 =	sld [smem:$0x3FD0];
	(tm) =	ssettm $0x1  }
0x92: {  	s4 =	sld [smem:$0x3FFB];
	_ =	sdelay $0x3  }
0x93: {  	_ =	strace s4  }
0x94: {  	s4 =	sld [smem:$0x3FFC];
	_ =	sdelay $0x3  }
0x95: {  	_ =	strace s4  }
0x96: {  	s4 =	sld [smem:$0x3FFD];
	_ =	sdelay $0x3  }
0x97: {  	_ =	strace s4  }
0x98: {  	_ =	strace $0x8FFFFFFF  }
0x99: {  	s19 =	sld [smem:$0x3FDB];
	_ =	sdelay $0x1  }
0x9a: {  	s5 =	simm.s32 $_scs_section_size  }
0x9b: {  	s6 =	simm.s32 $_size__tile_overlayer_lowered;
	s7 =	simm.s32 $_tile_overlayer_lowered  }
0x9c: {  	s22 =	simm.s32 $0x1BFF;
	s21 =	sshll.u32 s7, $0x1;
	s4 =	sadd.s32 s5, s19  }
0x9d: {  	s8 =	simm.s32 $0x0;
	s20 =	sshll.u32 s6, $0x1;
	s6 =	sadd.s32 s21, s4  }
0x9e: {  	[timem:s8], [sflag:s22] =	dma.local [hbm:s6], s20  }
0x9f: {  	_ =	swait.ge [sflag:s22], s20  }
0xa0: {  	s5 =	ssub.s32 $0x0, s20;
	[sflag:s22] =	ssyncset.done $0x0  }
0xa1: {  	[sflag:s22] =	ssyncadd.s32 s5;
	_ =	sdelay $0x1  }
0xa2: {  	s23 =	simm.s32 $0x1B8B  }
0xa3: {  	_ =	swait.ge [sflag:s23], $0x1  }
0xa4: {  	[sflag:s23] =	ssyncset.done $0x0  }
0xa5: {  	s25 =	simm.s32 $0x1B8E;
	s24 =	sld [smem:$0x3FFE];
	[sflag:s23] =	ssyncadd.s32 $0xFFFFFFFF  }
0xa6: {  	s26 =	simm.s32 $execute0_lowered;
	[smem:$0x3FD2] =	sst s25  }
0xa7: {  	s6 =	sshll.u32 s26, $0x1;
	_ =	strace $0x80000046;
	[dreg:$0x1] =	wrdreg $0xFFFFFFFF  }
0xa8: {  	s28 =	simm.s32 $_size_execute0_lowered;
	s4 =	sadd.s32 s4, s6;
	[dreg:$0x0] =	wrdreg $0x0  }
0xa9: {  	s6 =	sshll.u32 s28, $0x1;
	[dreg:$0x2] =	wrdreg s4  }
0xaa: {  	[dreg:$0x3] =	wrdreg s6  }
0xab: {  	[dreg:$0x4] =	wrdreg $0xC0  }
0xac: {  	_ =	task [dreg:s8], $0x5FFFF  }
0xad: {  	[dreg:$0x1] =	wrdreg $0xFFFFFFFF  }
0xae: {  	[dreg:$0x0] =	wrdreg $0x60  }
0xaf: {  	[dreg:$0x2] =	wrdreg s2  }
0xb0: {  	[dreg:$0x3] =	wrdreg s24  }
0xb1: {  	[dreg:$0x4] =	wrdreg s18  }
0xb2: {  	[dreg:$0x5] =	wrdreg $0xB0000  }
0xb3: {  	[dreg:$0x6] =	wrdreg $0x9  }
0xb4: {  	_ =	task.clear_ibuf [dreg:s8], $0x7FFFF;
	_ =	strace $0x90000046  }
0xb5: {  	s29 =	simm.s32 $0x9;
	_ =	strace $0x80000048  }
0xb6: {  	_ =	swait.ge [sflag:s29], $0x1  }
0xb7: {  	[sflag:s29] =	ssyncadd.s32 $0xFFFFFFFF  }
0xb8: {  	_ =	strace $0x90000048  }
0xb9: {  	_ =	sfence  }
0xba: {  	s30 =	sld [smem:$0x0];
	_ =	sdelay $0x2  }
0xbb: {  	s31 =	sshll.u32 s1, $0xD;
	s1 =	sshrl.u32 s1, $0x2  }
0xbc: {  	s3 =	sand.u32 $0x4000, s31;
	s1 =	sadd.s32 s1, s30  }
0xbd: {  	s0 =	sor.u32 s3, s0;
	s1 =	sshll.u32 s1, $0x11  }
0xbe: {  	s0 =	sor.u32 s1, s0  }
0xbf: {  	s0 =	sadd.s32 $0x8F2B, s0  }
0xc0: {  	[sflag:s0] =	ssyncadd.remote.s32 $0x1  }
0xc1: {  	_ =	sfence.sel $0xFFFF  }
0xc2: {  	[dreg:$0x0] =	wrdreg $0xFFFFFFFF;
	(pc) =	sbr.abs _section_cstart, $3  }
0xc3: {  	[dreg:$0x1] =	wrdreg $0xFFFFFFFF  }
0xc4: {  	_ =	task.clear_ibuf [dreg:s8], $0x2FFFF;
	_ =	strace $0x9FFFFFFF  }
0xc5: {  	(tm) =	ssettm $0x7FFFFFFF  }
tec
execute0_lowered:
.L_overlay_start_1:
0x0: {  	(tag) =	ssettag $0x1  }
0x1: {  	s1 =	rddreg [dreg:$0x0]  }
0x2: {  	s0 =	rddreg [dreg:$0x1]  }
0x3: {  	s2 =	rddreg [dreg:$0x2];
	s4 =	srdreg.scid  }
0x4: {  	s13 =	stileid.u32;
	s3 =	rddreg [dreg:$0x3];
	s6 =	simm.s32 $0x0  }
0x5: {  	s28 =	simm.s32 $0x1080;
	s29 =	simm.s32 $0x3880;
	s30 =	simm.s32 $0x1  }
0x6: {  	s31 =	simm.s32 $0x8880;
	s4 =	sand.u32 $0x1, s4;
	s5 =	sshll.u32 s13, $0x1  }
0x7: {  	[smem:$0x7FF] =	sst s6;
	s8 =	sadd.s32 $0x1600, s0;
	s7 =	smul.u32 $0x4E000, s13  }
0x8: {  	s9 =	sadd.s32 $0x17A00, s0;
	s12 =	sshll.u32 s13, $0x6;
	s16 =	sadd.s32 $0x138000, s3  }
0x9: {  	s24 =	smul.u32 $0x13800, s13;
	p0 =	sne.s32 s13, $0xF;
	s5 =	sor.u32 s4, s5  }
0xa: {  	_ =	strace $0x80000047;
	s10 =	ssub.s32 $0x2, s4;
	s4 =	smul.u32 $0x138800, s4  }
0xb: {  	[dreg:$0x6] =	wrdreg s16;
	s15 =	smul.u32 $0x2710, s5;
	s11 =	sshrl.u32 s10, $0x1  }
0xc: {  	s5 =	sadd.s32 $0xB400, s0;
	s7 =	sshrl.u32 s7, $0x2;
	s10 =	ssub.s32 s10, s11  }
0xd: {  	s7 =	sadd.s32 s7, s3;
	s25 =	sadd.s32 s24, s4;
	s4 =	sshrl.u32 s4, $0x3  }
0xe: {  	s24 =	simm.s32 $0x800;
	s6 =	sshrl.u32 s15, $0x3;
	[dreg:$0x5] =	wrdreg s7  }
0xf: {  	s7 =	sor.u32 $0x1C05, s12;
	s26 =	sshrl.u32 s25, $0x3;
	s4 =	sadd.s32 s9, s4  }
0x10: {  	s25 =	simm.s32 $0x4;
	s0 =	sadd.s32 s6, s0;
	s17 =	sadd.s32 s8, s6  }
0x11: {  	s18 =	sadd.s32 $0xFA, s6;
	s19 =	sadd.s32 s2, s6;
	s21 =	sadd.s32 $0x1F4, s6  }
0x12: {  	s23 =	sadd.s32 $0x2EE, s6;
	s6 =	sadd.s32 $0x3E8, s6;
	[dreg:$0x7] =	wrdreg s17  }
0x13: {  	[dreg:$0x8] =	wrdreg s19;
	s20 =	sadd.s32 s8, s18;
	s11 =	sadd.s32 s2, s18  }
0x14: {  	s22 =	sadd.s32 s8, s21;
	s14 =	sadd.s32 s2, s21;
	s15 =	sadd.s32 s8, s23  }
0x15: {  	s16 =	sadd.s32 s2, s23;
	s17 =	sadd.s32 s8, s6;
	s18 =	sadd.s32 s2, s6  }
.Ltmp0:
0x16: {  	s19 =	sadd.s32 s9, s26;
	s21 =	sadd.s32 $0xDC00, s0;
	(pc) =	sbr.rel .LBB2_1-.Ltmp0, $4  }
0x17: {  	s23 =	simm.s32 $0x5;
	s26 =	simm.s32 $0x50;
	[dreg:$0x9] =	wrdreg s20  }
0x18: {  	s2 =	simm.s32 $0x1000;
	s0 =	simm.s32 $0x6080;
	[dreg:$0xa] =	wrdreg s11  }
0x19: {  	s6 =	simm.s32 $0x3;
	s8 =	simm.s32 $0x0;
	[dreg:$0xb] =	wrdreg s22  }
0x1a: {  	v0 =	vimm.f32 $0.0e+00;
	v1 =	vimm.f32 $1.000000000e+00;
	s20 =	sadd.s32 $0x27000, s4;
	s22 =	smax.u32 s10, $0x1;
	s4 =	simm.s32 $0x2  }
.LBB2_18:
0x1b: {  	_ =	swait.ge [sflag:s4], $0x2800  }
0x1c: {  	[sflag:s4] =	ssyncset.done $0x0  }
0x1d: {  	[sflag:s4] =	ssyncadd.s32 $0xFFFFD800  }
0x1e: {  	v2 =	vld [tilespmem:$0xF80];
	_ =	sdelay $0x6  }
0x1f: {  	[tilespmem:$0x1000] =	vst v2  }
0x20: {  	[tilespmem:v2+s31+$0x0] =	vst.idx.add.f32.msk $0xffff, v1  }
0x21: {  	v2 =	vld [tilespmem:$0xF90];
	_ =	sdelay $0x6  }
0x22: {  	[tilespmem:$0x1010] =	vst v2  }
0x23: {  	[tilespmem:v2+s31+$0x0] =	vst.idx.add.f32.msk $0xffff, v1  }
0x24: {  	v2 =	vld [tilespmem:$0xFA0];
	_ =	sdelay $0x6  }
0x25: {  	[tilespmem:$0x1020] =	vst v2  }
0x26: {  	[tilespmem:v2+s31+$0x0] =	vst.idx.add.f32.msk $0xffff, v1  }
0x27: {  	v2 =	vld [tilespmem:$0xFB0];
	_ =	sdelay $0x6  }
0x28: {  	[tilespmem:$0x1030] =	vst v2  }
0x29: {  	[tilespmem:v2+s31+$0x0] =	vst.idx.add.f32.msk $0xffff, v1  }
0x2a: {  	v2 =	vld [tilespmem:$0xFC0];
	_ =	sdelay $0x6  }
0x2b: {  	[tilespmem:$0x1040] =	vst v2  }
0x2c: {  	[tilespmem:v2+s31+$0x0] =	vst.idx.add.f32.msk $0xffff, v1  }
0x2d: {  	[spmem:s3] =	stream.indirect.scatter.add.f32 [tilespmem:s29], [sflag:$0x5], $0x80, s2, s26, $0xb8;
	[tilespmem:$0x1E880] =	vst v63  }
0x2e: {  	_ =	swait.ge [sflag:s23], $0x2800  }
0x2f: {  	[sflag:s23] =	ssyncset.done $0x0  }
0x30: {  	[sflag:s23] =	ssyncadd.s32 $0xFFFFD800  }
0x31: {  	[bflag:$0x0] =	sbarrier.arrive $0xFFFF  }
0x32: {  	[hbm:s19], [sflag:s7] =	dma.local [spmem:s9], $0x2700  }
0x33: {  	_ =	swait.ge [sflag:s23], $0x2700  }
0x34: {  	[sflag:s23] =	ssyncset.done $0x0  }
0x35: {  	s9 =	simm.s32 @!p0 $0x5;
	[sflag:s23] =	ssyncadd.s32 $0xFFFFD900  }
0x36: {  	[hbm:s20], [sflag:s7] =	dma.local @!p0 [spmem:s10], $0x100  }
0x37: {  	s8 =	sadd.s32 $0x1, s8;
	_ =	swait.ge @!p0 [sflag:s9], $0x100  }
0x38: {  	p1 =	sne.s32 s8, s22;
	[sflag:s9] =	ssyncset.done @!p0 $0x0  }
.Ltmp1:
0x39: {  	s13 =	simm.s32 $0x0;
	[sflag:s9] =	ssyncadd.s32 @!p0 $0xFFFFFF00;
	(pc) =	sbr.rel @!p1 .LBB2_19-.Ltmp1, $4  }
0x3a: {  	[hbm4b:s21+s13] =	stream.linear.scatter [tilespmem:s31], [sflag:$0x5], $0x2710, $0x38;
	[tilespmem:$0x1E880] =	vst v63  }
0x3b: {  	_ =	swait.ge [sflag:s23], $0x2710  }
0x3c: {  	[sflag:s23] =	ssyncset.done $0x0  }
0x3d: {  	[sflag:s23] =	ssyncadd.s32 $0xFFFFD8F0  }
.LBB2_1:
0x3e: {  	s9 =	rddreg [dreg:$0x5]  }
0x3f: {  	s9 =	sshrl.u32 s9, $0x3  }
0x40: {  	[spmem:s9], [sflag:s7] =	dma.local [hbm:s5], $0x2700  }
0x41: {  	_ =	swait.ge [sflag:s23], $0x2700  }
0x42: {  	[sflag:s23] =	ssyncset.done $0x0;
	s10 =	rddreg [dreg:$0x6]  }
0x43: {  	s11 =	simm.s32 @!p0 $0x5;
	[sflag:s23] =	ssyncadd.s32 $0xFFFFD900;
	s10 =	sshrl.u32 @!p0 s10, $0x3  }
0x44: {  	[spmem:s10], [sflag:s7] =	dma.local @!p0 [hbm:s5], $0x100  }
0x45: {  	_ =	swait.ge @!p0 [sflag:s11], $0x100  }
0x46: {  	[sflag:s11] =	ssyncset.done @!p0 $0x0  }
0x47: {  	s12 =	simm.s32 $0x0;
	[sflag:s11] =	ssyncadd.s32 @!p0 $0xFFFFFF00;
	s11 =	simm.s32 $0x40  }
.LBB2_2:
0x48: {  	p1 =	sne.s32 s11, $0x9C00;
	[tilespmem:s12+$0x8880] =	vst v0;
	s12 =	smov.u32 s11;
	s11 =	sadd.s32 $0x40, s11  }
.Ltmp2:
0x49: {  	(pc) =	sbr.rel @p1 .LBB2_2-.Ltmp2, $2  }
0x4a: {  	_ =	sdelay $0x2  }
0x4b: {  	s12 =	sshra.s32 s12, $0x2  }
0x4c: {  	[tilespmem:s12+$0x8880] =	vst v0  }
0x4d: {  	[bflag:$0x0] =	sbarrier.arrive $0xFFFF  }
0x4e: {  	s11 =	simm.s32 $0x0;
	s13 =	rddreg [dreg:$0x7]  }
0x4f: {  	[tilespmem:s11], [sflag:$0x4] =	stream.linear.gather [hbm4b:s13+s11], $0x7D0, $0x38;
	[tilespmem:$0x1E880] =	vst v63  }
0x50: {  	s13 =	rddreg [dreg:$0x8]  }
0x51: {  	[tilespmem:s24], [sflag:$0x4] =	stream.linear.gather [hbm4b:s13+s11], $0x7D0, $0x38;
	[tilespmem:$0x1E880] =	vst v63  }
0x52: {  	_ =	swait.ge [sflag:s25], $0x7D0  }
0x53: {  	[sflag:s25] =	ssyncset.done $0x0  }
0x54: {  	[sflag:s25] =	ssyncadd.s32 $0xFFFFF830  }
0x55: {  	_ =	swait.ge [sflag:s25], $0x7D0  }
0x56: {  	[sflag:s25] =	ssyncset.done $0x0  }
0x57: {  	[sflag:s25] =	ssyncadd.s32 $0xFFFFF830  }
0x58: {  	[tilespmem:s28], [sflag:$0x1] =	stream.indirect.gather [hbm4b:s1+s26], $0x80, s11, s26, $0xb8;
	[tilespmem:$0x1E880] =	vst v63  }
0x59: {  	_ = 	snop  }
0x5a: {  	[tilespmem:s29], [sflag:$0x2] =	stream.indirect.gather [hbm4b:s1+s26], $0x80, s26, s26, $0xb8;
	[tilespmem:$0x1E880] =	vst v63  }
.LBB2_4:
0x5b: {  	_ =	swait.ge [sflag:s30], $0x2800  }
0x5c: {  	[sflag:s30] =	ssyncset.done $0x0  }
0x5d: {  	s12 =	sshra.s32 s11, $0x2;
	[sflag:s30] =	ssyncadd.s32 $0xFFFFD800  }
0x5e: {  	v2 =	vld [tilespmem:s12+$0x800];
	_ =	sdelay $0x6  }
0x5f: {  	[tilespmem:$0x1000] =	vst v2  }
0x60: {  	[tilespmem:v2+s31+$0x0] =	vst.idx.add.f32.msk $0xffff, v1  }
0x61: {  	v2 =	vld [tilespmem:s12+$0x810];
	_ =	sdelay $0x6  }
0x62: {  	[tilespmem:$0x1010] =	vst v2  }
0x63: {  	[tilespmem:v2+s31+$0x0] =	vst.idx.add.f32.msk $0xffff, v1  }
0x64: {  	v2 =	vld [tilespmem:s12+$0x820];
	_ =	sdelay $0x6  }
0x65: {  	[tilespmem:$0x1020] =	vst v2  }
0x66: {  	[tilespmem:v2+s31+$0x0] =	vst.idx.add.f32.msk $0xffff, v1  }
0x67: {  	v2 =	vld [tilespmem:s12+$0x830];
	_ =	sdelay $0x6  }
0x68: {  	[tilespmem:$0x1030] =	vst v2  }
0x69: {  	[tilespmem:v2+s31+$0x0] =	vst.idx.add.f32.msk $0xffff, v1  }
0x6a: {  	v2 =	vld [tilespmem:s12+$0x840];
	_ =	sdelay $0x6  }
0x6b: {  	[tilespmem:$0x1040] =	vst v2  }
0x6c: {  	[tilespmem:v2+s31+$0x0] =	vst.idx.add.f32.msk $0xffff, v1  }
0x6d: {  	[spmem:s3] =	stream.indirect.scatter.add.f32 [tilespmem:s28], [sflag:$0x5], $0x80, s2, s26, $0xb8;
	[tilespmem:$0x1E880] =	vst v63  }
0x6e: {  	_ =	swait.ge [sflag:s23], $0x2800  }
0x6f: {  	[sflag:s23] =	ssyncset.done $0x0  }
0x70: {  	s13 =	sadd.s32 $0xA0, s12;
	[sflag:s23] =	ssyncadd.s32 $0xFFFFD800  }
0x71: {  	[tilespmem:s0], [sflag:$0x3] =	stream.indirect.gather [hbm4b:s1+s26], $0x80, s13, s26, $0xb8;
	[tilespmem:$0x1E880] =	vst v63  }
0x72: {  	_ =	swait.ge [sflag:s4], $0x2800  }
0x73: {  	[sflag:s4] =	ssyncset.done $0x0  }
0x74: {  	[sflag:s4] =	ssyncadd.s32 $0xFFFFD800  }
0x75: {  	v2 =	vld [tilespmem:s12+$0x850];
	_ =	sdelay $0x6  }
0x76: {  	[tilespmem:$0x1000] =	vst v2  }
0x77: {  	[tilespmem:v2+s31+$0x0] =	vst.idx.add.f32.msk $0xffff, v1  }
0x78: {  	v2 =	vld [tilespmem:s12+$0x860];
	_ =	sdelay $0x6  }
0x79: {  	[tilespmem:$0x1010] =	vst v2  }
0x7a: {  	[tilespmem:v2+s31+$0x0] =	vst.idx.add.f32.msk $0xffff, v1  }
0x7b: {  	v2 =	vld [tilespmem:s12+$0x870];
	_ =	sdelay $0x6  }
0x7c: {  	[tilespmem:$0x1020] =	vst v2  }
0x7d: {  	[tilespmem:v2+s31+$0x0] =	vst.idx.add.f32.msk $0xffff, v1  }
0x7e: {  	v2 =	vld [tilespmem:s12+$0x880];
	_ =	sdelay $0x6  }
0x7f: {  	[tilespmem:$0x1030] =	vst v2  }
0x80: {  	[tilespmem:v2+s31+$0x0] =	vst.idx.add.f32.msk $0xffff, v1  }
0x81: {  	v2 =	vld [tilespmem:s12+$0x890];
	_ =	sdelay $0x6  }
0x82: {  	[tilespmem:$0x1040] =	vst v2  }
0x83: {  	[tilespmem:v2+s31+$0x0] =	vst.idx.add.f32.msk $0xffff, v1  }
0x84: {  	[spmem:s3] =	stream.indirect.scatter.add.f32 [tilespmem:s29], [sflag:$0x5], $0x80, s2, s26, $0xb8;
	[tilespmem:$0x1E880] =	vst v63  }
0x85: {  	_ =	swait.ge [sflag:s23], $0x2800  }
0x86: {  	[sflag:s23] =	ssyncset.done $0x0  }
0x87: {  	s13 =	sadd.s32 $0xF0, s12;
	[sflag:s23] =	ssyncadd.s32 $0xFFFFD800  }
0x88: {  	[tilespmem:s28], [sflag:$0x1] =	stream.indirect.gather [hbm4b:s1+s26], $0x80, s13, s26, $0xb8;
	[tilespmem:$0x1E880] =	vst v63  }
0x89: {  	_ =	swait.ge [sflag:s6], $0x2800  }
0x8a: {  	[sflag:s6] =	ssyncset.done $0x0  }
0x8b: {  	[sflag:s6] =	ssyncadd.s32 $0xFFFFD800  }
0x8c: {  	v2 =	vld [tilespmem:s12+$0x8A0];
	_ =	sdelay $0x6  }
0x8d: {  	[tilespmem:$0x1000] =	vst v2  }
0x8e: {  	[tilespmem:v2+s31+$0x0] =	vst.idx.add.f32.msk $0xffff, v1  }
0x8f: {  	v2 =	vld [tilespmem:s12+$0x8B0];
	_ =	sdelay $0x6  }
0x90: {  	[tilespmem:$0x1010] =	vst v2  }
0x91: {  	[tilespmem:v2+s31+$0x0] =	vst.idx.add.f32.msk $0xffff, v1  }
0x92: {  	v2 =	vld [tilespmem:s12+$0x8C0];
	_ =	sdelay $0x6  }
0x93: {  	[tilespmem:$0x1020] =	vst v2  }
0x94: {  	[tilespmem:v2+s31+$0x0] =	vst.idx.add.f32.msk $0xffff, v1  }
0x95: {  	v2 =	vld [tilespmem:s12+$0x8D0];
	_ =	sdelay $0x6  }
0x96: {  	[tilespmem:$0x1030] =	vst v2  }
0x97: {  	[tilespmem:v2+s31+$0x0] =	vst.idx.add.f32.msk $0xffff, v1  }
0x98: {  	v2 =	vld [tilespmem:s12+$0x8E0];
	_ =	sdelay $0x6  }
0x99: {  	p1 =	seq.s32 s11, $0x1A40;
	[tilespmem:$0x1040] =	vst v2  }
.Ltmp3:
0x9a: {  	[tilespmem:v2+s31+$0x0] =	vst.idx.add.f32.msk $0xffff, v1;
	(pc) =	sbr.rel @p1 .LBB2_6-.Ltmp3, $4  }
0x9b: {  	[spmem:s3] =	stream.indirect.scatter.add.f32 [tilespmem:s0], [sflag:$0x5], $0x80, s2, s26, $0xb8;
	[tilespmem:$0x1E880] =	vst v63  }
0x9c: {  	_ =	swait.ge [sflag:s23], $0x2800  }
0x9d: {  	[sflag:s23] =	ssyncset.done $0x0  }
0x9e: {  	[sflag:s23] =	ssyncadd.s32 $0xFFFFD800  }
.Ltmp4:
0x9f: {  	(pc) =	sbr.rel .LBB2_4-.Ltmp4, $3  }
0xa0: {  	_ =	sdelay $0x1  }
0xa1: {  	s12 =	sadd.s32 $0x140, s12;
	s11 =	sadd.s32 $0x3C0, s11  }
0xa2: {  	[tilespmem:s29], [sflag:$0x2] =	stream.indirect.gather [hbm4b:s1+s26], $0x80, s12, s26, $0xb8;
	[tilespmem:$0x1E880] =	vst v63  }
.LBB2_6:
0xa3: {  	_ =	swait.ge [sflag:s30], $0x2800  }
0xa4: {  	[sflag:s30] =	ssyncset.done $0x0  }
0xa5: {  	[sflag:s30] =	ssyncadd.s32 $0xFFFFD800  }
0xa6: {  	v2 =	vld [tilespmem:$0xF80];
	_ =	sdelay $0x6  }
0xa7: {  	[tilespmem:$0x1000] =	vst v2  }
0xa8: {  	[tilespmem:v2+s31+$0x0] =	vst.idx.add.f32.msk $0xffff, v1  }
0xa9: {  	v2 =	vld [tilespmem:$0xF90];
	_ =	sdelay $0x6  }
0xaa: {  	[tilespmem:$0x1010] =	vst v2  }
0xab: {  	[tilespmem:v2+s31+$0x0] =	vst.idx.add.f32.msk $0xffff, v1  }
0xac: {  	v2 =	vld [tilespmem:$0xFA0];
	_ =	sdelay $0x6  }
0xad: {  	[tilespmem:$0x1020] =	vst v2  }
0xae: {  	[tilespmem:v2+s31+$0x0] =	vst.idx.add.f32.msk $0xffff, v1  }
0xaf: {  	v2 =	vld [tilespmem:$0xFB0];
	_ =	sdelay $0x6  }
0xb0: {  	[tilespmem:$0x1030] =	vst v2  }
0xb1: {  	[tilespmem:v2+s31+$0x0] =	vst.idx.add.f32.msk $0xffff, v1  }
0xb2: {  	v2 =	vld [tilespmem:$0xFC0];
	_ =	sdelay $0x6  }
0xb3: {  	[tilespmem:$0x1040] =	vst v2  }
0xb4: {  	[tilespmem:v2+s31+$0x0] =	vst.idx.add.f32.msk $0xffff, v1  }
0xb5: {  	[spmem:s3] =	stream.indirect.scatter.add.f32 [tilespmem:s28], [sflag:$0x5], $0x80, s2, s26, $0xb8;
	[tilespmem:$0x1E880] =	vst v63  }
0xb6: {  	_ =	swait.ge [sflag:s23], $0x2800  }
0xb7: {  	[sflag:s23] =	ssyncset.done $0x0  }
0xb8: {  	s11 =	simm.s32 $0x0;
	s12 =	rddreg [dreg:$0x9];
	[sflag:s23] =	ssyncadd.s32 $0xFFFFD800  }
0xb9: {  	[tilespmem:s11], [sflag:$0x4] =	stream.linear.gather [hbm4b:s12+s11], $0x7D0, $0x38;
	[tilespmem:$0x1E880] =	vst v63  }
0xba: {  	s13 =	rddreg [dreg:$0xa]  }
0xbb: {  	[tilespmem:s24], [sflag:$0x4] =	stream.linear.gather [hbm4b:s13+s11], $0x7D0, $0x38;
	[tilespmem:$0x1E880] =	vst v63  }
0xbc: {  	_ =	swait.ge [sflag:s25], $0x7D0  }
0xbd: {  	[sflag:s25] =	ssyncset.done $0x0  }
0xbe: {  	[sflag:s25] =	ssyncadd.s32 $0xFFFFF830  }
0xbf: {  	_ =	swait.ge [sflag:s25], $0x7D0  }
0xc0: {  	[sflag:s25] =	ssyncset.done $0x0  }
0xc1: {  	[sflag:s25] =	ssyncadd.s32 $0xFFFFF830  }
0xc2: {  	[tilespmem:s29], [sflag:$0x2] =	stream.indirect.gather [hbm4b:s1+s26], $0x80, s11, s26, $0xb8;
	[tilespmem:$0x1E880] =	vst v63  }
0xc3: {  	_ = 	snop  }
0xc4: {  	[tilespmem:s0], [sflag:$0x3] =	stream.indirect.gather [hbm4b:s1+s26], $0x80, s26, s26, $0xb8;
	[tilespmem:$0x1E880] =	vst v63  }
.LBB2_7:
0xc5: {  	_ =	swait.ge [sflag:s4], $0x2800  }
0xc6: {  	[sflag:s4] =	ssyncset.done $0x0  }
0xc7: {  	s12 =	sshra.s32 s11, $0x2;
	[sflag:s4] =	ssyncadd.s32 $0xFFFFD800  }
0xc8: {  	v2 =	vld [tilespmem:s12+$0x800];
	_ =	sdelay $0x6  }
0xc9: {  	[tilespmem:$0x1000] =	vst v2  }
0xca: {  	[tilespmem:v2+s31+$0x0] =	vst.idx.add.f32.msk $0xffff, v1  }
0xcb: {  	v2 =	vld [tilespmem:s12+$0x810];
	_ =	sdelay $0x6  }
0xcc: {  	[tilespmem:$0x1010] =	vst v2  }
0xcd: {  	[tilespmem:v2+s31+$0x0] =	vst.idx.add.f32.msk $0xffff, v1  }
0xce: {  	v2 =	vld [tilespmem:s12+$0x820];
	_ =	sdelay $0x6  }
0xcf: {  	[tilespmem:$0x1020] =	vst v2  }
0xd0: {  	[tilespmem:v2+s31+$0x0] =	vst.idx.add.f32.msk $0xffff, v1  }
0xd1: {  	v2 =	vld [tilespmem:s12+$0x830];
	_ =	sdelay $0x6  }
0xd2: {  	[tilespmem:$0x1030] =	vst v2  }
0xd3: {  	[tilespmem:v2+s31+$0x0] =	vst.idx.add.f32.msk $0xffff, v1  }
0xd4: {  	v2 =	vld [tilespmem:s12+$0x840];
	_ =	sdelay $0x6  }
0xd5: {  	[tilespmem:$0x1040] =	vst v2  }
0xd6: {  	[tilespmem:v2+s31+$0x0] =	vst.idx.add.f32.msk $0xffff, v1  }
0xd7: {  	[spmem:s3] =	stream.indirect.scatter.add.f32 [tilespmem:s29], [sflag:$0x5], $0x80, s2, s26, $0xb8;
	[tilespmem:$0x1E880] =	vst v63  }
0xd8: {  	_ =	swait.ge [sflag:s23], $0x2800  }
0xd9: {  	[sflag:s23] =	ssyncset.done $0x0  }
0xda: {  	s13 =	sadd.s32 $0xA0, s12;
	[sflag:s23] =	ssyncadd.s32 $0xFFFFD800  }
0xdb: {  	[tilespmem:s28], [sflag:$0x1] =	stream.indirect.gather [hbm4b:s1+s26], $0x80, s13, s26, $0xb8;
	[tilespmem:$0x1E880] =	vst v63  }
0xdc: {  	_ =	swait.ge [sflag:s6], $0x2800  }
0xdd: {  	[sflag:s6] =	ssyncset.done $0x0  }
0xde: {  	[sflag:s6] =	ssyncadd.s32 $0xFFFFD800  }
0xdf: {  	v2 =	vld [tilespmem:s12+$0x850];
	_ =	sdelay $0x6  }
0xe0: {  	[tilespmem:$0x1000] =	vst v2  }
0xe1: {  	[tilespmem:v2+s31+$0x0] =	vst.idx.add.f32.msk $0xffff, v1  }
0xe2: {  	v2 =	vld [tilespmem:s12+$0x860];
	_ =	sdelay $0x6  }
0xe3: {  	[tilespmem:$0x1010] =	vst v2  }
0xe4: {  	[tilespmem:v2+s31+$0x0] =	vst.idx.add.f32.msk $0xffff, v1  }
0xe5: {  	v2 =	vld [tilespmem:s12+$0x870];
	_ =	sdelay $0x6  }
0xe6: {  	[tilespmem:$0x1020] =	vst v2  }
0xe7: {  	[tilespmem:v2+s31+$0x0] =	vst.idx.add.f32.msk $0xffff, v1  }
0xe8: {  	v2 =	vld [tilespmem:s12+$0x880];
	_ =	sdelay $0x6  }
0xe9: {  	[tilespmem:$0x1030] =	vst v2  }
0xea: {  	[tilespmem:v2+s31+$0x0] =	vst.idx.add.f32.msk $0xffff, v1  }
0xeb: {  	v2 =	vld [tilespmem:s12+$0x890];
	_ =	sdelay $0x6  }
0xec: {  	[tilespmem:$0x1040] =	vst v2  }
0xed: {  	[tilespmem:v2+s31+$0x0] =	vst.idx.add.f32.msk $0xffff, v1  }
0xee: {  	[spmem:s3] =	stream.indirect.scatter.add.f32 [tilespmem:s0], [sflag:$0x5], $0x80, s2, s26, $0xb8;
	[tilespmem:$0x1E880] =	vst v63  }
0xef: {  	_ =	swait.ge [sflag:s23], $0x2800  }
0xf0: {  	[sflag:s23] =	ssyncset.done $0x0  }
0xf1: {  	s13 =	sadd.s32 $0xF0, s12;
	[sflag:s23] =	ssyncadd.s32 $0xFFFFD800  }
0xf2: {  	[tilespmem:s29], [sflag:$0x2] =	stream.indirect.gather [hbm4b:s1+s26], $0x80, s13, s26, $0xb8;
	[tilespmem:$0x1E880] =	vst v63  }
0xf3: {  	_ =	swait.ge [sflag:s30], $0x2800  }
0xf4: {  	[sflag:s30] =	ssyncset.done $0x0  }
0xf5: {  	[sflag:s30] =	ssyncadd.s32 $0xFFFFD800  }
0xf6: {  	v2 =	vld [tilespmem:s12+$0x8A0];
	_ =	sdelay $0x6  }
0xf7: {  	[tilespmem:$0x1000] =	vst v2  }
0xf8: {  	[tilespmem:v2+s31+$0x0] =	vst.idx.add.f32.msk $0xffff, v1  }
0xf9: {  	v2 =	vld [tilespmem:s12+$0x8B0];
	_ =	sdelay $0x6  }
0xfa: {  	[tilespmem:$0x1010] =	vst v2  }
0xfb: {  	[tilespmem:v2+s31+$0x0] =	vst.idx.add.f32.msk $0xffff, v1  }
0xfc: {  	v2 =	vld [tilespmem:s12+$0x8C0];
	_ =	sdelay $0x6  }
0xfd: {  	[tilespmem:$0x1020] =	vst v2  }
0xfe: {  	[tilespmem:v2+s31+$0x0] =	vst.idx.add.f32.msk $0xffff, v1  }
0xff: {  	v2 =	vld [tilespmem:s12+$0x8D0];
	_ =	sdelay $0x6  }
0x100: {  	[tilespmem:$0x1030] =	vst v2  }
0x101: {  	[tilespmem:v2+s31+$0x0] =	vst.idx.add.f32.msk $0xffff, v1  }
0x102: {  	v2 =	vld [tilespmem:s12+$0x8E0];
	_ =	sdelay $0x6  }
0x103: {  	p1 =	seq.s32 s11, $0x1A40;
	[tilespmem:$0x1040] =	vst v2  }
.Ltmp5:
0x104: {  	[tilespmem:v2+s31+$0x0] =	vst.idx.add.f32.msk $0xffff, v1;
	(pc) =	sbr.rel @p1 .LBB2_9-.Ltmp5, $4  }
0x105: {  	[spmem:s3] =	stream.indirect.scatter.add.f32 [tilespmem:s28], [sflag:$0x5], $0x80, s2, s26, $0xb8;
	[tilespmem:$0x1E880] =	vst v63  }
0x106: {  	_ =	swait.ge [sflag:s23], $0x2800  }
0x107: {  	[sflag:s23] =	ssyncset.done $0x0  }
0x108: {  	[sflag:s23] =	ssyncadd.s32 $0xFFFFD800  }
.Ltmp6:
0x109: {  	(pc) =	sbr.rel .LBB2_7-.Ltmp6, $3  }
0x10a: {  	_ =	sdelay $0x1  }
0x10b: {  	s12 =	sadd.s32 $0x140, s12;
	s11 =	sadd.s32 $0x3C0, s11  }
0x10c: {  	[tilespmem:s0], [sflag:$0x3] =	stream.indirect.gather [hbm4b:s1+s26], $0x80, s12, s26, $0xb8;
	[tilespmem:$0x1E880] =	vst v63  }
.LBB2_9:
0x10d: {  	_ =	swait.ge [sflag:s4], $0x2800  }
0x10e: {  	[sflag:s4] =	ssyncset.done $0x0  }
0x10f: {  	[sflag:s4] =	ssyncadd.s32 $0xFFFFD800  }
0x110: {  	v2 =	vld [tilespmem:$0xF80];
	_ =	sdelay $0x6  }
0x111: {  	[tilespmem:$0x1000] =	vst v2  }
0x112: {  	[tilespmem:v2+s31+$0x0] =	vst.idx.add.f32.msk $0xffff, v1  }
0x113: {  	v2 =	vld [tilespmem:$0xF90];
	_ =	sdelay $0x6  }
0x114: {  	[tilespmem:$0x1010] =	vst v2  }
0x115: {  	[tilespmem:v2+s31+$0x0] =	vst.idx.add.f32.msk $0xffff, v1  }
0x116: {  	v2 =	vld [tilespmem:$0xFA0];
	_ =	sdelay $0x6  }
0x117: {  	[tilespmem:$0x1020] =	vst v2  }
0x118: {  	[tilespmem:v2+s31+$0x0] =	vst.idx.add.f32.msk $0xffff, v1  }
0x119: {  	v2 =	vld [tilespmem:$0xFB0];
	_ =	sdelay $0x6  }
0x11a: {  	[tilespmem:$0x1030] =	vst v2  }
0x11b: {  	[tilespmem:v2+s31+$0x0] =	vst.idx.add.f32.msk $0xffff, v1  }
0x11c: {  	v2 =	vld [tilespmem:$0xFC0];
	_ =	sdelay $0x6  }
0x11d: {  	[tilespmem:$0x1040] =	vst v2  }
0x11e: {  	[tilespmem:v2+s31+$0x0] =	vst.idx.add.f32.msk $0xffff, v1  }
0x11f: {  	[spmem:s3] =	stream.indirect.scatter.add.f32 [tilespmem:s29], [sflag:$0x5], $0x80, s2, s26, $0xb8;
	[tilespmem:$0x1E880] =	vst v63  }
0x120: {  	_ =	swait.ge [sflag:s23], $0x2800  }
0x121: {  	[sflag:s23] =	ssyncset.done $0x0  }
0x122: {  	s11 =	simm.s32 $0x0;
	s12 =	rddreg [dreg:$0xb];
	[sflag:s23] =	ssyncadd.s32 $0xFFFFD800  }
0x123: {  	[tilespmem:s11], [sflag:$0x4] =	stream.linear.gather [hbm4b:s12+s11], $0x7D0, $0x38;
	[tilespmem:$0x1E880] =	vst v63  }
0x124: {  	_ = 	snop  }
0x125: {  	[tilespmem:s24], [sflag:$0x4] =	stream.linear.gather [hbm4b:s14+s11], $0x7D0, $0x38;
	[tilespmem:$0x1E880] =	vst v63  }
0x126: {  	_ =	swait.ge [sflag:s25], $0x7D0  }
0x127: {  	[sflag:s25] =	ssyncset.done $0x0  }
0x128: {  	[sflag:s25] =	ssyncadd.s32 $0xFFFFF830  }
0x129: {  	_ =	swait.ge [sflag:s25], $0x7D0  }
0x12a: {  	[sflag:s25] =	ssyncset.done $0x0  }
0x12b: {  	[sflag:s25] =	ssyncadd.s32 $0xFFFFF830  }
0x12c: {  	[tilespmem:s0], [sflag:$0x3] =	stream.indirect.gather [hbm4b:s1+s26], $0x80, s11, s26, $0xb8;
	[tilespmem:$0x1E880] =	vst v63  }
0x12d: {  	_ = 	snop  }
0x12e: {  	[tilespmem:s28], [sflag:$0x1] =	stream.indirect.gather [hbm4b:s1+s26], $0x80, s26, s26, $0xb8;
	[tilespmem:$0x1E880] =	vst v63  }
.LBB2_10:
0x12f: {  	_ =	swait.ge [sflag:s6], $0x2800  }
0x130: {  	[sflag:s6] =	ssyncset.done $0x0  }
0x131: {  	s12 =	sshra.s32 s11, $0x2;
	[sflag:s6] =	ssyncadd.s32 $0xFFFFD800  }
0x132: {  	v2 =	vld [tilespmem:s12+$0x800];
	_ =	sdelay $0x6  }
0x133: {  	[tilespmem:$0x1000] =	vst v2  }
0x134: {  	[tilespmem:v2+s31+$0x0] =	vst.idx.add.f32.msk $0xffff, v1  }
0x135: {  	v2 =	vld [tilespmem:s12+$0x810];
	_ =	sdelay $0x6  }
0x136: {  	[tilespmem:$0x1010] =	vst v2  }
0x137: {  	[tilespmem:v2+s31+$0x0] =	vst.idx.add.f32.msk $0xffff, v1  }
0x138: {  	v2 =	vld [tilespmem:s12+$0x820];
	_ =	sdelay $0x6  }
0x139: {  	[tilespmem:$0x1020] =	vst v2  }
0x13a: {  	[tilespmem:v2+s31+$0x0] =	vst.idx.add.f32.msk $0xffff, v1  }
0x13b: {  	v2 =	vld [tilespmem:s12+$0x830];
	_ =	sdelay $0x6  }
0x13c: {  	[tilespmem:$0x1030] =	vst v2  }
0x13d: {  	[tilespmem:v2+s31+$0x0] =	vst.idx.add.f32.msk $0xffff, v1  }
0x13e: {  	v2 =	vld [tilespmem:s12+$0x840];
	_ =	sdelay $0x6  }
0x13f: {  	[tilespmem:$0x1040] =	vst v2  }
0x140: {  	[tilespmem:v2+s31+$0x0] =	vst.idx.add.f32.msk $0xffff, v1  }
0x141: {  	[spmem:s3] =	stream.indirect.scatter.add.f32 [tilespmem:s0], [sflag:$0x5], $0x80, s2, s26, $0xb8;
	[tilespmem:$0x1E880] =	vst v63  }
0x142: {  	_ =	swait.ge [sflag:s23], $0x2800  }
0x143: {  	[sflag:s23] =	ssyncset.done $0x0  }
0x144: {  	s13 =	sadd.s32 $0xA0, s12;
	[sflag:s23] =	ssyncadd.s32 $0xFFFFD800  }
0x145: {  	[tilespmem:s29], [sflag:$0x2] =	stream.indirect.gather [hbm4b:s1+s26], $0x80, s13, s26, $0xb8;
	[tilespmem:$0x1E880] =	vst v63  }
0x146: {  	_ =	swait.ge [sflag:s30], $0x2800  }
0x147: {  	[sflag:s30] =	ssyncset.done $0x0  }
0x148: {  	[sflag:s30] =	ssyncadd.s32 $0xFFFFD800  }
0x149: {  	v2 =	vld [tilespmem:s12+$0x850];
	_ =	sdelay $0x6  }
0x14a: {  	[tilespmem:$0x1000] =	vst v2  }
0x14b: {  	[tilespmem:v2+s31+$0x0] =	vst.idx.add.f32.msk $0xffff, v1  }
0x14c: {  	v2 =	vld [tilespmem:s12+$0x860];
	_ =	sdelay $0x6  }
0x14d: {  	[tilespmem:$0x1010] =	vst v2  }
0x14e: {  	[tilespmem:v2+s31+$0x0] =	vst.idx.add.f32.msk $0xffff, v1  }
0x14f: {  	v2 =	vld [tilespmem:s12+$0x870];
	_ =	sdelay $0x6  }
0x150: {  	[tilespmem:$0x1020] =	vst v2  }
0x151: {  	[tilespmem:v2+s31+$0x0] =	vst.idx.add.f32.msk $0xffff, v1  }
0x152: {  	v2 =	vld [tilespmem:s12+$0x880];
	_ =	sdelay $0x6  }
0x153: {  	[tilespmem:$0x1030] =	vst v2  }
0x154: {  	[tilespmem:v2+s31+$0x0] =	vst.idx.add.f32.msk $0xffff, v1  }
0x155: {  	v2 =	vld [tilespmem:s12+$0x890];
	_ =	sdelay $0x6  }
0x156: {  	[tilespmem:$0x1040] =	vst v2  }
0x157: {  	[tilespmem:v2+s31+$0x0] =	vst.idx.add.f32.msk $0xffff, v1  }
0x158: {  	[spmem:s3] =	stream.indirect.scatter.add.f32 [tilespmem:s28], [sflag:$0x5], $0x80, s2, s26, $0xb8;
	[tilespmem:$0x1E880] =	vst v63  }
0x159: {  	_ =	swait.ge [sflag:s23], $0x2800  }
0x15a: {  	[sflag:s23] =	ssyncset.done $0x0  }
0x15b: {  	s13 =	sadd.s32 $0xF0, s12;
	[sflag:s23] =	ssyncadd.s32 $0xFFFFD800  }
0x15c: {  	[tilespmem:s0], [sflag:$0x3] =	stream.indirect.gather [hbm4b:s1+s26], $0x80, s13, s26, $0xb8;
	[tilespmem:$0x1E880] =	vst v63  }
0x15d: {  	_ =	swait.ge [sflag:s4], $0x2800  }
0x15e: {  	[sflag:s4] =	ssyncset.done $0x0  }
0x15f: {  	[sflag:s4] =	ssyncadd.s32 $0xFFFFD800  }
0x160: {  	v2 =	vld [tilespmem:s12+$0x8A0];
	_ =	sdelay $0x6  }
0x161: {  	[tilespmem:$0x1000] =	vst v2  }
0x162: {  	[tilespmem:v2+s31+$0x0] =	vst.idx.add.f32.msk $0xffff, v1  }
0x163: {  	v2 =	vld [tilespmem:s12+$0x8B0];
	_ =	sdelay $0x6  }
0x164: {  	[tilespmem:$0x1010] =	vst v2  }
0x165: {  	[tilespmem:v2+s31+$0x0] =	vst.idx.add.f32.msk $0xffff, v1  }
0x166: {  	v2 =	vld [tilespmem:s12+$0x8C0];
	_ =	sdelay $0x6  }
0x167: {  	[tilespmem:$0x1020] =	vst v2  }
0x168: {  	[tilespmem:v2+s31+$0x0] =	vst.idx.add.f32.msk $0xffff, v1  }
0x169: {  	v2 =	vld [tilespmem:s12+$0x8D0];
	_ =	sdelay $0x6  }
0x16a: {  	[tilespmem:$0x1030] =	vst v2  }
0x16b: {  	[tilespmem:v2+s31+$0x0] =	vst.idx.add.f32.msk $0xffff, v1  }
0x16c: {  	v2 =	vld [tilespmem:s12+$0x8E0];
	_ =	sdelay $0x6  }
0x16d: {  	p1 =	seq.s32 s11, $0x1A40;
	[tilespmem:$0x1040] =	vst v2  }
.Ltmp7:
0x16e: {  	[tilespmem:v2+s31+$0x0] =	vst.idx.add.f32.msk $0xffff, v1;
	(pc) =	sbr.rel @p1 .LBB2_12-.Ltmp7, $4  }
0x16f: {  	[spmem:s3] =	stream.indirect.scatter.add.f32 [tilespmem:s29], [sflag:$0x5], $0x80, s2, s26, $0xb8;
	[tilespmem:$0x1E880] =	vst v63  }
0x170: {  	_ =	swait.ge [sflag:s23], $0x2800  }
0x171: {  	[sflag:s23] =	ssyncset.done $0x0  }
0x172: {  	[sflag:s23] =	ssyncadd.s32 $0xFFFFD800  }
.Ltmp8:
0x173: {  	(pc) =	sbr.rel .LBB2_10-.Ltmp8, $3  }
0x174: {  	_ =	sdelay $0x1  }
0x175: {  	s12 =	sadd.s32 $0x140, s12;
	s11 =	sadd.s32 $0x3C0, s11  }
0x176: {  	[tilespmem:s28], [sflag:$0x1] =	stream.indirect.gather [hbm4b:s1+s26], $0x80, s12, s26, $0xb8;
	[tilespmem:$0x1E880] =	vst v63  }
.LBB2_12:
0x177: {  	_ =	swait.ge [sflag:s6], $0x2800  }
0x178: {  	[sflag:s6] =	ssyncset.done $0x0  }
0x179: {  	[sflag:s6] =	ssyncadd.s32 $0xFFFFD800  }
0x17a: {  	v2 =	vld [tilespmem:$0xF80];
	_ =	sdelay $0x6  }
0x17b: {  	[tilespmem:$0x1000] =	vst v2  }
0x17c: {  	[tilespmem:v2+s31+$0x0] =	vst.idx.add.f32.msk $0xffff, v1  }
0x17d: {  	v2 =	vld [tilespmem:$0xF90];
	_ =	sdelay $0x6  }
0x17e: {  	[tilespmem:$0x1010] =	vst v2  }
0x17f: {  	[tilespmem:v2+s31+$0x0] =	vst.idx.add.f32.msk $0xffff, v1  }
0x180: {  	v2 =	vld [tilespmem:$0xFA0];
	_ =	sdelay $0x6  }
0x181: {  	[tilespmem:$0x1020] =	vst v2  }
0x182: {  	[tilespmem:v2+s31+$0x0] =	vst.idx.add.f32.msk $0xffff, v1  }
0x183: {  	v2 =	vld [tilespmem:$0xFB0];
	_ =	sdelay $0x6  }
0x184: {  	[tilespmem:$0x1030] =	vst v2  }
0x185: {  	[tilespmem:v2+s31+$0x0] =	vst.idx.add.f32.msk $0xffff, v1  }
0x186: {  	v2 =	vld [tilespmem:$0xFC0];
	_ =	sdelay $0x6  }
0x187: {  	[tilespmem:$0x1040] =	vst v2  }
0x188: {  	[tilespmem:v2+s31+$0x0] =	vst.idx.add.f32.msk $0xffff, v1  }
0x189: {  	[spmem:s3] =	stream.indirect.scatter.add.f32 [tilespmem:s0], [sflag:$0x5], $0x80, s2, s26, $0xb8;
	[tilespmem:$0x1E880] =	vst v63  }
0x18a: {  	_ =	swait.ge [sflag:s23], $0x2800  }
0x18b: {  	[sflag:s23] =	ssyncset.done $0x0  }
0x18c: {  	s11 =	simm.s32 $0x0;
	[sflag:s23] =	ssyncadd.s32 $0xFFFFD800  }
0x18d: {  	[tilespmem:s11], [sflag:$0x4] =	stream.linear.gather [hbm4b:s15+s11], $0x7D0, $0x38;
	[tilespmem:$0x1E880] =	vst v63  }
0x18e: {  	_ = 	snop  }
0x18f: {  	[tilespmem:s24], [sflag:$0x4] =	stream.linear.gather [hbm4b:s16+s11], $0x7D0, $0x38;
	[tilespmem:$0x1E880] =	vst v63  }
0x190: {  	_ =	swait.ge [sflag:s25], $0x7D0  }
0x191: {  	[sflag:s25] =	ssyncset.done $0x0  }
0x192: {  	[sflag:s25] =	ssyncadd.s32 $0xFFFFF830  }
0x193: {  	_ =	swait.ge [sflag:s25], $0x7D0  }
0x194: {  	[sflag:s25] =	ssyncset.done $0x0  }
0x195: {  	[sflag:s25] =	ssyncadd.s32 $0xFFFFF830  }
0x196: {  	[tilespmem:s28], [sflag:$0x1] =	stream.indirect.gather [hbm4b:s1+s26], $0x80, s11, s26, $0xb8;
	[tilespmem:$0x1E880] =	vst v63  }
0x197: {  	_ = 	snop  }
0x198: {  	[tilespmem:s29], [sflag:$0x2] =	stream.indirect.gather [hbm4b:s1+s26], $0x80, s26, s26, $0xb8;
	[tilespmem:$0x1E880] =	vst v63  }
.LBB2_13:
0x199: {  	_ =	swait.ge [sflag:s30], $0x2800  }
0x19a: {  	[sflag:s30] =	ssyncset.done $0x0  }
0x19b: {  	s12 =	sshra.s32 s11, $0x2;
	[sflag:s30] =	ssyncadd.s32 $0xFFFFD800  }
0x19c: {  	v2 =	vld [tilespmem:s12+$0x800];
	_ =	sdelay $0x6  }
0x19d: {  	[tilespmem:$0x1000] =	vst v2  }
0x19e: {  	[tilespmem:v2+s31+$0x0] =	vst.idx.add.f32.msk $0xffff, v1  }
0x19f: {  	v2 =	vld [tilespmem:s12+$0x810];
	_ =	sdelay $0x6  }
0x1a0: {  	[tilespmem:$0x1010] =	vst v2  }
0x1a1: {  	[tilespmem:v2+s31+$0x0] =	vst.idx.add.f32.msk $0xffff, v1  }
0x1a2: {  	v2 =	vld [tilespmem:s12+$0x820];
	_ =	sdelay $0x6  }
0x1a3: {  	[tilespmem:$0x1020] =	vst v2  }
0x1a4: {  	[tilespmem:v2+s31+$0x0] =	vst.idx.add.f32.msk $0xffff, v1  }
0x1a5: {  	v2 =	vld [tilespmem:s12+$0x830];
	_ =	sdelay $0x6  }
0x1a6: {  	[tilespmem:$0x1030] =	vst v2  }
0x1a7: {  	[tilespmem:v2+s31+$0x0] =	vst.idx.add.f32.msk $0xffff, v1  }
0x1a8: {  	v2 =	vld [tilespmem:s12+$0x840];
	_ =	sdelay $0x6  }
0x1a9: {  	[tilespmem:$0x1040] =	vst v2  }
0x1aa: {  	[tilespmem:v2+s31+$0x0] =	vst.idx.add.f32.msk $0xffff, v1  }
0x1ab: {  	[spmem:s3] =	stream.indirect.scatter.add.f32 [tilespmem:s28], [sflag:$0x5], $0x80, s2, s26, $0xb8;
	[tilespmem:$0x1E880] =	vst v63  }
0x1ac: {  	_ =	swait.ge [sflag:s23], $0x2800  }
0x1ad: {  	[sflag:s23] =	ssyncset.done $0x0  }
0x1ae: {  	s13 =	sadd.s32 $0xA0, s12;
	[sflag:s23] =	ssyncadd.s32 $0xFFFFD800  }
0x1af: {  	[tilespmem:s0], [sflag:$0x3] =	stream.indirect.gather [hbm4b:s1+s26], $0x80, s13, s26, $0xb8;
	[tilespmem:$0x1E880] =	vst v63  }
0x1b0: {  	_ =	swait.ge [sflag:s4], $0x2800  }
0x1b1: {  	[sflag:s4] =	ssyncset.done $0x0  }
0x1b2: {  	[sflag:s4] =	ssyncadd.s32 $0xFFFFD800  }
0x1b3: {  	v2 =	vld [tilespmem:s12+$0x850];
	_ =	sdelay $0x6  }
0x1b4: {  	[tilespmem:$0x1000] =	vst v2  }
0x1b5: {  	[tilespmem:v2+s31+$0x0] =	vst.idx.add.f32.msk $0xffff, v1  }
0x1b6: {  	v2 =	vld [tilespmem:s12+$0x860];
	_ =	sdelay $0x6  }
0x1b7: {  	[tilespmem:$0x1010] =	vst v2  }
0x1b8: {  	[tilespmem:v2+s31+$0x0] =	vst.idx.add.f32.msk $0xffff, v1  }
0x1b9: {  	v2 =	vld [tilespmem:s12+$0x870];
	_ =	sdelay $0x6  }
0x1ba: {  	[tilespmem:$0x1020] =	vst v2  }
0x1bb: {  	[tilespmem:v2+s31+$0x0] =	vst.idx.add.f32.msk $0xffff, v1  }
0x1bc: {  	v2 =	vld [tilespmem:s12+$0x880];
	_ =	sdelay $0x6  }
0x1bd: {  	[tilespmem:$0x1030] =	vst v2  }
0x1be: {  	[tilespmem:v2+s31+$0x0] =	vst.idx.add.f32.msk $0xffff, v1  }
0x1bf: {  	v2 =	vld [tilespmem:s12+$0x890];
	_ =	sdelay $0x6  }
0x1c0: {  	[tilespmem:$0x1040] =	vst v2  }
0x1c1: {  	[tilespmem:v2+s31+$0x0] =	vst.idx.add.f32.msk $0xffff, v1  }
0x1c2: {  	[spmem:s3] =	stream.indirect.scatter.add.f32 [tilespmem:s29], [sflag:$0x5], $0x80, s2, s26, $0xb8;
	[tilespmem:$0x1E880] =	vst v63  }
0x1c3: {  	_ =	swait.ge [sflag:s23], $0x2800  }
0x1c4: {  	[sflag:s23] =	ssyncset.done $0x0  }
0x1c5: {  	s13 =	sadd.s32 $0xF0, s12;
	[sflag:s23] =	ssyncadd.s32 $0xFFFFD800  }
0x1c6: {  	[tilespmem:s28], [sflag:$0x1] =	stream.indirect.gather [hbm4b:s1+s26], $0x80, s13, s26, $0xb8;
	[tilespmem:$0x1E880] =	vst v63  }
0x1c7: {  	_ =	swait.ge [sflag:s6], $0x2800  }
0x1c8: {  	[sflag:s6] =	ssyncset.done $0x0  }
0x1c9: {  	[sflag:s6] =	ssyncadd.s32 $0xFFFFD800  }
0x1ca: {  	v2 =	vld [tilespmem:s12+$0x8A0];
	_ =	sdelay $0x6  }
0x1cb: {  	[tilespmem:$0x1000] =	vst v2  }
0x1cc: {  	[tilespmem:v2+s31+$0x0] =	vst.idx.add.f32.msk $0xffff, v1  }
0x1cd: {  	v2 =	vld [tilespmem:s12+$0x8B0];
	_ =	sdelay $0x6  }
0x1ce: {  	[tilespmem:$0x1010] =	vst v2  }
0x1cf: {  	[tilespmem:v2+s31+$0x0] =	vst.idx.add.f32.msk $0xffff, v1  }
0x1d0: {  	v2 =	vld [tilespmem:s12+$0x8C0];
	_ =	sdelay $0x6  }
0x1d1: {  	[tilespmem:$0x1020] =	vst v2  }
0x1d2: {  	[tilespmem:v2+s31+$0x0] =	vst.idx.add.f32.msk $0xffff, v1  }
0x1d3: {  	v2 =	vld [tilespmem:s12+$0x8D0];
	_ =	sdelay $0x6  }
0x1d4: {  	[tilespmem:$0x1030] =	vst v2  }
0x1d5: {  	[tilespmem:v2+s31+$0x0] =	vst.idx.add.f32.msk $0xffff, v1  }
0x1d6: {  	v2 =	vld [tilespmem:s12+$0x8E0];
	_ =	sdelay $0x6  }
0x1d7: {  	p1 =	seq.s32 s11, $0x1A40;
	[tilespmem:$0x1040] =	vst v2  }
.Ltmp9:
0x1d8: {  	[tilespmem:v2+s31+$0x0] =	vst.idx.add.f32.msk $0xffff, v1;
	(pc) =	sbr.rel @p1 .LBB2_15-.Ltmp9, $4  }
0x1d9: {  	[spmem:s3] =	stream.indirect.scatter.add.f32 [tilespmem:s0], [sflag:$0x5], $0x80, s2, s26, $0xb8;
	[tilespmem:$0x1E880] =	vst v63  }
0x1da: {  	_ =	swait.ge [sflag:s23], $0x2800  }
0x1db: {  	[sflag:s23] =	ssyncset.done $0x0  }
0x1dc: {  	[sflag:s23] =	ssyncadd.s32 $0xFFFFD800  }
.Ltmp10:
0x1dd: {  	(pc) =	sbr.rel .LBB2_13-.Ltmp10, $3  }
0x1de: {  	_ =	sdelay $0x1  }
0x1df: {  	s12 =	sadd.s32 $0x140, s12;
	s11 =	sadd.s32 $0x3C0, s11  }
0x1e0: {  	[tilespmem:s29], [sflag:$0x2] =	stream.indirect.gather [hbm4b:s1+s26], $0x80, s12, s26, $0xb8;
	[tilespmem:$0x1E880] =	vst v63  }
.LBB2_15:
0x1e1: {  	_ =	swait.ge [sflag:s30], $0x2800  }
0x1e2: {  	[sflag:s30] =	ssyncset.done $0x0  }
0x1e3: {  	[sflag:s30] =	ssyncadd.s32 $0xFFFFD800  }
0x1e4: {  	v2 =	vld [tilespmem:$0xF80];
	_ =	sdelay $0x6  }
0x1e5: {  	[tilespmem:$0x1000] =	vst v2  }
0x1e6: {  	[tilespmem:v2+s31+$0x0] =	vst.idx.add.f32.msk $0xffff, v1  }
0x1e7: {  	v2 =	vld [tilespmem:$0xF90];
	_ =	sdelay $0x6  }
0x1e8: {  	[tilespmem:$0x1010] =	vst v2  }
0x1e9: {  	[tilespmem:v2+s31+$0x0] =	vst.idx.add.f32.msk $0xffff, v1  }
0x1ea: {  	v2 =	vld [tilespmem:$0xFA0];
	_ =	sdelay $0x6  }
0x1eb: {  	[tilespmem:$0x1020] =	vst v2  }
0x1ec: {  	[tilespmem:v2+s31+$0x0] =	vst.idx.add.f32.msk $0xffff, v1  }
0x1ed: {  	v2 =	vld [tilespmem:$0xFB0];
	_ =	sdelay $0x6  }
0x1ee: {  	[tilespmem:$0x1030] =	vst v2  }
0x1ef: {  	[tilespmem:v2+s31+$0x0] =	vst.idx.add.f32.msk $0xffff, v1  }
0x1f0: {  	v2 =	vld [tilespmem:$0xFC0];
	_ =	sdelay $0x6  }
0x1f1: {  	[tilespmem:$0x1040] =	vst v2  }
0x1f2: {  	[tilespmem:v2+s31+$0x0] =	vst.idx.add.f32.msk $0xffff, v1  }
0x1f3: {  	[spmem:s3] =	stream.indirect.scatter.add.f32 [tilespmem:s28], [sflag:$0x5], $0x80, s2, s26, $0xb8;
	[tilespmem:$0x1E880] =	vst v63  }
0x1f4: {  	_ =	swait.ge [sflag:s23], $0x2800  }
0x1f5: {  	[sflag:s23] =	ssyncset.done $0x0  }
0x1f6: {  	s11 =	simm.s32 $0x0;
	[sflag:s23] =	ssyncadd.s32 $0xFFFFD800  }
0x1f7: {  	[tilespmem:s11], [sflag:$0x4] =	stream.linear.gather [hbm4b:s17+s11], $0x7D0, $0x38;
	[tilespmem:$0x1E880] =	vst v63  }
0x1f8: {  	_ = 	snop  }
0x1f9: {  	[tilespmem:s24], [sflag:$0x4] =	stream.linear.gather [hbm4b:s18+s11], $0x7D0, $0x38;
	[tilespmem:$0x1E880] =	vst v63  }
0x1fa: {  	_ =	swait.ge [sflag:s25], $0x7D0  }
0x1fb: {  	[sflag:s25] =	ssyncset.done $0x0  }
0x1fc: {  	[sflag:s25] =	ssyncadd.s32 $0xFFFFF830  }
0x1fd: {  	_ =	swait.ge [sflag:s25], $0x7D0  }
0x1fe: {  	[sflag:s25] =	ssyncset.done $0x0  }
0x1ff: {  	[sflag:s25] =	ssyncadd.s32 $0xFFFFF830  }
0x200: {  	[tilespmem:s29], [sflag:$0x2] =	stream.indirect.gather [hbm4b:s1+s26], $0x80, s11, s26, $0xb8;
	[tilespmem:$0x1E880] =	vst v63  }
0x201: {  	_ = 	snop  }
0x202: {  	[tilespmem:s0], [sflag:$0x3] =	stream.indirect.gather [hbm4b:s1+s26], $0x80, s26, s26, $0xb8;
	[tilespmem:$0x1E880] =	vst v63  }
.LBB2_16:
0x203: {  	_ =	swait.ge [sflag:s4], $0x2800  }
0x204: {  	[sflag:s4] =	ssyncset.done $0x0  }
0x205: {  	s12 =	sshra.s32 s11, $0x2;
	[sflag:s4] =	ssyncadd.s32 $0xFFFFD800  }
0x206: {  	v2 =	vld [tilespmem:s12+$0x800];
	_ =	sdelay $0x6  }
0x207: {  	[tilespmem:$0x1000] =	vst v2  }
0x208: {  	[tilespmem:v2+s31+$0x0] =	vst.idx.add.f32.msk $0xffff, v1  }
0x209: {  	v2 =	vld [tilespmem:s12+$0x810];
	_ =	sdelay $0x6  }
0x20a: {  	[tilespmem:$0x1010] =	vst v2  }
0x20b: {  	[tilespmem:v2+s31+$0x0] =	vst.idx.add.f32.msk $0xffff, v1  }
0x20c: {  	v2 =	vld [tilespmem:s12+$0x820];
	_ =	sdelay $0x6  }
0x20d: {  	[tilespmem:$0x1020] =	vst v2  }
0x20e: {  	[tilespmem:v2+s31+$0x0] =	vst.idx.add.f32.msk $0xffff, v1  }
0x20f: {  	v2 =	vld [tilespmem:s12+$0x830];
	_ =	sdelay $0x6  }
0x210: {  	[tilespmem:$0x1030] =	vst v2  }
0x211: {  	[tilespmem:v2+s31+$0x0] =	vst.idx.add.f32.msk $0xffff, v1  }
0x212: {  	v2 =	vld [tilespmem:s12+$0x840];
	_ =	sdelay $0x6  }
0x213: {  	[tilespmem:$0x1040] =	vst v2  }
0x214: {  	[tilespmem:v2+s31+$0x0] =	vst.idx.add.f32.msk $0xffff, v1  }
0x215: {  	[spmem:s3] =	stream.indirect.scatter.add.f32 [tilespmem:s29], [sflag:$0x5], $0x80, s2, s26, $0xb8;
	[tilespmem:$0x1E880] =	vst v63  }
0x216: {  	_ =	swait.ge [sflag:s23], $0x2800  }
0x217: {  	[sflag:s23] =	ssyncset.done $0x0  }
0x218: {  	s13 =	sadd.s32 $0xA0, s12;
	[sflag:s23] =	ssyncadd.s32 $0xFFFFD800  }
0x219: {  	[tilespmem:s28], [sflag:$0x1] =	stream.indirect.gather [hbm4b:s1+s26], $0x80, s13, s26, $0xb8;
	[tilespmem:$0x1E880] =	vst v63  }
0x21a: {  	_ =	swait.ge [sflag:s6], $0x2800  }
0x21b: {  	[sflag:s6] =	ssyncset.done $0x0  }
0x21c: {  	[sflag:s6] =	ssyncadd.s32 $0xFFFFD800  }
0x21d: {  	v2 =	vld [tilespmem:s12+$0x850];
	_ =	sdelay $0x6  }
0x21e: {  	[tilespmem:$0x1000] =	vst v2  }
0x21f: {  	[tilespmem:v2+s31+$0x0] =	vst.idx.add.f32.msk $0xffff, v1  }
0x220: {  	v2 =	vld [tilespmem:s12+$0x860];
	_ =	sdelay $0x6  }
0x221: {  	[tilespmem:$0x1010] =	vst v2  }
0x222: {  	[tilespmem:v2+s31+$0x0] =	vst.idx.add.f32.msk $0xffff, v1  }
0x223: {  	v2 =	vld [tilespmem:s12+$0x870];
	_ =	sdelay $0x6  }
0x224: {  	[tilespmem:$0x1020] =	vst v2  }
0x225: {  	[tilespmem:v2+s31+$0x0] =	vst.idx.add.f32.msk $0xffff, v1  }
0x226: {  	v2 =	vld [tilespmem:s12+$0x880];
	_ =	sdelay $0x6  }
0x227: {  	[tilespmem:$0x1030] =	vst v2  }
0x228: {  	[tilespmem:v2+s31+$0x0] =	vst.idx.add.f32.msk $0xffff, v1  }
0x229: {  	v2 =	vld [tilespmem:s12+$0x890];
	_ =	sdelay $0x6  }
0x22a: {  	[tilespmem:$0x1040] =	vst v2  }
0x22b: {  	[tilespmem:v2+s31+$0x0] =	vst.idx.add.f32.msk $0xffff, v1  }
0x22c: {  	[spmem:s3] =	stream.indirect.scatter.add.f32 [tilespmem:s0], [sflag:$0x5], $0x80, s2, s26, $0xb8;
	[tilespmem:$0x1E880] =	vst v63  }
0x22d: {  	_ =	swait.ge [sflag:s23], $0x2800  }
0x22e: {  	[sflag:s23] =	ssyncset.done $0x0  }
0x22f: {  	s13 =	sadd.s32 $0xF0, s12;
	[sflag:s23] =	ssyncadd.s32 $0xFFFFD800  }
0x230: {  	[tilespmem:s29], [sflag:$0x2] =	stream.indirect.gather [hbm4b:s1+s26], $0x80, s13, s26, $0xb8;
	[tilespmem:$0x1E880] =	vst v63  }
0x231: {  	_ =	swait.ge [sflag:s30], $0x2800  }
0x232: {  	[sflag:s30] =	ssyncset.done $0x0  }
0x233: {  	[sflag:s30] =	ssyncadd.s32 $0xFFFFD800  }
0x234: {  	v2 =	vld [tilespmem:s12+$0x8A0];
	_ =	sdelay $0x6  }
0x235: {  	[tilespmem:$0x1000] =	vst v2  }
0x236: {  	[tilespmem:v2+s31+$0x0] =	vst.idx.add.f32.msk $0xffff, v1  }
0x237: {  	v2 =	vld [tilespmem:s12+$0x8B0];
	_ =	sdelay $0x6  }
0x238: {  	[tilespmem:$0x1010] =	vst v2  }
0x239: {  	[tilespmem:v2+s31+$0x0] =	vst.idx.add.f32.msk $0xffff, v1  }
0x23a: {  	v2 =	vld [tilespmem:s12+$0x8C0];
	_ =	sdelay $0x6  }
0x23b: {  	[tilespmem:$0x1020] =	vst v2  }
0x23c: {  	[tilespmem:v2+s31+$0x0] =	vst.idx.add.f32.msk $0xffff, v1  }
0x23d: {  	v2 =	vld [tilespmem:s12+$0x8D0];
	_ =	sdelay $0x6  }
0x23e: {  	[tilespmem:$0x1030] =	vst v2  }
0x23f: {  	[tilespmem:v2+s31+$0x0] =	vst.idx.add.f32.msk $0xffff, v1  }
0x240: {  	v2 =	vld [tilespmem:s12+$0x8E0];
	_ =	sdelay $0x6  }
0x241: {  	p1 =	seq.s32 s11, $0x1A40;
	[tilespmem:$0x1040] =	vst v2  }
.Ltmp11:
0x242: {  	[tilespmem:v2+s31+$0x0] =	vst.idx.add.f32.msk $0xffff, v1;
	(pc) =	sbr.rel @p1 .LBB2_18-.Ltmp11, $4  }
0x243: {  	[spmem:s3] =	stream.indirect.scatter.add.f32 [tilespmem:s28], [sflag:$0x5], $0x80, s2, s26, $0xb8;
	[tilespmem:$0x1E880] =	vst v63  }
0x244: {  	_ =	swait.ge [sflag:s23], $0x2800  }
0x245: {  	[sflag:s23] =	ssyncset.done $0x0  }
0x246: {  	[sflag:s23] =	ssyncadd.s32 $0xFFFFD800  }
.Ltmp12:
0x247: {  	(pc) =	sbr.rel .LBB2_16-.Ltmp12, $3  }
0x248: {  	_ =	sdelay $0x1  }
0x249: {  	s12 =	sadd.s32 $0x140, s12;
	s11 =	sadd.s32 $0x3C0, s11  }
0x24a: {  	[tilespmem:s0], [sflag:$0x3] =	stream.indirect.gather [hbm4b:s1+s26], $0x80, s12, s26, $0xb8;
	[tilespmem:$0x1E880] =	vst v63  }
.LBB2_19:
0x24b: {  	_ =	sfence.sel $0x180000  }
0x24c: {  	[bflag:$0x0] =	sbarrier.arrive $0xFFFF  }
0x24d: {  	_ =	strace $0x90000047  }
0x24e: {  	s0 =	stileid.u32;
	[bflag:$0x2] =	sbarrier.arrive $0xFFFF  }
0x24f: {  	p0 =	sne.s32 s0, $0x0;
	s0 =	rddreg [dreg:$0x4]  }
0x250: {  	s0 =	sadd.s32 @!p0 $0x100000, s0  }
0x251: {  	[sflag:s0] =	ssyncadd.tile.s32 @!p0 $0x1;
	_ =	shalt  }
.Lfunc_end2:
_tile_overlayer_lowered:
.L_overlay_start_2:
0x252: {  	(tag) =	ssettag $0x2  }
0x253: {  	s0 =	rddreg [dreg:$0x0];
	s2 =	stileid.u32  }
0x254: {  	s1 =	rddreg [dreg:$0x1];
	p0 =	sne.s32 s2, $0x0  }
0x255: {  	s3 =	rddreg [dreg:$0x2];
	[bflag:$0x3] =	sbarrier.arrive $0xFFFF;
	s2 =	simm.s32 @!p0 $0x1C05  }
0x256: {  	[timem:s3], [sflag:s2] =	dma.local @!p0 [hbm:s0], s1  }
0x257: {  	s0 =	simm.s32 @!p0 $0x5  }
0x258: {  	_ =	swait.ge @!p0 [sflag:s0], s1  }
0x259: {  	s1 =	ssub.s32 @!p0 $0x0, s1;
	[sflag:s0] =	ssyncset.done @!p0 $0x0  }
0x25a: {  	[sflag:s0] =	ssyncadd.s32 @!p0 s1  }
0x25b: {  	[bflag:$0x3] =	sbarrier.arrive $0xFFFF  }
0x25c: {  	_ =	shalt  }

</sc_bundles>
